<compile_context>
chip_gen: v7x
topology: tpu7x:2x2x1
jax: 0.10.2.dev20260603
libtpu: 0.0.44.dev20260713+nightly
codegen_flags: <defaults>
</compile_context>

<pallas_src>
import functools

import jax
import jax.numpy as jnp
from jax import lax
from jax.experimental import pallas as pl
from jax.experimental.pallas import tpu as pltpu
from jax.experimental.pallas import tpu_sc as plsc

N_NODES = 10000
N_EDGES = 160000
NUM_FEAT = 128
DIM = 32
NUM_GRAPHS = 256
NUM_CONV_STEPS = 3
PROC_STEPS = 3

EDGE_BLK = 5000


def _leaky(v):
    return jnp.where(v >= 0, v, 0.01 * v)


def _sigmoid(v):
    return 1.0 / (1.0 + jnp.exp(-v))


SC_CORES = 2
SC_SUBCORES = 16
SC_WORKERS = SC_CORES * SC_SUBCORES
CHUNK = 128
N_CHUNKS = N_EDGES // CHUNK
SEG = N_NODES // SC_SUBCORES
MAX_K = -(-N_CHUNKS // SC_WORKERS)


def _sc_mesh():
    return plsc.VectorSubcoreMesh(core_axis_name="c", subcore_axis_name="s")


def _sc_gather_body(h_hbm, src_hbm, xs_hbm, idx_v, rows_v, sem):
    c = lax.axis_index("c")
    s = lax.axis_index("s")
    w = s * SC_CORES + c

    def step(k, carry):
        blk = w + SC_WORKERS * k

        @pl.when(blk < N_CHUNKS)
        def _():
            base = blk * CHUNK
            pltpu.sync_copy(src_hbm.at[pl.ds(base, CHUNK)], idx_v)
            pltpu.async_copy(h_hbm.at[idx_v], rows_v, sem).wait()
            pltpu.sync_copy(rows_v, xs_hbm.at[pl.ds(base, CHUNK)])

        return carry

    lax.fori_loop(0, MAX_K, step, 0)


def _sc_gather(h, src):
    return pl.kernel(
        _sc_gather_body,
        out_type=jax.ShapeDtypeStruct((N_EDGES, DIM), jnp.float32),
        mesh=_sc_mesh(),
        scratch_types=[
            pltpu.VMEM((CHUNK,), jnp.int32),
            pltpu.VMEM((CHUNK, DIM), jnp.float32),
            pltpu.SemaphoreType.DMA,
        ],
        compiler_params=pltpu.CompilerParams(use_tc_tiling_on_sc=False),
    )(h, src)


def _sc_scatter_body(msg_hbm, dst_hbm, z_hbm, agg_hbm, idx_v, rows_v,
                     accum_sh):
    c = lax.axis_index("c")
    s = lax.axis_index("s")
    w = s * SC_CORES + c

    pltpu.sync_copy(z_hbm.at[pl.ds(s * SEG, SEG)],
                    accum_sh.at[pl.ds(s * SEG, SEG)])
    plsc.subcore_barrier()

    def step(k, carry):
        blk = w + SC_WORKERS * k

        @pl.when(blk < N_CHUNKS)
        def _():
            base = blk * CHUNK
            pltpu.sync_copy(dst_hbm.at[pl.ds(base, CHUNK)], idx_v)
            pltpu.sync_copy(msg_hbm.at[pl.ds(base, CHUNK)], rows_v)
            pltpu.sync_copy(rows_v, accum_sh.at[idx_v], add=True)

        return carry

    lax.fori_loop(0, MAX_K, step, 0)
    plsc.subcore_barrier()
    pltpu.sync_copy(accum_sh.at[pl.ds(s * SEG, SEG)],
                    agg_hbm.at[c, pl.ds(s * SEG, SEG)])


def _sc_deg_body(dst_hbm, z_hbm, ones_hbm, deg_hbm, idx_v, rows_v, accum_sh):
    c = lax.axis_index("c")
    s = lax.axis_index("s")
    w = s * SC_CORES + c
    pltpu.sync_copy(z_hbm.at[pl.ds(s * SEG, SEG)],
                    accum_sh.at[pl.ds(s * SEG, SEG)])
    pltpu.sync_copy(ones_hbm, rows_v)
    plsc.subcore_barrier()

    def step(k, carry):
        blk = w + SC_WORKERS * k

        @pl.when(blk < N_CHUNKS)
        def _():
            base = blk * CHUNK
            pltpu.sync_copy(dst_hbm.at[pl.ds(base, CHUNK)], idx_v)
            pltpu.sync_copy(rows_v, accum_sh.at[idx_v], add=True)

        return carry

    lax.fori_loop(0, MAX_K, step, 0)
    plsc.subcore_barrier()
    pltpu.sync_copy(accum_sh.at[pl.ds(s * SEG, SEG)],
                    deg_hbm.at[c, pl.ds(s * SEG, SEG)])


def _sc_deg(dst, zeros_n, ones_sm):
    return pl.kernel(
        _sc_deg_body,
        out_type=jax.ShapeDtypeStruct((SC_CORES, N_NODES, DIM), jnp.float32),
        mesh=_sc_mesh(),
        scratch_types=[
            pltpu.VMEM((CHUNK,), jnp.int32),
            pltpu.VMEM((CHUNK, DIM), jnp.float32),
            pltpu.VMEM_SHARED((N_NODES, DIM), jnp.float32),
        ],
        compiler_params=pltpu.CompilerParams(use_tc_tiling_on_sc=False),
    )(dst, zeros_n, ones_sm)


def _sc_scatter(msg, dst, zeros_n):
    return pl.kernel(
        _sc_scatter_body,
        out_type=jax.ShapeDtypeStruct((SC_CORES, N_NODES, DIM), jnp.float32),
        mesh=_sc_mesh(),
        scratch_types=[
            pltpu.VMEM((CHUNK,), jnp.int32),
            pltpu.VMEM((CHUNK, DIM), jnp.float32),
            pltpu.VMEM_SHARED((N_NODES, DIM), jnp.float32),
        ],
        compiler_params=pltpu.CompilerParams(use_tc_tiling_on_sc=False),
    )(msg, dst, zeros_n)


def _lin0_body(x_ref, w_ref, b_ref, o_ref):
    o_ref[...] = _leaky(
        jnp.dot(x_ref[...], w_ref[...], preferred_element_type=jnp.float32)
        + b_ref[...]
    )


def _lin0(x, lin0_WT, lin0_b2):
    NB = 2000
    return pl.pallas_call(
        _lin0_body,
        grid=(N_NODES // NB,),
        in_specs=[
            pl.BlockSpec((NB, NUM_FEAT), lambda i: (i, 0)),
            pl.BlockSpec((NUM_FEAT, DIM), lambda i: (0, 0)),
            pl.BlockSpec((1, DIM), lambda i: (0, 0)),
        ],
        out_specs=pl.BlockSpec((NB, DIM), lambda i: (i, 0)),
        out_shape=jax.ShapeDtypeStruct((N_NODES, DIM), jnp.float32),
    )(x, lin0_WT, lin0_b2)


def _msg_body(ea_ref, xs_ref, n1t_ref, n1b_ref, n2tp_ref, n2bp_ref, s2_ref,
              o_ref):
    ea = ea_ref[...]
    xs = xs_ref[...]
    hid = _leaky(
        jnp.dot(ea, n1t_ref[...], preferred_element_type=jnp.float32)
        + n1b_ref[...]
    )
    ewp = jnp.dot(hid, n2tp_ref[...], preferred_element_type=jnp.float32) \
        + n2bp_ref[...]
    x2 = pltpu.repeat(xs, DIM, axis=1)
    p = ewp * x2
    o_ref[...] = jnp.dot(p, s2_ref[...], preferred_element_type=jnp.float32)


def _msg_kernel(edge_attr, xsrc, n1T, n1b2, n2Tp, n2bp, S2):
    grid = N_EDGES // EDGE_BLK
    full = lambda i: (0, 0)
    return pl.pallas_call(
        _msg_body,
        grid=(grid,),
        in_specs=[
            pl.BlockSpec((EDGE_BLK, 4), lambda i: (i, 0)),
            pl.BlockSpec((EDGE_BLK, DIM), lambda i: (i, 0)),
            pl.BlockSpec((4, 128), full),
            pl.BlockSpec((1, 128), full),
            pl.BlockSpec((128, DIM * DIM), full),
            pl.BlockSpec((1, DIM * DIM), full),
            pl.BlockSpec((DIM * DIM, DIM), full),
        ],
        out_specs=pl.BlockSpec((EDGE_BLK, DIM), lambda i: (i, 0)),
        out_shape=jax.ShapeDtypeStruct((N_EDGES, DIM), jnp.float32),
    )(edge_attr, xsrc, n1T, n1b2, n2Tp, n2bp, S2)


def _gru_body(a0_ref, a1_ref, d0_ref, d1_ref, h_ref, root_ref, cb_ref,
              wr_ref, wz_ref, wn_ref, br_ref, bz_ref, bn_ref,
              ur_ref, uz_ref, un_ref, vr_ref, vz_ref, vn_ref,
              o_ref):
    h = h_ref[...]
    deg = jnp.maximum(d0_ref[...] + d1_ref[...], 1.0)
    agg = (a0_ref[...] + a1_ref[...]) / deg
    conv = agg + jnp.dot(h, root_ref[...], preferred_element_type=jnp.float32) \
        + cb_ref[...]
    m = _leaky(conv)

    def mm(a, w_ref, b_ref):
        return jnp.dot(a, w_ref[...], preferred_element_type=jnp.float32) \
            + b_ref[...]

    r = _sigmoid(mm(m, wr_ref, br_ref) + mm(h, ur_ref, vr_ref))
    z = _sigmoid(mm(m, wz_ref, bz_ref) + mm(h, uz_ref, vz_ref))
    n = jnp.tanh(mm(m, wn_ref, bn_ref) + r * mm(h, un_ref, vn_ref))
    o_ref[...] = (1.0 - z) * n + z * h


def _gru_kernel(a0, a1, d0, d1, h, root, cb, gru_w, gru_b, gru_u, gru_v):
    NB = 2000
    full = lambda i: (0, 0)
    node_blk = pl.BlockSpec((NB, DIM), lambda i: (i, 0))
    w_blk = pl.BlockSpec((DIM, DIM), full)
    b_blk = pl.BlockSpec((1, DIM), full)
    return pl.pallas_call(
        _gru_body,
        grid=(N_NODES // NB,),
        in_specs=[node_blk] * 5 + [w_blk, b_blk]
        + [w_blk] * 3 + [b_blk] * 3 + [w_blk] * 3 + [b_blk] * 3,
        out_specs=node_blk,
        out_shape=jax.ShapeDtypeStruct((N_NODES, DIM), jnp.float32),
    )(a0, a1, d0, d1, h, root, cb, *gru_w, *gru_b, *gru_u, *gru_v)


def _s2s_body(out_ref, batch_ref, batchrow_ref,
              wi_ref, wf_ref, wg_ref, wo_ref,
              ui_ref, uf_ref, ug_ref, uo_ref,
              bi_ref, bf_ref, bg_ref, bo_ref,
              lw_ref, lb_ref, res_ref, e_scr):
    gids = lax.broadcasted_iota(jnp.int32, (1, NUM_GRAPHS), 1)

    qh = jnp.zeros((NUM_GRAPHS, DIM), jnp.float32)
    qc = jnp.zeros((NUM_GRAPHS, DIM), jnp.float32)
    q_star = jnp.zeros((NUM_GRAPHS, 2 * DIM), jnp.float32)

    NCH = 10
    CH = N_NODES // NCH

    def seg_dot(a, b):
        return lax.dot_general(a, b, (((0,), (0,)), ((), ())),
                               preferred_element_type=jnp.float32,
                               precision=lax.Precision.HIGHEST)

    for _ in range(PROC_STEPS):
        def mm(a, w_ref):
            return jnp.dot(a, w_ref[...], preferred_element_type=jnp.float32,
                           precision=lax.Precision.DEFAULT)

        ig = _sigmoid(mm(q_star, wi_ref) + mm(qh, ui_ref) + bi_ref[...])
        fg = _sigmoid(mm(q_star, wf_ref) + mm(qh, uf_ref) + bf_ref[...])
        gg = jnp.tanh(mm(q_star, wg_ref) + mm(qh, ug_ref) + bg_ref[...])
        og = _sigmoid(mm(q_star, wo_ref) + mm(qh, uo_ref) + bo_ref[...])
        qc = fg * qc + ig * gg
        qh = og * jnp.tanh(qc)

        def p1(ci, emax):
            bvec = batch_ref[pl.ds(ci * CH, CH), :]
            oh = (bvec == gids)
            ohf = oh.astype(jnp.float32)
            qh_b = jnp.dot(ohf, qh, preferred_element_type=jnp.float32,
                           precision=lax.Precision.HIGHEST)
            e = jnp.sum(out_ref[pl.ds(ci * CH, CH), :] * qh_b,
                        axis=1, keepdims=True)
            e_scr[pl.ds(ci * CH, CH), :] = e
            masked = jnp.where(oh, e, -1e30)
            return jnp.maximum(emax, jnp.max(masked, axis=0, keepdims=True))

        emax = lax.fori_loop(0, NCH, p1,
                             jnp.full((1, NUM_GRAPHS), -1e30, jnp.float32))
        emax = jnp.where(emax > -1e29, emax, 0.0)

        def p2(ci, carry):
            esum, sums = carry
            bvec = batch_ref[pl.ds(ci * CH, CH), :]
            oh = (bvec == gids)
            ohf = oh.astype(jnp.float32)
            emax_b = jnp.sum(ohf * emax, axis=1, keepdims=True)
            ex = jnp.exp(e_scr[pl.ds(ci * CH, CH), :] - emax_b)
            outc = out_ref[pl.ds(ci * CH, CH), :]
            return (esum + seg_dot(ohf, ex), sums + seg_dot(ohf, ex * outc))

        esum, sums = lax.fori_loop(
            0, NCH, p2, (jnp.zeros((NUM_GRAPHS, 1), jnp.float32),
                         jnp.zeros((NUM_GRAPHS, DIM), jnp.float32)))
        rvec = jnp.where(esum > 0, sums / jnp.where(esum > 0, esum, 1.0), 0.0)
        q_star = jnp.concatenate([qh, rvec], axis=1)

    res_ref[...] = jnp.dot(q_star, lw_ref[...],
                           preferred_element_type=jnp.float32,
                           precision=lax.Precision.DEFAULT) + lb_ref[...]


def _s2s_kernel(out, batch2d, batchrow, lstm_w, lstm_u, lstm_b, linWT, lin_b2):
    return pl.pallas_call(
        _s2s_body,
        out_shape=jax.ShapeDtypeStruct((NUM_GRAPHS, 1), jnp.float32),
        scratch_shapes=[pltpu.VMEM((N_NODES, 1), jnp.float32)],
    )(out, batch2d, batchrow, *lstm_w, *lstm_u, *lstm_b, linWT, lin_b2)


def kernel(x, edge_index, edge_attr, batch, lin0_W, lin0_b, net1_W, net1_b,
           net2_W, net2_b, conv_root, conv_bias, gru_Wih, gru_Whh, gru_bih,
           gru_bhh, lstm_Wih, lstm_Whh, lstm_bih, lstm_bhh, lin_W, lin_b):
    src = edge_index[0]
    dst = edge_index[1]

    lin0_WT = lin0_W.T
    n1T = net1_W.T
    n1b2 = net1_b.reshape(1, 128)
    perm = (jnp.arange(DIM * DIM) % DIM) * DIM + jnp.arange(DIM * DIM) // DIM
    n2Tp = net2_W.T[:, perm]
    n2bp = net2_b[perm].reshape(1, DIM * DIM)
    jj = jnp.arange(DIM * DIM)
    S2 = ((jj[:, None] // DIM) == jnp.arange(DIM)[None, :]).astype(jnp.float32)

    cb2 = conv_bias.reshape(1, DIM)
    wih = gru_Wih.reshape(3, DIM, DIM)
    whh = gru_Whh.reshape(3, DIM, DIM)
    gru_w = [wih[i].T for i in range(3)]
    gru_u = [whh[i].T for i in range(3)]
    gru_b = [gru_bih.reshape(3, 1, DIM)[i] for i in range(3)]
    gru_v = [gru_bhh.reshape(3, 1, DIM)[i] for i in range(3)]

    lwi = lstm_Wih.reshape(4, DIM, 2 * DIM)
    lwh = lstm_Whh.reshape(4, DIM, DIM)
    lstm_w = [lwi[i].T for i in range(4)]
    lstm_u = [lwh[i].T for i in range(4)]
    lstm_b = [(lstm_bih + lstm_bhh).reshape(4, 1, DIM)[i] for i in range(4)]
    linWT = lin_W.T
    lin_b2 = lin_b.reshape(1, 1)
    batch2d = batch.reshape(N_NODES, 1)
    batchrow = batch.reshape(1, N_NODES)

    zeros_n = jnp.zeros((N_NODES, DIM), jnp.float32)
    ones_sm = jnp.ones((CHUNK, DIM), jnp.float32)
    deg2 = _sc_deg(dst, zeros_n, ones_sm)

    h = _lin0(x, lin0_WT, lin0_b.reshape(1, DIM))

    for _ in range(NUM_CONV_STEPS):
        xsrc = _sc_gather(h, src)
        msg = _msg_kernel(edge_attr, xsrc, n1T, n1b2, n2Tp, n2bp, S2)
        agg2 = _sc_scatter(msg, dst, zeros_n)
        h = _gru_kernel(agg2[0], agg2[1], deg2[0], deg2[1], h, conv_root, cb2,
                        gru_w, gru_b, gru_u, gru_v)

    return _s2s_kernel(h, batch2d, batchrow, lstm_w, lstm_u, lstm_b, linWT, lin_b2)

# --- scband reference (transcript-rebuilt; emitter-appended) ---
"""Pipeline reference for scband-mpnnet-atom-4148938408839 (READ-ONLY COPY).

The authoritative reference and input builder live on the scoring server;
editing this copy changes nothing except your own understanding.
"""

import jax, jax.numpy as jnp
import numpy as np

N_NODES = 10000
N_EDGES = 160000
NUM_FEAT = 128
DIM = 32
NUM_GRAPHS = 256
NUM_OUT = 1
NUM_CONV_STEPS = 3
PROC_STEPS = 3


def leaky_relu(v):
    return jnp.where(v >= 0, v, 0.01 * v)


def setup_inputs(seed: int = 0) -> dict:
    key = jax.random.key(seed)
    ks = jax.random.split(key, 24)
    def p(k, shape):
        return jax.random.normal(k, shape, dtype=jnp.float32) * 0.1
    inp = {}
    inp["x"] = jax.random.normal(ks[0], (N_NODES, NUM_FEAT), dtype=jnp.float32)
    inp["edge_index"] = jax.random.randint(ks[1], (2, N_EDGES), 0, N_NODES, dtype=jnp.int32)
    inp["edge_attr"] = jax.random.uniform(ks[2], (N_EDGES, 4), dtype=jnp.float32)
    inp["batch"] = jnp.sort(jax.random.randint(ks[3], (N_NODES,), 0, NUM_GRAPHS, dtype=jnp.int32))
    inp["lin0_W"] = p(ks[4], (DIM, NUM_FEAT)); inp["lin0_b"] = p(ks[5], (DIM,))
    inp["net1_W"] = p(ks[6], (128, 4)); inp["net1_b"] = p(ks[7], (128,))
    inp["net2_W"] = p(ks[8], (DIM * DIM, 128)); inp["net2_b"] = p(ks[9], (DIM * DIM,))
    inp["conv_root"] = p(ks[10], (DIM, DIM)); inp["conv_bias"] = p(ks[11], (DIM,))
    inp["gru_Wih"] = p(ks[12], (3 * DIM, DIM)); inp["gru_Whh"] = p(ks[13], (3 * DIM, DIM))
    inp["gru_bih"] = p(ks[14], (3 * DIM,)); inp["gru_bhh"] = p(ks[15], (3 * DIM,))
    inp["lstm_Wih"] = p(ks[16], (4 * DIM, 2 * DIM)); inp["lstm_Whh"] = p(ks[17], (4 * DIM, DIM))
    inp["lstm_bih"] = p(ks[18], (4 * DIM,)); inp["lstm_bhh"] = p(ks[19], (4 * DIM,))
    inp["lin_W"] = p(ks[20], (NUM_OUT, 2 * DIM)); inp["lin_b"] = p(ks[21], (NUM_OUT,))
    return inp


def _forward(x, edge_attr, lin0_W, lin0_b, net1_W, net1_b, net2_W, net2_b,
             conv_root, conv_bias, gru_Wih, gru_Whh, gru_bih, gru_bhh,
             lstm_Wih, lstm_Whh, lstm_bih, lstm_bhh, lin_W, lin_b,
             edge_index, batch):
    src = edge_index[0]
    dst = edge_index[1]
    # lin0 + LeakyReLU (dropout is identity: do_dropout=False / eval mode)
    out = leaky_relu(x @ lin0_W.T + lin0_b)
    h = out
    # NNConv edge network: Linear(4,128) -> LeakyReLU -> Linear(128, dim*dim)
    ew = leaky_relu(edge_attr @ net1_W.T + net1_b) @ net2_W.T + net2_b
    ew = ew.reshape(N_EDGES, DIM, DIM)
    deg = jnp.zeros((N_NODES,), jnp.float32).at[dst].add(1.0)
    deg = jnp.maximum(deg, 1.0)
    for _ in range(NUM_CONV_STEPS):
        # message: x_j @ Theta(e_ij), aggr='mean' over dst
        msg = jnp.einsum('ei,eio->eo', out[src], ew)
        agg = jnp.zeros((N_NODES, DIM), jnp.float32).at[dst].add(msg) / deg[:, None]
        conv_out = agg + out @ conv_root + conv_bias  # root weight + bias
        m = leaky_relu(conv_out)
        # single-step GRU (PyTorch gate order r,z,n)
        gi = m @ gru_Wih.T + gru_bih
        gh = h @ gru_Whh.T + gru_bhh
        i_r, i_z, i_n = jnp.split(gi, 3, axis=-1)
        h_r, h_z, h_n = jnp.split(gh, 3, axis=-1)
        r = jax.nn.sigmoid(i_r + h_r)
        z = jax.nn.sigmoid(i_z + h_z)
        n = jnp.tanh(i_n + r * h_n)
        h = (1.0 - z) * n + z * h
        out = h
    # Set2Set with processing_steps=3 (LSTM gate order i,f,g,o)
    qh = jnp.zeros((NUM_GRAPHS, DIM), jnp.float32)
    qc = jnp.zeros((NUM_GRAPHS, DIM), jnp.float32)
    q_star = jnp.zeros((NUM_GRAPHS, 2 * DIM), jnp.float32)
    for _ in range(PROC_STEPS):
        gates = q_star @ lstm_Wih.T + lstm_bih + qh @ lstm_Whh.T + lstm_bhh
        gi2, gf2, gg2, go2 = jnp.split(gates, 4, axis=-1)
        ig = jax.nn.sigmoid(gi2)
        fg = jax.nn.sigmoid(gf2)
        gg = jnp.tanh(gg2)
        og = jax.nn.sigmoid(go2)
        qc = fg * qc + ig * gg
        qh = og * jnp.tanh(qc)
        e = jnp.sum(out * qh[batch], axis=-1)
        emax = jax.ops.segment_max(e, batch, num_segments=NUM_GRAPHS)
        emax = jnp.where(jnp.isfinite(emax), emax, 0.0)
        ex = jnp.exp(e - emax[batch])
        esum = jax.ops.segment_sum(ex, batch, num_segments=NUM_GRAPHS)
        a = ex / esum[batch]
        rvec = jax.ops.segment_sum(a[:, None] * out, batch, num_segments=NUM_GRAPHS)
        q_star = jnp.concatenate([qh, rvec], axis=-1)
    per_mol_out = q_star @ lin_W.T + lin_b
    return per_mol_out


def reference(x, edge_index, edge_attr, batch, lin0_W, lin0_b, net1_W, net1_b,
              net2_W, net2_b, conv_root, conv_bias, gru_Wih, gru_Whh, gru_bih,
              gru_bhh, lstm_Wih, lstm_Whh, lstm_bih, lstm_bhh, lin_W, lin_b):
    return _forward(x, edge_attr, lin0_W, lin0_b, net1_W, net1_b, net2_W, net2_b,
                    conv_root, conv_bias, gru_Wih, gru_Whh, gru_bih, gru_bhh,
                    lstm_Wih, lstm_Whh, lstm_bih, lstm_bhh, lin_W, lin_b,
                    edge_index, batch)

if __name__ == "__main__":
    import jax
    _d = setup_inputs()
    print(jax.jit(kernel)(*tuple(_d.values())))

</pallas_src>

<mosaic_0001>
#map = affine_map<(d0, d1) -> (0)>
#map1 = affine_map<(d0, d1) -> (0, 0)>
#map2 = affine_map<(d0, d1) -> (0, 0, 0)>
module attributes {stable_mosaic.version = 14 : i64} {
  func.func @_sc_deg_body(%arg0: i32, %arg1: i32, %arg2: memref<160000xi32, #tpu.memory_space<hbm>>, %arg3: memref<10000x32xf32, #tpu.memory_space<hbm>>, %arg4: memref<128x32xf32, #tpu.memory_space<hbm>>, %arg5: memref<2x10000x32xf32, #tpu.memory_space<hbm>>, %arg6: memref<128xi32, #tpu.memory_space<vmem>>, %arg7: memref<128x32xf32, #tpu.memory_space<vmem>>, %arg8: memref<10000x32xf32, #tpu.memory_space<vmem_shared>>) attributes {dimension_semantics = [#tpu.dimension_semantics<core_parallel>, #tpu.dimension_semantics<subcore_parallel>], iteration_bounds = array<i64: 2, 16>, scalar_prefetch = 0 : i64, scratch_operands = 3 : i64, tpu.core_type = #tpu.core_type<sc_vector_subcore>, window_params = [{transform_indices = #map}, {transform_indices = #map1}, {transform_indices = #map1}, {transform_indices = #map2}]} {
    %mul3A = arith.constant 2 : i32
    %mul3A_0 = arith.muli %arg1, %mul3A : i32
    %add3A = arith.addi %mul3A_0, %arg0 : i32
    %mul3A_1 = arith.constant 625 : i32
    %mul3A_2 = arith.muli %arg1, %mul3A_1 : i32
    %mul3A_3 = arith.constant 625 : i32
    %mul3A_4 = arith.muli %arg1, %mul3A_3 : i32
    "tpu.region"() ({
      %run_scoped3A = tpu.sem_alloc : memref<!tpu.dma_semaphore, #tpu.memory_space<semaphore_mem>>
      %dma_start3A = arith.constant 0 : i32
      %dma_start3A_15 = tpu.memref_slice %arg8[%mul3A_4, %dma_start3A] : memref<10000x32xf32, #tpu.memory_space<vmem_shared>> -> memref<625x32xf32, #tpu.memory_space<vmem_shared>>
      %dma_start3A_16 = arith.constant 0 : i32
      %dma_start3A_17 = tpu.memref_slice %arg3[%mul3A_2, %dma_start3A_16] : memref<10000x32xf32, #tpu.memory_space<hbm>> -> memref<625x32xf32, #tpu.memory_space<hbm>>
      tpu.enqueue_dma source(%dma_start3A_17 : memref<625x32xf32, #tpu.memory_space<hbm>>) target(%dma_start3A_15 : memref<625x32xf32, #tpu.memory_space<vmem_shared>>) target_semaphore(%run_scoped3A : memref<!tpu.dma_semaphore, #tpu.memory_space<semaphore_mem>>)
      %dma_wait3A = arith.constant 0 : i32
      %dma_wait3A_18 = tpu.memref_slice %arg8[%mul3A_4, %dma_wait3A] : memref<10000x32xf32, #tpu.memory_space<vmem_shared>> -> memref<625x32xf32, #tpu.memory_space<vmem_shared>>
      %dma_wait3A_19 = arith.constant 0 : i32
      %dma_wait3A_20 = tpu.memref_slice %arg3[%mul3A_2, %dma_wait3A_19] : memref<10000x32xf32, #tpu.memory_space<hbm>> -> memref<625x32xf32, #tpu.memory_space<hbm>>
      tpu.wait_dma2 semaphore(%run_scoped3A : memref<!tpu.dma_semaphore, #tpu.memory_space<semaphore_mem>>) src(%dma_wait3A_20 : memref<625x32xf32, #tpu.memory_space<hbm>>) dst(%dma_wait3A_18 : memref<625x32xf32, #tpu.memory_space<vmem_shared>>)
      tpu.yield
    }) : () -> ()
    "tpu.region"() ({
      %run_scoped3A = tpu.sem_alloc : memref<!tpu.dma_semaphore, #tpu.memory_space<semaphore_mem>>
      tpu.enqueue_dma source(%arg4 : memref<128x32xf32, #tpu.memory_space<hbm>>) target(%arg7 : memref<128x32xf32, #tpu.memory_space<vmem>>) target_semaphore(%run_scoped3A : memref<!tpu.dma_semaphore, #tpu.memory_space<semaphore_mem>>)
      tpu.wait_dma2 semaphore(%run_scoped3A : memref<!tpu.dma_semaphore, #tpu.memory_space<semaphore_mem>>) src(%arg4 : memref<128x32xf32, #tpu.memory_space<hbm>>) dst(%arg7 : memref<128x32xf32, #tpu.memory_space<vmem>>)
      tpu.yield
    }) : () -> ()
    %barrier3A = arith.constant 0 : index
    tpu.barrier barrier_id(%barrier3A)
    %scan3A = arith.constant 0 : i32
    %scan3A_5 = arith.constant 0 : i32
    %scan3A_6 = arith.constant 40 : i32
    %scan3A_7 = arith.addi %scan3A_5, %scan3A_6 : i32
    %scan3A_8 = arith.constant 1 : i32
    scf.for %scan3A_15 = %scan3A_5 to %scan3A_7 step %scan3A_8  : i32 {
      %mul3A_16 = arith.constant 32 : i32
      %mul3A_17 = arith.muli %mul3A_16, %scan3A_15 : i32
      %add3A_18 = arith.addi %add3A, %mul3A_17 : i32
      %lt3A = arith.constant 1250 : i32
      %lt3A_19 = arith.cmpi slt, %add3A_18, %lt3A : i32
      %convert_element_type3A = arith.extui %lt3A_19 : i1 to i32
      %cond3A = arith.constant 0 : i32
      %cond3A_20 = arith.cmpi ne, %convert_element_type3A, %cond3A : i32
      scf.if %cond3A_20 {
        %mul3A_21 = arith.constant 128 : i32
        %mul3A_22 = arith.muli %add3A_18, %mul3A_21 : i32
        "tpu.region"() ({
          %run_scoped3A = tpu.sem_alloc : memref<!tpu.dma_semaphore, #tpu.memory_space<semaphore_mem>>
          %dma_start3A = tpu.memref_slice %arg2[%mul3A_22] : memref<160000xi32, #tpu.memory_space<hbm>> -> memref<128xi32, #tpu.memory_space<hbm>>
          %dma_start3A_23 = tpu.memref_slice %arg2[%mul3A_22] : memref<160000xi32, #tpu.memory_space<hbm>> -> memref<128xi32, #tpu.memory_space<hbm>>
          tpu.enqueue_dma source(%dma_start3A_23 : memref<128xi32, #tpu.memory_space<hbm>>) target(%arg6 : memref<128xi32, #tpu.memory_space<vmem>>) target_semaphore(%run_scoped3A : memref<!tpu.dma_semaphore, #tpu.memory_space<semaphore_mem>>)
          %dma_wait3A = tpu.memref_slice %arg2[%mul3A_22] : memref<160000xi32, #tpu.memory_space<hbm>> -> memref<128xi32, #tpu.memory_space<hbm>>
          %dma_wait3A_24 = tpu.memref_slice %arg2[%mul3A_22] : memref<160000xi32, #tpu.memory_space<hbm>> -> memref<128xi32, #tpu.memory_space<hbm>>
          tpu.wait_dma2 semaphore(%run_scoped3A : memref<!tpu.dma_semaphore, #tpu.memory_space<semaphore_mem>>) src(%dma_wait3A_24 : memref<128xi32, #tpu.memory_space<hbm>>) dst(%arg6 : memref<128xi32, #tpu.memory_space<vmem>>)
          tpu.yield
        }) : () -> ()
        "tpu.region"() ({
          %run_scoped3A = tpu.sem_alloc : memref<!tpu.dma_semaphore, #tpu.memory_space<semaphore_mem>>
          %dma_start3A = arith.constant 0 : i32
          %dma_start3A_23 = arith.constant 0 : i32
          %dma_start3A_24 = tpu.memref_slice %arg8[%dma_start3A, %dma_start3A_23] : memref<10000x32xf32, #tpu.memory_space<vmem_shared>> -> memref<10000x32xf32, #tpu.memory_space<vmem_shared>>
          tpu.enqueue_indirect_dma source(%arg7 : memref<128x32xf32, #tpu.memory_space<vmem>>) target(%dma_start3A_24 : memref<10000x32xf32, #tpu.memory_space<vmem_shared>>) offsets(%arg6 : memref<128xi32, #tpu.memory_space<vmem>>) semaphore(%run_scoped3A : memref<!tpu.dma_semaphore, #tpu.memory_space<semaphore_mem>>) {add = true}
          %dma_wait3A = arith.constant 0 : i32
          %dma_wait3A_25 = arith.constant 0 : i32
          %dma_wait3A_26 = tpu.memref_slice %arg8[%dma_wait3A, %dma_wait3A_25] : memref<10000x32xf32, #tpu.memory_space<vmem_shared>> -> memref<10000x32xf32, #tpu.memory_space<vmem_shared>>
          tpu.wait_indirect_dma semaphore(%run_scoped3A : memref<!tpu.dma_semaphore, #tpu.memory_space<semaphore_mem>>) src(%arg7 : memref<128x32xf32, #tpu.memory_space<vmem>>) dst(%dma_wait3A_26 : memref<10000x32xf32, #tpu.memory_space<vmem_shared>>)
          tpu.yield
        }) : () -> ()
      } else {
      }
    }
    %scan3A_9 = arith.constant 40 : i32
    %barrier3A_10 = arith.constant 0 : index
    tpu.barrier barrier_id(%barrier3A_10)
    %mul3A_11 = arith.constant 625 : i32
    %mul3A_12 = arith.muli %arg1, %mul3A_11 : i32
    %mul3A_13 = arith.constant 625 : i32
    %mul3A_14 = arith.muli %arg1, %mul3A_13 : i32
    "tpu.region"() ({
      %run_scoped3A = tpu.sem_alloc : memref<!tpu.dma_semaphore, #tpu.memory_space<semaphore_mem>>
      %dma_start3A = arith.constant 0 : i32
      %dma_start3A_15 = tpu.memref_slice %arg5[%arg0, %mul3A_14, %dma_start3A] : memref<2x10000x32xf32, #tpu.memory_space<hbm>> -> memref<1x625x32xf32, #tpu.memory_space<hbm>>
      %dma_start3A_16 = tpu.memref_squeeze %dma_start3A_15 : memref<1x625x32xf32, #tpu.memory_space<hbm>> -> memref<625x32xf32, #tpu.memory_space<hbm>>
      %dma_start3A_17 = arith.constant 0 : i32
      %dma_start3A_18 = tpu.memref_slice %arg8[%mul3A_12, %dma_start3A_17] : memref<10000x32xf32, #tpu.memory_space<vmem_shared>> -> memref<625x32xf32, #tpu.memory_space<vmem_shared>>
      tpu.enqueue_dma source(%dma_start3A_18 : memref<625x32xf32, #tpu.memory_space<vmem_shared>>) target(%dma_start3A_16 : memref<625x32xf32, #tpu.memory_space<hbm>>) target_semaphore(%run_scoped3A : memref<!tpu.dma_semaphore, #tpu.memory_space<semaphore_mem>>)
      %dma_wait3A = arith.constant 0 : i32
      %dma_wait3A_19 = tpu.memref_slice %arg5[%arg0, %mul3A_14, %dma_wait3A] : memref<2x10000x32xf32, #tpu.memory_space<hbm>> -> memref<1x625x32xf32, #tpu.memory_space<hbm>>
      %dma_wait3A_20 = tpu.memref_squeeze %dma_wait3A_19 : memref<1x625x32xf32, #tpu.memory_space<hbm>> -> memref<625x32xf32, #tpu.memory_space<hbm>>
      %dma_wait3A_21 = arith.constant 0 : i32
      %dma_wait3A_22 = tpu.memref_slice %arg8[%mul3A_12, %dma_wait3A_21] : memref<10000x32xf32, #tpu.memory_space<vmem_shared>> -> memref<625x32xf32, #tpu.memory_space<vmem_shared>>
      tpu.wait_dma2 semaphore(%run_scoped3A : memref<!tpu.dma_semaphore, #tpu.memory_space<semaphore_mem>>) src(%dma_wait3A_22 : memref<625x32xf32, #tpu.memory_space<vmem_shared>>) dst(%dma_wait3A_20 : memref<625x32xf32, #tpu.memory_space<hbm>>)
      tpu.yield
    }) : () -> ()
    return
  }
}

#map = affine_map<(d0, d1) -> (0, 0)>
#map1 = affine_map<(d0, d1) -> (0)>
module attributes {stable_mosaic.version = 14 : i64} {
  func.func @_sc_gather_body(%arg0: i32, %arg1: i32, %arg2: memref<10000x32xf32, #tpu.memory_space<hbm>>, %arg3: memref<160000xi32, #tpu.memory_space<hbm>>, %arg4: memref<160000x32xf32, #tpu.memory_space<hbm>>, %arg5: memref<128xi32, #tpu.memory_space<vmem>>, %arg6: memref<128x32xf32, #tpu.memory_space<vmem>>, %arg7: memref<!tpu.dma_semaphore, #tpu.memory_space<semaphore_mem>>) attributes {dimension_semantics = [#tpu.dimension_semantics<core_parallel>, #tpu.dimension_semantics<subcore_parallel>], iteration_bounds = array<i64: 2, 16>, scalar_prefetch = 0 : i64, scratch_operands = 3 : i64, tpu.core_type = #tpu.core_type<sc_vector_subcore>, window_params = [{transform_indices = #map}, {transform_indices = #map1}, {transform_indices = #map}]} {
    %mul3A = arith.constant 2 : i32
    %mul3A_0 = arith.muli %arg1, %mul3A : i32
    %add3A = arith.addi %mul3A_0, %arg0 : i32
    %scan3A = arith.constant 0 : i32
    %scan3A_1 = arith.constant 0 : i32
    %scan3A_2 = arith.constant 40 : i32
    %scan3A_3 = arith.addi %scan3A_1, %scan3A_2 : i32
    %scan3A_4 = arith.constant 1 : i32
    scf.for %scan3A_6 = %scan3A_1 to %scan3A_3 step %scan3A_4  : i32 {
      %mul3A_7 = arith.constant 32 : i32
      %mul3A_8 = arith.muli %mul3A_7, %scan3A_6 : i32
      %add3A_9 = arith.addi %add3A, %mul3A_8 : i32
      %lt3A = arith.constant 1250 : i32
      %lt3A_10 = arith.cmpi slt, %add3A_9, %lt3A : i32
      %convert_element_type3A = arith.extui %lt3A_10 : i1 to i32
      %cond3A = arith.constant 0 : i32
      %cond3A_11 = arith.cmpi ne, %convert_element_type3A, %cond3A : i32
      scf.if %cond3A_11 {
        %mul3A_12 = arith.constant 128 : i32
        %mul3A_13 = arith.muli %add3A_9, %mul3A_12 : i32
        "tpu.region"() ({
          %run_scoped3A = tpu.sem_alloc : memref<!tpu.dma_semaphore, #tpu.memory_space<semaphore_mem>>
          %dma_start3A_18 = tpu.memref_slice %arg3[%mul3A_13] : memref<160000xi32, #tpu.memory_space<hbm>> -> memref<128xi32, #tpu.memory_space<hbm>>
          %dma_start3A_19 = tpu.memref_slice %arg3[%mul3A_13] : memref<160000xi32, #tpu.memory_space<hbm>> -> memref<128xi32, #tpu.memory_space<hbm>>
          tpu.enqueue_dma source(%dma_start3A_19 : memref<128xi32, #tpu.memory_space<hbm>>) target(%arg5 : memref<128xi32, #tpu.memory_space<vmem>>) target_semaphore(%run_scoped3A : memref<!tpu.dma_semaphore, #tpu.memory_space<semaphore_mem>>)
          %dma_wait3A_20 = tpu.memref_slice %arg3[%mul3A_13] : memref<160000xi32, #tpu.memory_space<hbm>> -> memref<128xi32, #tpu.memory_space<hbm>>
          %dma_wait3A_21 = tpu.memref_slice %arg3[%mul3A_13] : memref<160000xi32, #tpu.memory_space<hbm>> -> memref<128xi32, #tpu.memory_space<hbm>>
          tpu.wait_dma2 semaphore(%run_scoped3A : memref<!tpu.dma_semaphore, #tpu.memory_space<semaphore_mem>>) src(%dma_wait3A_21 : memref<128xi32, #tpu.memory_space<hbm>>) dst(%arg5 : memref<128xi32, #tpu.memory_space<vmem>>)
          tpu.yield
        }) : () -> ()
        %dma_start3A = arith.constant 0 : i32
        %dma_start3A_14 = arith.constant 0 : i32
        %dma_start3A_15 = tpu.memref_slice %arg2[%dma_start3A, %dma_start3A_14] : memref<10000x32xf32, #tpu.memory_space<hbm>> -> memref<10000x32xf32, #tpu.memory_space<hbm>>
        tpu.enqueue_indirect_dma source(%dma_start3A_15 : memref<10000x32xf32, #tpu.memory_space<hbm>>) target(%arg6 : memref<128x32xf32, #tpu.memory_space<vmem>>) offsets(%arg5 : memref<128xi32, #tpu.memory_space<vmem>>) semaphore(%arg7 : memref<!tpu.dma_semaphore, #tpu.memory_space<semaphore_mem>>)
        %dma_wait3A = arith.constant 0 : i32
        %dma_wait3A_16 = arith.constant 0 : i32
        %dma_wait3A_17 = tpu.memref_slice %arg2[%dma_wait3A, %dma_wait3A_16] : memref<10000x32xf32, #tpu.memory_space<hbm>> -> memref<10000x32xf32, #tpu.memory_space<hbm>>
        tpu.wait_indirect_dma semaphore(%arg7 : memref<!tpu.dma_semaphore, #tpu.memory_space<semaphore_mem>>) src(%dma_wait3A_17 : memref<10000x32xf32, #tpu.memory_space<hbm>>) dst(%arg6 : memref<128x32xf32, #tpu.memory_space<vmem>>)
        "tpu.region"() ({
          %run_scoped3A = tpu.sem_alloc : memref<!tpu.dma_semaphore, #tpu.memory_space<semaphore_mem>>
          %dma_start3A_18 = arith.constant 0 : i32
          %dma_start3A_19 = tpu.memref_slice %arg4[%mul3A_13, %dma_start3A_18] : memref<160000x32xf32, #tpu.memory_space<hbm>> -> memref<128x32xf32, #tpu.memory_space<hbm>>
          %dma_start3A_20 = arith.constant 0 : i32
          %dma_start3A_21 = tpu.memref_slice %arg4[%mul3A_13, %dma_start3A_20] : memref<160000x32xf32, #tpu.memory_space<hbm>> -> memref<128x32xf32, #tpu.memory_space<hbm>>
          tpu.enqueue_dma source(%arg6 : memref<128x32xf32, #tpu.memory_space<vmem>>) target(%dma_start3A_21 : memref<128x32xf32, #tpu.memory_space<hbm>>) target_semaphore(%run_scoped3A : memref<!tpu.dma_semaphore, #tpu.memory_space<semaphore_mem>>)
          %dma_wait3A_22 = arith.constant 0 : i32
          %dma_wait3A_23 = tpu.memref_slice %arg4[%mul3A_13, %dma_wait3A_22] : memref<160000x32xf32, #tpu.memory_space<hbm>> -> memref<128x32xf32, #tpu.memory_space<hbm>>
          %dma_wait3A_24 = arith.constant 0 : i32
          %dma_wait3A_25 = tpu.memref_slice %arg4[%mul3A_13, %dma_wait3A_24] : memref<160000x32xf32, #tpu.memory_space<hbm>> -> memref<128x32xf32, #tpu.memory_space<hbm>>
          tpu.wait_dma2 semaphore(%run_scoped3A : memref<!tpu.dma_semaphore, #tpu.memory_space<semaphore_mem>>) src(%arg6 : memref<128x32xf32, #tpu.memory_space<vmem>>) dst(%dma_wait3A_25 : memref<128x32xf32, #tpu.memory_space<hbm>>)
          tpu.yield
        }) : () -> ()
      } else {
      }
    }
    %scan3A_5 = arith.constant 40 : i32
    return
  }
}

#map = affine_map<(d0, d1) -> (0, 0)>
#map1 = affine_map<(d0, d1) -> (0)>
module attributes {stable_mosaic.version = 14 : i64} {
  func.func @_sc_gather_body(%arg0: i32, %arg1: i32, %arg2: memref<10000x32xf32, #tpu.memory_space<hbm>>, %arg3: memref<160000xi32, #tpu.memory_space<hbm>>, %arg4: memref<160000x32xf32, #tpu.memory_space<hbm>>, %arg5: memref<128xi32, #tpu.memory_space<vmem>>, %arg6: memref<128x32xf32, #tpu.memory_space<vmem>>, %arg7: memref<!tpu.dma_semaphore, #tpu.memory_space<semaphore_mem>>) attributes {dimension_semantics = [#tpu.dimension_semantics<core_parallel>, #tpu.dimension_semantics<subcore_parallel>], iteration_bounds = array<i64: 2, 16>, scalar_prefetch = 0 : i64, scratch_operands = 3 : i64, tpu.core_type = #tpu.core_type<sc_vector_subcore>, window_params = [{transform_indices = #map}, {transform_indices = #map1}, {transform_indices = #map}]} {
    %mul3A = arith.constant 2 : i32
    %mul3A_0 = arith.muli %arg1, %mul3A : i32
    %add3A = arith.addi %mul3A_0, %arg0 : i32
    %scan3A = arith.constant 0 : i32
    %scan3A_1 = arith.constant 0 : i32
    %scan3A_2 = arith.constant 40 : i32
    %scan3A_3 = arith.addi %scan3A_1, %scan3A_2 : i32
    %scan3A_4 = arith.constant 1 : i32
    scf.for %scan3A_6 = %scan3A_1 to %scan3A_3 step %scan3A_4  : i32 {
      %mul3A_7 = arith.constant 32 : i32
      %mul3A_8 = arith.muli %mul3A_7, %scan3A_6 : i32
      %add3A_9 = arith.addi %add3A, %mul3A_8 : i32
      %lt3A = arith.constant 1250 : i32
      %lt3A_10 = arith.cmpi slt, %add3A_9, %lt3A : i32
      %convert_element_type3A = arith.extui %lt3A_10 : i1 to i32
      %cond3A = arith.constant 0 : i32
      %cond3A_11 = arith.cmpi ne, %convert_element_type3A, %cond3A : i32
      scf.if %cond3A_11 {
        %mul3A_12 = arith.constant 128 : i32
        %mul3A_13 = arith.muli %add3A_9, %mul3A_12 : i32
        "tpu.region"() ({
          %run_scoped3A = tpu.sem_alloc : memref<!tpu.dma_semaphore, #tpu.memory_space<semaphore_mem>>
          %dma_start3A_18 = tpu.memref_slice %arg3[%mul3A_13] : memref<160000xi32, #tpu.memory_space<hbm>> -> memref<128xi32, #tpu.memory_space<hbm>>
          %dma_start3A_19 = tpu.memref_slice %arg3[%mul3A_13] : memref<160000xi32, #tpu.memory_space<hbm>> -> memref<128xi32, #tpu.memory_space<hbm>>
          tpu.enqueue_dma source(%dma_start3A_19 : memref<128xi32, #tpu.memory_space<hbm>>) target(%arg5 : memref<128xi32, #tpu.memory_space<vmem>>) target_semaphore(%run_scoped3A : memref<!tpu.dma_semaphore, #tpu.memory_space<semaphore_mem>>)
          %dma_wait3A_20 = tpu.memref_slice %arg3[%mul3A_13] : memref<160000xi32, #tpu.memory_space<hbm>> -> memref<128xi32, #tpu.memory_space<hbm>>
          %dma_wait3A_21 = tpu.memref_slice %arg3[%mul3A_13] : memref<160000xi32, #tpu.memory_space<hbm>> -> memref<128xi32, #tpu.memory_space<hbm>>
          tpu.wait_dma2 semaphore(%run_scoped3A : memref<!tpu.dma_semaphore, #tpu.memory_space<semaphore_mem>>) src(%dma_wait3A_21 : memref<128xi32, #tpu.memory_space<hbm>>) dst(%arg5 : memref<128xi32, #tpu.memory_space<vmem>>)
          tpu.yield
        }) : () -> ()
        %dma_start3A = arith.constant 0 : i32
        %dma_start3A_14 = arith.constant 0 : i32
        %dma_start3A_15 = tpu.memref_slice %arg2[%dma_start3A, %dma_start3A_14] : memref<10000x32xf32, #tpu.memory_space<hbm>> -> memref<10000x32xf32, #tpu.memory_space<hbm>>
        tpu.enqueue_indirect_dma source(%dma_start3A_15 : memref<10000x32xf32, #tpu.memory_space<hbm>>) target(%arg6 : memref<128x32xf32, #tpu.memory_space<vmem>>) offsets(%arg5 : memref<128xi32, #tpu.memory_space<vmem>>) semaphore(%arg7 : memref<!tpu.dma_semaphore, #tpu.memory_space<semaphore_mem>>)
        %dma_wait3A = arith.constant 0 : i32
        %dma_wait3A_16 = arith.constant 0 : i32
        %dma_wait3A_17 = tpu.memref_slice %arg2[%dma_wait3A, %dma_wait3A_16] : memref<10000x32xf32, #tpu.memory_space<hbm>> -> memref<10000x32xf32, #tpu.memory_space<hbm>>
        tpu.wait_indirect_dma semaphore(%arg7 : memref<!tpu.dma_semaphore, #tpu.memory_space<semaphore_mem>>) src(%dma_wait3A_17 : memref<10000x32xf32, #tpu.memory_space<hbm>>) dst(%arg6 : memref<128x32xf32, #tpu.memory_space<vmem>>)
        "tpu.region"() ({
          %run_scoped3A = tpu.sem_alloc : memref<!tpu.dma_semaphore, #tpu.memory_space<semaphore_mem>>
          %dma_start3A_18 = arith.constant 0 : i32
          %dma_start3A_19 = tpu.memref_slice %arg4[%mul3A_13, %dma_start3A_18] : memref<160000x32xf32, #tpu.memory_space<hbm>> -> memref<128x32xf32, #tpu.memory_space<hbm>>
          %dma_start3A_20 = arith.constant 0 : i32
          %dma_start3A_21 = tpu.memref_slice %arg4[%mul3A_13, %dma_start3A_20] : memref<160000x32xf32, #tpu.memory_space<hbm>> -> memref<128x32xf32, #tpu.memory_space<hbm>>
          tpu.enqueue_dma source(%arg6 : memref<128x32xf32, #tpu.memory_space<vmem>>) target(%dma_start3A_21 : memref<128x32xf32, #tpu.memory_space<hbm>>) target_semaphore(%run_scoped3A : memref<!tpu.dma_semaphore, #tpu.memory_space<semaphore_mem>>)
          %dma_wait3A_22 = arith.constant 0 : i32
          %dma_wait3A_23 = tpu.memref_slice %arg4[%mul3A_13, %dma_wait3A_22] : memref<160000x32xf32, #tpu.memory_space<hbm>> -> memref<128x32xf32, #tpu.memory_space<hbm>>
          %dma_wait3A_24 = arith.constant 0 : i32
          %dma_wait3A_25 = tpu.memref_slice %arg4[%mul3A_13, %dma_wait3A_24] : memref<160000x32xf32, #tpu.memory_space<hbm>> -> memref<128x32xf32, #tpu.memory_space<hbm>>
          tpu.wait_dma2 semaphore(%run_scoped3A : memref<!tpu.dma_semaphore, #tpu.memory_space<semaphore_mem>>) src(%arg6 : memref<128x32xf32, #tpu.memory_space<vmem>>) dst(%dma_wait3A_25 : memref<128x32xf32, #tpu.memory_space<hbm>>)
          tpu.yield
        }) : () -> ()
      } else {
      }
    }
    %scan3A_5 = arith.constant 40 : i32
    return
  }
}

#map = affine_map<(d0, d1) -> (0, 0)>
#map1 = affine_map<(d0, d1) -> (0)>
#map2 = affine_map<(d0, d1) -> (0, 0, 0)>
module attributes {stable_mosaic.version = 14 : i64} {
  func.func @_sc_scatter_body(%arg0: i32, %arg1: i32, %arg2: memref<160000x32xf32, #tpu.memory_space<hbm>>, %arg3: memref<160000xi32, #tpu.memory_space<hbm>>, %arg4: memref<10000x32xf32, #tpu.memory_space<hbm>>, %arg5: memref<2x10000x32xf32, #tpu.memory_space<hbm>>, %arg6: memref<128xi32, #tpu.memory_space<vmem>>, %arg7: memref<128x32xf32, #tpu.memory_space<vmem>>, %arg8: memref<10000x32xf32, #tpu.memory_space<vmem_shared>>) attributes {dimension_semantics = [#tpu.dimension_semantics<core_parallel>, #tpu.dimension_semantics<subcore_parallel>], iteration_bounds = array<i64: 2, 16>, scalar_prefetch = 0 : i64, scratch_operands = 3 : i64, tpu.core_type = #tpu.core_type<sc_vector_subcore>, window_params = [{transform_indices = #map}, {transform_indices = #map1}, {transform_indices = #map}, {transform_indices = #map2}]} {
    %mul3A = arith.constant 2 : i32
    %mul3A_0 = arith.muli %arg1, %mul3A : i32
    %add3A = arith.addi %mul3A_0, %arg0 : i32
    %mul3A_1 = arith.constant 625 : i32
    %mul3A_2 = arith.muli %arg1, %mul3A_1 : i32
    %mul3A_3 = arith.constant 625 : i32
    %mul3A_4 = arith.muli %arg1, %mul3A_3 : i32
    "tpu.region"() ({
      %run_scoped3A = tpu.sem_alloc : memref<!tpu.dma_semaphore, #tpu.memory_space<semaphore_mem>>
      %dma_start3A = arith.constant 0 : i32
      %dma_start3A_15 = tpu.memref_slice %arg8[%mul3A_4, %dma_start3A] : memref<10000x32xf32, #tpu.memory_space<vmem_shared>> -> memref<625x32xf32, #tpu.memory_space<vmem_shared>>
      %dma_start3A_16 = arith.constant 0 : i32
      %dma_start3A_17 = tpu.memref_slice %arg4[%mul3A_2, %dma_start3A_16] : memref<10000x32xf32, #tpu.memory_space<hbm>> -> memref<625x32xf32, #tpu.memory_space<hbm>>
      tpu.enqueue_dma source(%dma_start3A_17 : memref<625x32xf32, #tpu.memory_space<hbm>>) target(%dma_start3A_15 : memref<625x32xf32, #tpu.memory_space<vmem_shared>>) target_semaphore(%run_scoped3A : memref<!tpu.dma_semaphore, #tpu.memory_space<semaphore_mem>>)
      %dma_wait3A = arith.constant 0 : i32
      %dma_wait3A_18 = tpu.memref_slice %arg8[%mul3A_4, %dma_wait3A] : memref<10000x32xf32, #tpu.memory_space<vmem_shared>> -> memref<625x32xf32, #tpu.memory_space<vmem_shared>>
      %dma_wait3A_19 = arith.constant 0 : i32
      %dma_wait3A_20 = tpu.memref_slice %arg4[%mul3A_2, %dma_wait3A_19] : memref<10000x32xf32, #tpu.memory_space<hbm>> -> memref<625x32xf32, #tpu.memory_space<hbm>>
      tpu.wait_dma2 semaphore(%run_scoped3A : memref<!tpu.dma_semaphore, #tpu.memory_space<semaphore_mem>>) src(%dma_wait3A_20 : memref<625x32xf32, #tpu.memory_space<hbm>>) dst(%dma_wait3A_18 : memref<625x32xf32, #tpu.memory_space<vmem_shared>>)
      tpu.yield
    }) : () -> ()
    %barrier3A = arith.constant 0 : index
    tpu.barrier barrier_id(%barrier3A)
    %scan3A = arith.constant 0 : i32
    %scan3A_5 = arith.constant 0 : i32
    %scan3A_6 = arith.constant 40 : i32
    %scan3A_7 = arith.addi %scan3A_5, %scan3A_6 : i32
    %scan3A_8 = arith.constant 1 : i32
    scf.for %scan3A_15 = %scan3A_5 to %scan3A_7 step %scan3A_8  : i32 {
      %mul3A_16 = arith.constant 32 : i32
      %mul3A_17 = arith.muli %mul3A_16, %scan3A_15 : i32
      %add3A_18 = arith.addi %add3A, %mul3A_17 : i32
      %lt3A = arith.constant 1250 : i32
      %lt3A_19 = arith.cmpi slt, %add3A_18, %lt3A : i32
      %convert_element_type3A = arith.extui %lt3A_19 : i1 to i32
      %cond3A = arith.constant 0 : i32
      %cond3A_20 = arith.cmpi ne, %convert_element_type3A, %cond3A : i32
      scf.if %cond3A_20 {
        %mul3A_21 = arith.constant 128 : i32
        %mul3A_22 = arith.muli %add3A_18, %mul3A_21 : i32
        "tpu.region"() ({
          %run_scoped3A = tpu.sem_alloc : memref<!tpu.dma_semaphore, #tpu.memory_space<semaphore_mem>>
          %dma_start3A = tpu.memref_slice %arg3[%mul3A_22] : memref<160000xi32, #tpu.memory_space<hbm>> -> memref<128xi32, #tpu.memory_space<hbm>>
          %dma_start3A_23 = tpu.memref_slice %arg3[%mul3A_22] : memref<160000xi32, #tpu.memory_space<hbm>> -> memref<128xi32, #tpu.memory_space<hbm>>
          tpu.enqueue_dma source(%dma_start3A_23 : memref<128xi32, #tpu.memory_space<hbm>>) target(%arg6 : memref<128xi32, #tpu.memory_space<vmem>>) target_semaphore(%run_scoped3A : memref<!tpu.dma_semaphore, #tpu.memory_space<semaphore_mem>>)
          %dma_wait3A = tpu.memref_slice %arg3[%mul3A_22] : memref<160000xi32, #tpu.memory_space<hbm>> -> memref<128xi32, #tpu.memory_space<hbm>>
          %dma_wait3A_24 = tpu.memref_slice %arg3[%mul3A_22] : memref<160000xi32, #tpu.memory_space<hbm>> -> memref<128xi32, #tpu.memory_space<hbm>>
          tpu.wait_dma2 semaphore(%run_scoped3A : memref<!tpu.dma_semaphore, #tpu.memory_space<semaphore_mem>>) src(%dma_wait3A_24 : memref<128xi32, #tpu.memory_space<hbm>>) dst(%arg6 : memref<128xi32, #tpu.memory_space<vmem>>)
          tpu.yield
        }) : () -> ()
        "tpu.region"() ({
          %run_scoped3A = tpu.sem_alloc : memref<!tpu.dma_semaphore, #tpu.memory_space<semaphore_mem>>
          %dma_start3A = arith.constant 0 : i32
          %dma_start3A_23 = tpu.memref_slice %arg2[%mul3A_22, %dma_start3A] : memref<160000x32xf32, #tpu.memory_space<hbm>> -> memref<128x32xf32, #tpu.memory_space<hbm>>
          %dma_start3A_24 = arith.constant 0 : i32
          %dma_start3A_25 = tpu.memref_slice %arg2[%mul3A_22, %dma_start3A_24] : memref<160000x32xf32, #tpu.memory_space<hbm>> -> memref<128x32xf32, #tpu.memory_space<hbm>>
          tpu.enqueue_dma source(%dma_start3A_25 : memref<128x32xf32, #tpu.memory_space<hbm>>) target(%arg7 : memref<128x32xf32, #tpu.memory_space<vmem>>) target_semaphore(%run_scoped3A : memref<!tpu.dma_semaphore, #tpu.memory_space<semaphore_mem>>)
          %dma_wait3A = arith.constant 0 : i32
          %dma_wait3A_26 = tpu.memref_slice %arg2[%mul3A_22, %dma_wait3A] : memref<160000x32xf32, #tpu.memory_space<hbm>> -> memref<128x32xf32, #tpu.memory_space<hbm>>
          %dma_wait3A_27 = arith.constant 0 : i32
          %dma_wait3A_28 = tpu.memref_slice %arg2[%mul3A_22, %dma_wait3A_27] : memref<160000x32xf32, #tpu.memory_space<hbm>> -> memref<128x32xf32, #tpu.memory_space<hbm>>
          tpu.wait_dma2 semaphore(%run_scoped3A : memref<!tpu.dma_semaphore, #tpu.memory_space<semaphore_mem>>) src(%dma_wait3A_28 : memref<128x32xf32, #tpu.memory_space<hbm>>) dst(%arg7 : memref<128x32xf32, #tpu.memory_space<vmem>>)
          tpu.yield
        }) : () -> ()
        "tpu.region"() ({
          %run_scoped3A = tpu.sem_alloc : memref<!tpu.dma_semaphore, #tpu.memory_space<semaphore_mem>>
          %dma_start3A = arith.constant 0 : i32
          %dma_start3A_23 = arith.constant 0 : i32
          %dma_start3A_24 = tpu.memref_slice %arg8[%dma_start3A, %dma_start3A_23] : memref<10000x32xf32, #tpu.memory_space<vmem_shared>> -> memref<10000x32xf32, #tpu.memory_space<vmem_shared>>
          tpu.enqueue_indirect_dma source(%arg7 : memref<128x32xf32, #tpu.memory_space<vmem>>) target(%dma_start3A_24 : memref<10000x32xf32, #tpu.memory_space<vmem_shared>>) offsets(%arg6 : memref<128xi32, #tpu.memory_space<vmem>>) semaphore(%run_scoped3A : memref<!tpu.dma_semaphore, #tpu.memory_space<semaphore_mem>>) {add = true}
          %dma_wait3A = arith.constant 0 : i32
          %dma_wait3A_25 = arith.constant 0 : i32
          %dma_wait3A_26 = tpu.memref_slice %arg8[%dma_wait3A, %dma_wait3A_25] : memref<10000x32xf32, #tpu.memory_space<vmem_shared>> -> memref<10000x32xf32, #tpu.memory_space<vmem_shared>>
          tpu.wait_indirect_dma semaphore(%run_scoped3A : memref<!tpu.dma_semaphore, #tpu.memory_space<semaphore_mem>>) src(%arg7 : memref<128x32xf32, #tpu.memory_space<vmem>>) dst(%dma_wait3A_26 : memref<10000x32xf32, #tpu.memory_space<vmem_shared>>)
          tpu.yield
        }) : () -> ()
      } else {
      }
    }
    %scan3A_9 = arith.constant 40 : i32
    %barrier3A_10 = arith.constant 0 : index
    tpu.barrier barrier_id(%barrier3A_10)
    %mul3A_11 = arith.constant 625 : i32
    %mul3A_12 = arith.muli %arg1, %mul3A_11 : i32
    %mul3A_13 = arith.constant 625 : i32
    %mul3A_14 = arith.muli %arg1, %mul3A_13 : i32
    "tpu.region"() ({
      %run_scoped3A = tpu.sem_alloc : memref<!tpu.dma_semaphore, #tpu.memory_space<semaphore_mem>>
      %dma_start3A = arith.constant 0 : i32
      %dma_start3A_15 = tpu.memref_slice %arg5[%arg0, %mul3A_14, %dma_start3A] : memref<2x10000x32xf32, #tpu.memory_space<hbm>> -> memref<1x625x32xf32, #tpu.memory_space<hbm>>
      %dma_start3A_16 = tpu.memref_squeeze %dma_start3A_15 : memref<1x625x32xf32, #tpu.memory_space<hbm>> -> memref<625x32xf32, #tpu.memory_space<hbm>>
      %dma_start3A_17 = arith.constant 0 : i32
      %dma_start3A_18 = tpu.memref_slice %arg8[%mul3A_12, %dma_start3A_17] : memref<10000x32xf32, #tpu.memory_space<vmem_shared>> -> memref<625x32xf32, #tpu.memory_space<vmem_shared>>
      tpu.enqueue_dma source(%dma_start3A_18 : memref<625x32xf32, #tpu.memory_space<vmem_shared>>) target(%dma_start3A_16 : memref<625x32xf32, #tpu.memory_space<hbm>>) target_semaphore(%run_scoped3A : memref<!tpu.dma_semaphore, #tpu.memory_space<semaphore_mem>>)
      %dma_wait3A = arith.constant 0 : i32
      %dma_wait3A_19 = tpu.memref_slice %arg5[%arg0, %mul3A_14, %dma_wait3A] : memref<2x10000x32xf32, #tpu.memory_space<hbm>> -> memref<1x625x32xf32, #tpu.memory_space<hbm>>
      %dma_wait3A_20 = tpu.memref_squeeze %dma_wait3A_19 : memref<1x625x32xf32, #tpu.memory_space<hbm>> -> memref<625x32xf32, #tpu.memory_space<hbm>>
      %dma_wait3A_21 = arith.constant 0 : i32
      %dma_wait3A_22 = tpu.memref_slice %arg8[%mul3A_12, %dma_wait3A_21] : memref<10000x32xf32, #tpu.memory_space<vmem_shared>> -> memref<625x32xf32, #tpu.memory_space<vmem_shared>>
      tpu.wait_dma2 semaphore(%run_scoped3A : memref<!tpu.dma_semaphore, #tpu.memory_space<semaphore_mem>>) src(%dma_wait3A_22 : memref<625x32xf32, #tpu.memory_space<vmem_shared>>) dst(%dma_wait3A_20 : memref<625x32xf32, #tpu.memory_space<hbm>>)
      tpu.yield
    }) : () -> ()
    return
  }
}

#map = affine_map<(d0, d1) -> (0, 0)>
#map1 = affine_map<(d0, d1) -> (0)>
#map2 = affine_map<(d0, d1) -> (0, 0, 0)>
module attributes {stable_mosaic.version = 14 : i64} {
  func.func @_sc_scatter_body(%arg0: i32, %arg1: i32, %arg2: memref<160000x32xf32, #tpu.memory_space<hbm>>, %arg3: memref<160000xi32, #tpu.memory_space<hbm>>, %arg4: memref<10000x32xf32, #tpu.memory_space<hbm>>, %arg5: memref<2x10000x32xf32, #tpu.memory_space<hbm>>, %arg6: memref<128xi32, #tpu.memory_space<vmem>>, %arg7: memref<128x32xf32, #tpu.memory_space<vmem>>, %arg8: memref<10000x32xf32, #tpu.memory_space<vmem_shared>>) attributes {dimension_semantics = [#tpu.dimension_semantics<core_parallel>, #tpu.dimension_semantics<subcore_parallel>], iteration_bounds = array<i64: 2, 16>, scalar_prefetch = 0 : i64, scratch_operands = 3 : i64, tpu.core_type = #tpu.core_type<sc_vector_subcore>, window_params = [{transform_indices = #map}, {transform_indices = #map1}, {transform_indices = #map}, {transform_indices = #map2}]} {
    %mul3A = arith.constant 2 : i32
    %mul3A_0 = arith.muli %arg1, %mul3A : i32
    %add3A = arith.addi %mul3A_0, %arg0 : i32
    %mul3A_1 = arith.constant 625 : i32
    %mul3A_2 = arith.muli %arg1, %mul3A_1 : i32
    %mul3A_3 = arith.constant 625 : i32
    %mul3A_4 = arith.muli %arg1, %mul3A_3 : i32
    "tpu.region"() ({
      %run_scoped3A = tpu.sem_alloc : memref<!tpu.dma_semaphore, #tpu.memory_space<semaphore_mem>>
      %dma_start3A = arith.constant 0 : i32
      %dma_start3A_15 = tpu.memref_slice %arg8[%mul3A_4, %dma_start3A] : memref<10000x32xf32, #tpu.memory_space<vmem_shared>> -> memref<625x32xf32, #tpu.memory_space<vmem_shared>>
      %dma_start3A_16 = arith.constant 0 : i32
      %dma_start3A_17 = tpu.memref_slice %arg4[%mul3A_2, %dma_start3A_16] : memref<10000x32xf32, #tpu.memory_space<hbm>> -> memref<625x32xf32, #tpu.memory_space<hbm>>
      tpu.enqueue_dma source(%dma_start3A_17 : memref<625x32xf32, #tpu.memory_space<hbm>>) target(%dma_start3A_15 : memref<625x32xf32, #tpu.memory_space<vmem_shared>>) target_semaphore(%run_scoped3A : memref<!tpu.dma_semaphore, #tpu.memory_space<semaphore_mem>>)
      %dma_wait3A = arith.constant 0 : i32
      %dma_wait3A_18 = tpu.memref_slice %arg8[%mul3A_4, %dma_wait3A] : memref<10000x32xf32, #tpu.memory_space<vmem_shared>> -> memref<625x32xf32, #tpu.memory_space<vmem_shared>>
      %dma_wait3A_19 = arith.constant 0 : i32
      %dma_wait3A_20 = tpu.memref_slice %arg4[%mul3A_2, %dma_wait3A_19] : memref<10000x32xf32, #tpu.memory_space<hbm>> -> memref<625x32xf32, #tpu.memory_space<hbm>>
      tpu.wait_dma2 semaphore(%run_scoped3A : memref<!tpu.dma_semaphore, #tpu.memory_space<semaphore_mem>>) src(%dma_wait3A_20 : memref<625x32xf32, #tpu.memory_space<hbm>>) dst(%dma_wait3A_18 : memref<625x32xf32, #tpu.memory_space<vmem_shared>>)
      tpu.yield
    }) : () -> ()
    %barrier3A = arith.constant 0 : index
    tpu.barrier barrier_id(%barrier3A)
    %scan3A = arith.constant 0 : i32
    %scan3A_5 = arith.constant 0 : i32
    %scan3A_6 = arith.constant 40 : i32
    %scan3A_7 = arith.addi %scan3A_5, %scan3A_6 : i32
    %scan3A_8 = arith.constant 1 : i32
    scf.for %scan3A_15 = %scan3A_5 to %scan3A_7 step %scan3A_8  : i32 {
      %mul3A_16 = arith.constant 32 : i32
      %mul3A_17 = arith.muli %mul3A_16, %scan3A_15 : i32
      %add3A_18 = arith.addi %add3A, %mul3A_17 : i32
      %lt3A = arith.constant 1250 : i32
      %lt3A_19 = arith.cmpi slt, %add3A_18, %lt3A : i32
      %convert_element_type3A = arith.extui %lt3A_19 : i1 to i32
      %cond3A = arith.constant 0 : i32
      %cond3A_20 = arith.cmpi ne, %convert_element_type3A, %cond3A : i32
      scf.if %cond3A_20 {
        %mul3A_21 = arith.constant 128 : i32
        %mul3A_22 = arith.muli %add3A_18, %mul3A_21 : i32
        "tpu.region"() ({
          %run_scoped3A = tpu.sem_alloc : memref<!tpu.dma_semaphore, #tpu.memory_space<semaphore_mem>>
          %dma_start3A = tpu.memref_slice %arg3[%mul3A_22] : memref<160000xi32, #tpu.memory_space<hbm>> -> memref<128xi32, #tpu.memory_space<hbm>>
          %dma_start3A_23 = tpu.memref_slice %arg3[%mul3A_22] : memref<160000xi32, #tpu.memory_space<hbm>> -> memref<128xi32, #tpu.memory_space<hbm>>
          tpu.enqueue_dma source(%dma_start3A_23 : memref<128xi32, #tpu.memory_space<hbm>>) target(%arg6 : memref<128xi32, #tpu.memory_space<vmem>>) target_semaphore(%run_scoped3A : memref<!tpu.dma_semaphore, #tpu.memory_space<semaphore_mem>>)
          %dma_wait3A = tpu.memref_slice %arg3[%mul3A_22] : memref<160000xi32, #tpu.memory_space<hbm>> -> memref<128xi32, #tpu.memory_space<hbm>>
          %dma_wait3A_24 = tpu.memref_slice %arg3[%mul3A_22] : memref<160000xi32, #tpu.memory_space<hbm>> -> memref<128xi32, #tpu.memory_space<hbm>>
          tpu.wait_dma2 semaphore(%run_scoped3A : memref<!tpu.dma_semaphore, #tpu.memory_space<semaphore_mem>>) src(%dma_wait3A_24 : memref<128xi32, #tpu.memory_space<hbm>>) dst(%arg6 : memref<128xi32, #tpu.memory_space<vmem>>)
          tpu.yield
        }) : () -> ()
        "tpu.region"() ({
          %run_scoped3A = tpu.sem_alloc : memref<!tpu.dma_semaphore, #tpu.memory_space<semaphore_mem>>
          %dma_start3A = arith.constant 0 : i32
          %dma_start3A_23 = tpu.memref_slice %arg2[%mul3A_22, %dma_start3A] : memref<160000x32xf32, #tpu.memory_space<hbm>> -> memref<128x32xf32, #tpu.memory_space<hbm>>
          %dma_start3A_24 = arith.constant 0 : i32
          %dma_start3A_25 = tpu.memref_slice %arg2[%mul3A_22, %dma_start3A_24] : memref<160000x32xf32, #tpu.memory_space<hbm>> -> memref<128x32xf32, #tpu.memory_space<hbm>>
          tpu.enqueue_dma source(%dma_start3A_25 : memref<128x32xf32, #tpu.memory_space<hbm>>) target(%arg7 : memref<128x32xf32, #tpu.memory_space<vmem>>) target_semaphore(%run_scoped3A : memref<!tpu.dma_semaphore, #tpu.memory_space<semaphore_mem>>)
          %dma_wait3A = arith.constant 0 : i32
          %dma_wait3A_26 = tpu.memref_slice %arg2[%mul3A_22, %dma_wait3A] : memref<160000x32xf32, #tpu.memory_space<hbm>> -> memref<128x32xf32, #tpu.memory_space<hbm>>
          %dma_wait3A_27 = arith.constant 0 : i32
          %dma_wait3A_28 = tpu.memref_slice %arg2[%mul3A_22, %dma_wait3A_27] : memref<160000x32xf32, #tpu.memory_space<hbm>> -> memref<128x32xf32, #tpu.memory_space<hbm>>
          tpu.wait_dma2 semaphore(%run_scoped3A : memref<!tpu.dma_semaphore, #tpu.memory_space<semaphore_mem>>) src(%dma_wait3A_28 : memref<128x32xf32, #tpu.memory_space<hbm>>) dst(%arg7 : memref<128x32xf32, #tpu.memory_space<vmem>>)
          tpu.yield
        }) : () -> ()
        "tpu.region"() ({
          %run_scoped3A = tpu.sem_alloc : memref<!tpu.dma_semaphore, #tpu.memory_space<semaphore_mem>>
          %dma_start3A = arith.constant 0 : i32
          %dma_start3A_23 = arith.constant 0 : i32
          %dma_start3A_24 = tpu.memref_slice %arg8[%dma_start3A, %dma_start3A_23] : memref<10000x32xf32, #tpu.memory_space<vmem_shared>> -> memref<10000x32xf32, #tpu.memory_space<vmem_shared>>
          tpu.enqueue_indirect_dma source(%arg7 : memref<128x32xf32, #tpu.memory_space<vmem>>) target(%dma_start3A_24 : memref<10000x32xf32, #tpu.memory_space<vmem_shared>>) offsets(%arg6 : memref<128xi32, #tpu.memory_space<vmem>>) semaphore(%run_scoped3A : memref<!tpu.dma_semaphore, #tpu.memory_space<semaphore_mem>>) {add = true}
          %dma_wait3A = arith.constant 0 : i32
          %dma_wait3A_25 = arith.constant 0 : i32
          %dma_wait3A_26 = tpu.memref_slice %arg8[%dma_wait3A, %dma_wait3A_25] : memref<10000x32xf32, #tpu.memory_space<vmem_shared>> -> memref<10000x32xf32, #tpu.memory_space<vmem_shared>>
          tpu.wait_indirect_dma semaphore(%run_scoped3A : memref<!tpu.dma_semaphore, #tpu.memory_space<semaphore_mem>>) src(%arg7 : memref<128x32xf32, #tpu.memory_space<vmem>>) dst(%dma_wait3A_26 : memref<10000x32xf32, #tpu.memory_space<vmem_shared>>)
          tpu.yield
        }) : () -> ()
      } else {
      }
    }
    %scan3A_9 = arith.constant 40 : i32
    %barrier3A_10 = arith.constant 0 : index
    tpu.barrier barrier_id(%barrier3A_10)
    %mul3A_11 = arith.constant 625 : i32
    %mul3A_12 = arith.muli %arg1, %mul3A_11 : i32
    %mul3A_13 = arith.constant 625 : i32
    %mul3A_14 = arith.muli %arg1, %mul3A_13 : i32
    "tpu.region"() ({
      %run_scoped3A = tpu.sem_alloc : memref<!tpu.dma_semaphore, #tpu.memory_space<semaphore_mem>>
      %dma_start3A = arith.constant 0 : i32
      %dma_start3A_15 = tpu.memref_slice %arg5[%arg0, %mul3A_14, %dma_start3A] : memref<2x10000x32xf32, #tpu.memory_space<hbm>> -> memref<1x625x32xf32, #tpu.memory_space<hbm>>
      %dma_start3A_16 = tpu.memref_squeeze %dma_start3A_15 : memref<1x625x32xf32, #tpu.memory_space<hbm>> -> memref<625x32xf32, #tpu.memory_space<hbm>>
      %dma_start3A_17 = arith.constant 0 : i32
      %dma_start3A_18 = tpu.memref_slice %arg8[%mul3A_12, %dma_start3A_17] : memref<10000x32xf32, #tpu.memory_space<vmem_shared>> -> memref<625x32xf32, #tpu.memory_space<vmem_shared>>
      tpu.enqueue_dma source(%dma_start3A_18 : memref<625x32xf32, #tpu.memory_space<vmem_shared>>) target(%dma_start3A_16 : memref<625x32xf32, #tpu.memory_space<hbm>>) target_semaphore(%run_scoped3A : memref<!tpu.dma_semaphore, #tpu.memory_space<semaphore_mem>>)
      %dma_wait3A = arith.constant 0 : i32
      %dma_wait3A_19 = tpu.memref_slice %arg5[%arg0, %mul3A_14, %dma_wait3A] : memref<2x10000x32xf32, #tpu.memory_space<hbm>> -> memref<1x625x32xf32, #tpu.memory_space<hbm>>
      %dma_wait3A_20 = tpu.memref_squeeze %dma_wait3A_19 : memref<1x625x32xf32, #tpu.memory_space<hbm>> -> memref<625x32xf32, #tpu.memory_space<hbm>>
      %dma_wait3A_21 = arith.constant 0 : i32
      %dma_wait3A_22 = tpu.memref_slice %arg8[%mul3A_12, %dma_wait3A_21] : memref<10000x32xf32, #tpu.memory_space<vmem_shared>> -> memref<625x32xf32, #tpu.memory_space<vmem_shared>>
      tpu.wait_dma2 semaphore(%run_scoped3A : memref<!tpu.dma_semaphore, #tpu.memory_space<semaphore_mem>>) src(%dma_wait3A_22 : memref<625x32xf32, #tpu.memory_space<vmem_shared>>) dst(%dma_wait3A_20 : memref<625x32xf32, #tpu.memory_space<hbm>>)
      tpu.yield
    }) : () -> ()
    return
  }
}

#map = affine_map<(d0, d1) -> (0, 0)>
#map1 = affine_map<(d0, d1) -> (0)>
module attributes {stable_mosaic.version = 14 : i64} {
  func.func @_sc_gather_body(%arg0: i32, %arg1: i32, %arg2: memref<10000x32xf32, #tpu.memory_space<hbm>>, %arg3: memref<160000xi32, #tpu.memory_space<hbm>>, %arg4: memref<160000x32xf32, #tpu.memory_space<hbm>>, %arg5: memref<128xi32, #tpu.memory_space<vmem>>, %arg6: memref<128x32xf32, #tpu.memory_space<vmem>>, %arg7: memref<!tpu.dma_semaphore, #tpu.memory_space<semaphore_mem>>) attributes {dimension_semantics = [#tpu.dimension_semantics<core_parallel>, #tpu.dimension_semantics<subcore_parallel>], iteration_bounds = array<i64: 2, 16>, scalar_prefetch = 0 : i64, scratch_operands = 3 : i64, tpu.core_type = #tpu.core_type<sc_vector_subcore>, window_params = [{transform_indices = #map}, {transform_indices = #map1}, {transform_indices = #map}]} {
    %mul3A = arith.constant 2 : i32
    %mul3A_0 = arith.muli %arg1, %mul3A : i32
    %add3A = arith.addi %mul3A_0, %arg0 : i32
    %scan3A = arith.constant 0 : i32
    %scan3A_1 = arith.constant 0 : i32
    %scan3A_2 = arith.constant 40 : i32
    %scan3A_3 = arith.addi %scan3A_1, %scan3A_2 : i32
    %scan3A_4 = arith.constant 1 : i32
    scf.for %scan3A_6 = %scan3A_1 to %scan3A_3 step %scan3A_4  : i32 {
      %mul3A_7 = arith.constant 32 : i32
      %mul3A_8 = arith.muli %mul3A_7, %scan3A_6 : i32
      %add3A_9 = arith.addi %add3A, %mul3A_8 : i32
      %lt3A = arith.constant 1250 : i32
      %lt3A_10 = arith.cmpi slt, %add3A_9, %lt3A : i32
      %convert_element_type3A = arith.extui %lt3A_10 : i1 to i32
      %cond3A = arith.constant 0 : i32
      %cond3A_11 = arith.cmpi ne, %convert_element_type3A, %cond3A : i32
      scf.if %cond3A_11 {
        %mul3A_12 = arith.constant 128 : i32
        %mul3A_13 = arith.muli %add3A_9, %mul3A_12 : i32
        "tpu.region"() ({
          %run_scoped3A = tpu.sem_alloc : memref<!tpu.dma_semaphore, #tpu.memory_space<semaphore_mem>>
          %dma_start3A_18 = tpu.memref_slice %arg3[%mul3A_13] : memref<160000xi32, #tpu.memory_space<hbm>> -> memref<128xi32, #tpu.memory_space<hbm>>
          %dma_start3A_19 = tpu.memref_slice %arg3[%mul3A_13] : memref<160000xi32, #tpu.memory_space<hbm>> -> memref<128xi32, #tpu.memory_space<hbm>>
          tpu.enqueue_dma source(%dma_start3A_19 : memref<128xi32, #tpu.memory_space<hbm>>) target(%arg5 : memref<128xi32, #tpu.memory_space<vmem>>) target_semaphore(%run_scoped3A : memref<!tpu.dma_semaphore, #tpu.memory_space<semaphore_mem>>)
          %dma_wait3A_20 = tpu.memref_slice %arg3[%mul3A_13] : memref<160000xi32, #tpu.memory_space<hbm>> -> memref<128xi32, #tpu.memory_space<hbm>>
          %dma_wait3A_21 = tpu.memref_slice %arg3[%mul3A_13] : memref<160000xi32, #tpu.memory_space<hbm>> -> memref<128xi32, #tpu.memory_space<hbm>>
          tpu.wait_dma2 semaphore(%run_scoped3A : memref<!tpu.dma_semaphore, #tpu.memory_space<semaphore_mem>>) src(%dma_wait3A_21 : memref<128xi32, #tpu.memory_space<hbm>>) dst(%arg5 : memref<128xi32, #tpu.memory_space<vmem>>)
          tpu.yield
        }) : () -> ()
        %dma_start3A = arith.constant 0 : i32
        %dma_start3A_14 = arith.constant 0 : i32
        %dma_start3A_15 = tpu.memref_slice %arg2[%dma_start3A, %dma_start3A_14] : memref<10000x32xf32, #tpu.memory_space<hbm>> -> memref<10000x32xf32, #tpu.memory_space<hbm>>
        tpu.enqueue_indirect_dma source(%dma_start3A_15 : memref<10000x32xf32, #tpu.memory_space<hbm>>) target(%arg6 : memref<128x32xf32, #tpu.memory_space<vmem>>) offsets(%arg5 : memref<128xi32, #tpu.memory_space<vmem>>) semaphore(%arg7 : memref<!tpu.dma_semaphore, #tpu.memory_space<semaphore_mem>>)
        %dma_wait3A = arith.constant 0 : i32
        %dma_wait3A_16 = arith.constant 0 : i32
        %dma_wait3A_17 = tpu.memref_slice %arg2[%dma_wait3A, %dma_wait3A_16] : memref<10000x32xf32, #tpu.memory_space<hbm>> -> memref<10000x32xf32, #tpu.memory_space<hbm>>
        tpu.wait_indirect_dma semaphore(%arg7 : memref<!tpu.dma_semaphore, #tpu.memory_space<semaphore_mem>>) src(%dma_wait3A_17 : memref<10000x32xf32, #tpu.memory_space<hbm>>) dst(%arg6 : memref<128x32xf32, #tpu.memory_space<vmem>>)
        "tpu.region"() ({
          %run_scoped3A = tpu.sem_alloc : memref<!tpu.dma_semaphore, #tpu.memory_space<semaphore_mem>>
          %dma_start3A_18 = arith.constant 0 : i32
          %dma_start3A_19 = tpu.memref_slice %arg4[%mul3A_13, %dma_start3A_18] : memref<160000x32xf32, #tpu.memory_space<hbm>> -> memref<128x32xf32, #tpu.memory_space<hbm>>
          %dma_start3A_20 = arith.constant 0 : i32
          %dma_start3A_21 = tpu.memref_slice %arg4[%mul3A_13, %dma_start3A_20] : memref<160000x32xf32, #tpu.memory_space<hbm>> -> memref<128x32xf32, #tpu.memory_space<hbm>>
          tpu.enqueue_dma source(%arg6 : memref<128x32xf32, #tpu.memory_space<vmem>>) target(%dma_start3A_21 : memref<128x32xf32, #tpu.memory_space<hbm>>) target_semaphore(%run_scoped3A : memref<!tpu.dma_semaphore, #tpu.memory_space<semaphore_mem>>)
          %dma_wait3A_22 = arith.constant 0 : i32
          %dma_wait3A_23 = tpu.memref_slice %arg4[%mul3A_13, %dma_wait3A_22] : memref<160000x32xf32, #tpu.memory_space<hbm>> -> memref<128x32xf32, #tpu.memory_space<hbm>>
          %dma_wait3A_24 = arith.constant 0 : i32
          %dma_wait3A_25 = tpu.memref_slice %arg4[%mul3A_13, %dma_wait3A_24] : memref<160000x32xf32, #tpu.memory_space<hbm>> -> memref<128x32xf32, #tpu.memory_space<hbm>>
          tpu.wait_dma2 semaphore(%run_scoped3A : memref<!tpu.dma_semaphore, #tpu.memory_space<semaphore_mem>>) src(%arg6 : memref<128x32xf32, #tpu.memory_space<vmem>>) dst(%dma_wait3A_25 : memref<128x32xf32, #tpu.memory_space<hbm>>)
          tpu.yield
        }) : () -> ()
      } else {
      }
    }
    %scan3A_5 = arith.constant 40 : i32
    return
  }
}

#map = affine_map<(d0, d1) -> (0, 0)>
#map1 = affine_map<(d0, d1) -> (0)>
#map2 = affine_map<(d0, d1) -> (0, 0, 0)>
module attributes {stable_mosaic.version = 14 : i64} {
  func.func @_sc_scatter_body(%arg0: i32, %arg1: i32, %arg2: memref<160000x32xf32, #tpu.memory_space<hbm>>, %arg3: memref<160000xi32, #tpu.memory_space<hbm>>, %arg4: memref<10000x32xf32, #tpu.memory_space<hbm>>, %arg5: memref<2x10000x32xf32, #tpu.memory_space<hbm>>, %arg6: memref<128xi32, #tpu.memory_space<vmem>>, %arg7: memref<128x32xf32, #tpu.memory_space<vmem>>, %arg8: memref<10000x32xf32, #tpu.memory_space<vmem_shared>>) attributes {dimension_semantics = [#tpu.dimension_semantics<core_parallel>, #tpu.dimension_semantics<subcore_parallel>], iteration_bounds = array<i64: 2, 16>, scalar_prefetch = 0 : i64, scratch_operands = 3 : i64, tpu.core_type = #tpu.core_type<sc_vector_subcore>, window_params = [{transform_indices = #map}, {transform_indices = #map1}, {transform_indices = #map}, {transform_indices = #map2}]} {
    %mul3A = arith.constant 2 : i32
    %mul3A_0 = arith.muli %arg1, %mul3A : i32
    %add3A = arith.addi %mul3A_0, %arg0 : i32
    %mul3A_1 = arith.constant 625 : i32
    %mul3A_2 = arith.muli %arg1, %mul3A_1 : i32
    %mul3A_3 = arith.constant 625 : i32
    %mul3A_4 = arith.muli %arg1, %mul3A_3 : i32
    "tpu.region"() ({
      %run_scoped3A = tpu.sem_alloc : memref<!tpu.dma_semaphore, #tpu.memory_space<semaphore_mem>>
      %dma_start3A = arith.constant 0 : i32
      %dma_start3A_15 = tpu.memref_slice %arg8[%mul3A_4, %dma_start3A] : memref<10000x32xf32, #tpu.memory_space<vmem_shared>> -> memref<625x32xf32, #tpu.memory_space<vmem_shared>>
      %dma_start3A_16 = arith.constant 0 : i32
      %dma_start3A_17 = tpu.memref_slice %arg4[%mul3A_2, %dma_start3A_16] : memref<10000x32xf32, #tpu.memory_space<hbm>> -> memref<625x32xf32, #tpu.memory_space<hbm>>
      tpu.enqueue_dma source(%dma_start3A_17 : memref<625x32xf32, #tpu.memory_space<hbm>>) target(%dma_start3A_15 : memref<625x32xf32, #tpu.memory_space<vmem_shared>>) target_semaphore(%run_scoped3A : memref<!tpu.dma_semaphore, #tpu.memory_space<semaphore_mem>>)
      %dma_wait3A = arith.constant 0 : i32
      %dma_wait3A_18 = tpu.memref_slice %arg8[%mul3A_4, %dma_wait3A] : memref<10000x32xf32, #tpu.memory_space<vmem_shared>> -> memref<625x32xf32, #tpu.memory_space<vmem_shared>>
      %dma_wait3A_19 = arith.constant 0 : i32
      %dma_wait3A_20 = tpu.memref_slice %arg4[%mul3A_2, %dma_wait3A_19] : memref<10000x32xf32, #tpu.memory_space<hbm>> -> memref<625x32xf32, #tpu.memory_space<hbm>>
      tpu.wait_dma2 semaphore(%run_scoped3A : memref<!tpu.dma_semaphore, #tpu.memory_space<semaphore_mem>>) src(%dma_wait3A_20 : memref<625x32xf32, #tpu.memory_space<hbm>>) dst(%dma_wait3A_18 : memref<625x32xf32, #tpu.memory_space<vmem_shared>>)
      tpu.yield
    }) : () -> ()
    %barrier3A = arith.constant 0 : index
    tpu.barrier barrier_id(%barrier3A)
    %scan3A = arith.constant 0 : i32
    %scan3A_5 = arith.constant 0 : i32
    %scan3A_6 = arith.constant 40 : i32
    %scan3A_7 = arith.addi %scan3A_5, %scan3A_6 : i32
    %scan3A_8 = arith.constant 1 : i32
    scf.for %scan3A_15 = %scan3A_5 to %scan3A_7 step %scan3A_8  : i32 {
      %mul3A_16 = arith.constant 32 : i32
      %mul3A_17 = arith.muli %mul3A_16, %scan3A_15 : i32
      %add3A_18 = arith.addi %add3A, %mul3A_17 : i32
      %lt3A = arith.constant 1250 : i32
      %lt3A_19 = arith.cmpi slt, %add3A_18, %lt3A : i32
      %convert_element_type3A = arith.extui %lt3A_19 : i1 to i32
      %cond3A = arith.constant 0 : i32
      %cond3A_20 = arith.cmpi ne, %convert_element_type3A, %cond3A : i32
      scf.if %cond3A_20 {
        %mul3A_21 = arith.constant 128 : i32
        %mul3A_22 = arith.muli %add3A_18, %mul3A_21 : i32
        "tpu.region"() ({
          %run_scoped3A = tpu.sem_alloc : memref<!tpu.dma_semaphore, #tpu.memory_space<semaphore_mem>>
          %dma_start3A = tpu.memref_slice %arg3[%mul3A_22] : memref<160000xi32, #tpu.memory_space<hbm>> -> memref<128xi32, #tpu.memory_space<hbm>>
          %dma_start3A_23 = tpu.memref_slice %arg3[%mul3A_22] : memref<160000xi32, #tpu.memory_space<hbm>> -> memref<128xi32, #tpu.memory_space<hbm>>
          tpu.enqueue_dma source(%dma_start3A_23 : memref<128xi32, #tpu.memory_space<hbm>>) target(%arg6 : memref<128xi32, #tpu.memory_space<vmem>>) target_semaphore(%run_scoped3A : memref<!tpu.dma_semaphore, #tpu.memory_space<semaphore_mem>>)
          %dma_wait3A = tpu.memref_slice %arg3[%mul3A_22] : memref<160000xi32, #tpu.memory_space<hbm>> -> memref<128xi32, #tpu.memory_space<hbm>>
          %dma_wait3A_24 = tpu.memref_slice %arg3[%mul3A_22] : memref<160000xi32, #tpu.memory_space<hbm>> -> memref<128xi32, #tpu.memory_space<hbm>>
          tpu.wait_dma2 semaphore(%run_scoped3A : memref<!tpu.dma_semaphore, #tpu.memory_space<semaphore_mem>>) src(%dma_wait3A_24 : memref<128xi32, #tpu.memory_space<hbm>>) dst(%arg6 : memref<128xi32, #tpu.memory_space<vmem>>)
          tpu.yield
        }) : () -> ()
        "tpu.region"() ({
          %run_scoped3A = tpu.sem_alloc : memref<!tpu.dma_semaphore, #tpu.memory_space<semaphore_mem>>
          %dma_start3A = arith.constant 0 : i32
          %dma_start3A_23 = tpu.memref_slice %arg2[%mul3A_22, %dma_start3A] : memref<160000x32xf32, #tpu.memory_space<hbm>> -> memref<128x32xf32, #tpu.memory_space<hbm>>
          %dma_start3A_24 = arith.constant 0 : i32
          %dma_start3A_25 = tpu.memref_slice %arg2[%mul3A_22, %dma_start3A_24] : memref<160000x32xf32, #tpu.memory_space<hbm>> -> memref<128x32xf32, #tpu.memory_space<hbm>>
          tpu.enqueue_dma source(%dma_start3A_25 : memref<128x32xf32, #tpu.memory_space<hbm>>) target(%arg7 : memref<128x32xf32, #tpu.memory_space<vmem>>) target_semaphore(%run_scoped3A : memref<!tpu.dma_semaphore, #tpu.memory_space<semaphore_mem>>)
          %dma_wait3A = arith.constant 0 : i32
          %dma_wait3A_26 = tpu.memref_slice %arg2[%mul3A_22, %dma_wait3A] : memref<160000x32xf32, #tpu.memory_space<hbm>> -> memref<128x32xf32, #tpu.memory_space<hbm>>
          %dma_wait3A_27 = arith.constant 0 : i32
          %dma_wait3A_28 = tpu.memref_slice %arg2[%mul3A_22, %dma_wait3A_27] : memref<160000x32xf32, #tpu.memory_space<hbm>> -> memref<128x32xf32, #tpu.memory_space<hbm>>
          tpu.wait_dma2 semaphore(%run_scoped3A : memref<!tpu.dma_semaphore, #tpu.memory_space<semaphore_mem>>) src(%dma_wait3A_28 : memref<128x32xf32, #tpu.memory_space<hbm>>) dst(%arg7 : memref<128x32xf32, #tpu.memory_space<vmem>>)
          tpu.yield
        }) : () -> ()
        "tpu.region"() ({
          %run_scoped3A = tpu.sem_alloc : memref<!tpu.dma_semaphore, #tpu.memory_space<semaphore_mem>>
          %dma_start3A = arith.constant 0 : i32
          %dma_start3A_23 = arith.constant 0 : i32
          %dma_start3A_24 = tpu.memref_slice %arg8[%dma_start3A, %dma_start3A_23] : memref<10000x32xf32, #tpu.memory_space<vmem_shared>> -> memref<10000x32xf32, #tpu.memory_space<vmem_shared>>
          tpu.enqueue_indirect_dma source(%arg7 : memref<128x32xf32, #tpu.memory_space<vmem>>) target(%dma_start3A_24 : memref<10000x32xf32, #tpu.memory_space<vmem_shared>>) offsets(%arg6 : memref<128xi32, #tpu.memory_space<vmem>>) semaphore(%run_scoped3A : memref<!tpu.dma_semaphore, #tpu.memory_space<semaphore_mem>>) {add = true}
          %dma_wait3A = arith.constant 0 : i32
          %dma_wait3A_25 = arith.constant 0 : i32
          %dma_wait3A_26 = tpu.memref_slice %arg8[%dma_wait3A, %dma_wait3A_25] : memref<10000x32xf32, #tpu.memory_space<vmem_shared>> -> memref<10000x32xf32, #tpu.memory_space<vmem_shared>>
          tpu.wait_indirect_dma semaphore(%run_scoped3A : memref<!tpu.dma_semaphore, #tpu.memory_space<semaphore_mem>>) src(%arg7 : memref<128x32xf32, #tpu.memory_space<vmem>>) dst(%dma_wait3A_26 : memref<10000x32xf32, #tpu.memory_space<vmem_shared>>)
          tpu.yield
        }) : () -> ()
      } else {
      }
    }
    %scan3A_9 = arith.constant 40 : i32
    %barrier3A_10 = arith.constant 0 : index
    tpu.barrier barrier_id(%barrier3A_10)
    %mul3A_11 = arith.constant 625 : i32
    %mul3A_12 = arith.muli %arg1, %mul3A_11 : i32
    %mul3A_13 = arith.constant 625 : i32
    %mul3A_14 = arith.muli %arg1, %mul3A_13 : i32
    "tpu.region"() ({
      %run_scoped3A = tpu.sem_alloc : memref<!tpu.dma_semaphore, #tpu.memory_space<semaphore_mem>>
      %dma_start3A = arith.constant 0 : i32
      %dma_start3A_15 = tpu.memref_slice %arg5[%arg0, %mul3A_14, %dma_start3A] : memref<2x10000x32xf32, #tpu.memory_space<hbm>> -> memref<1x625x32xf32, #tpu.memory_space<hbm>>
      %dma_start3A_16 = tpu.memref_squeeze %dma_start3A_15 : memref<1x625x32xf32, #tpu.memory_space<hbm>> -> memref<625x32xf32, #tpu.memory_space<hbm>>
      %dma_start3A_17 = arith.constant 0 : i32
      %dma_start3A_18 = tpu.memref_slice %arg8[%mul3A_12, %dma_start3A_17] : memref<10000x32xf32, #tpu.memory_space<vmem_shared>> -> memref<625x32xf32, #tpu.memory_space<vmem_shared>>
      tpu.enqueue_dma source(%dma_start3A_18 : memref<625x32xf32, #tpu.memory_space<vmem_shared>>) target(%dma_start3A_16 : memref<625x32xf32, #tpu.memory_space<hbm>>) target_semaphore(%run_scoped3A : memref<!tpu.dma_semaphore, #tpu.memory_space<semaphore_mem>>)
      %dma_wait3A = arith.constant 0 : i32
      %dma_wait3A_19 = tpu.memref_slice %arg5[%arg0, %mul3A_14, %dma_wait3A] : memref<2x10000x32xf32, #tpu.memory_space<hbm>> -> memref<1x625x32xf32, #tpu.memory_space<hbm>>
      %dma_wait3A_20 = tpu.memref_squeeze %dma_wait3A_19 : memref<1x625x32xf32, #tpu.memory_space<hbm>> -> memref<625x32xf32, #tpu.memory_space<hbm>>
      %dma_wait3A_21 = arith.constant 0 : i32
      %dma_wait3A_22 = tpu.memref_slice %arg8[%mul3A_12, %dma_wait3A_21] : memref<10000x32xf32, #tpu.memory_space<vmem_shared>> -> memref<625x32xf32, #tpu.memory_space<vmem_shared>>
      tpu.wait_dma2 semaphore(%run_scoped3A : memref<!tpu.dma_semaphore, #tpu.memory_space<semaphore_mem>>) src(%dma_wait3A_22 : memref<625x32xf32, #tpu.memory_space<vmem_shared>>) dst(%dma_wait3A_20 : memref<625x32xf32, #tpu.memory_space<hbm>>)
      tpu.yield
    }) : () -> ()
    return
  }
}

module attributes {stable_mosaic.version = 14 : i64} {
  func.func @_lin0_body(%arg0: i32, %arg1: memref<2000x128xf32, #tpu.memory_space<vmem>>, %arg2: memref<128x32xf32, #tpu.memory_space<vmem>>, %arg3: memref<1x32xf32, #tpu.memory_space<vmem>>, %arg4: memref<2000x32xf32, #tpu.memory_space<vmem>>) attributes {dimension_semantics = [#tpu.dimension_semantics<arbitrary>], iteration_bounds = array<i64: 5>, scalar_prefetch = 0 : i64, scratch_operands = 0 : i64, tpu.core_type = #tpu.core_type<tc>, window_params = [{transform_indices = @transform_0, window_bounds = array<i64: 2000, 128>}, {pipeline_mode = #tpu.pipeline_mode<synchronous>, transform_indices = @transform_1, window_bounds = array<i64: 128, 32>}, {pipeline_mode = #tpu.pipeline_mode<synchronous>, transform_indices = @transform_2, window_bounds = array<i64: 1, 32>}, {transform_indices = @transform_3, window_bounds = array<i64: 2000, 32>}]} {
    %get3A = arith.constant 0 : index
    %get3A_0 = arith.constant 0 : index
    %get3A_1 = vector.load %arg1[%get3A, %get3A_0] : memref<2000x128xf32, #tpu.memory_space<vmem>>, vector<2000x128xf32>
    %get3A_2 = arith.constant 0 : index
    %get3A_3 = arith.constant 0 : index
    %get3A_4 = vector.load %arg2[%get3A_2, %get3A_3] : memref<128x32xf32, #tpu.memory_space<vmem>>, vector<128x32xf32>
    %dot_general3A = arith.constant dense<0.000000e+00> : vector<2000x32xf32>
    %dot_general3A_5 = tpu.matmul %get3A_1, %get3A_4, %dot_general3A {dimension_numbers = #tpu.dot_dimension_numbers<[1], [0], [0], [1], [0, 0, 1, 1], [], []>, transpose_lhs_hint = false} : vector<2000x128xf32>, vector<128x32xf32>, vector<2000x32xf32> -> vector<2000x32xf32>
    %get3A_6 = arith.constant 0 : index
    %get3A_7 = arith.constant 0 : index
    %get3A_8 = vector.load %arg3[%get3A_6, %get3A_7] : memref<1x32xf32, #tpu.memory_space<vmem>>, vector<1x32xf32>
    %add3A = vector.broadcast %get3A_8 : vector<1x32xf32> to vector<2000x32xf32>
    %add3A_9 = arith.addf %dot_general3A_5, %add3A : vector<2000x32xf32>
    %ge3A = arith.constant 0.000000e+00 : f32
    %ge3A_10 = vector.broadcast %ge3A : f32 to vector<2000x32xf32>
    %ge3A_11 = arith.cmpf oge, %add3A_9, %ge3A_10 : vector<2000x32xf32>
    %mul3A = arith.constant 0.00999999977 : f32
    %mul3A_12 = vector.broadcast %mul3A : f32 to vector<2000x32xf32>
    %mul3A_13 = arith.mulf %mul3A_12, %add3A_9 : vector<2000x32xf32>
    %select_n3A = arith.select %ge3A_11, %add3A_9, %mul3A_13 : vector<2000x32xi1>, vector<2000x32xf32>
    %swap3A = arith.constant 0 : index
    %swap3A_14 = arith.constant 0 : index
    %swap3A_15 = vector.load %arg4[%swap3A, %swap3A_14] : memref<2000x32xf32, #tpu.memory_space<vmem>>, vector<2000x32xf32>
    tpu.vector_store %arg4[%swap3A, %swap3A_14], %select_n3A {strides = array<i32>} : memref<2000x32xf32, #tpu.memory_space<vmem>>, vector<2000x32xf32>,
    return
  }
  func.func @transform_0(%arg0: i32) -> (i32, i32) {
    %c0_i32 = arith.constant 0 : i32
    %c0_i32_0 = arith.constant 0 : i32
    return %arg0, %c0_i32 : i32, i32
  }
  func.func @transform_1(%arg0: i32) -> (i32, i32) {
    %c0_i32 = arith.constant 0 : i32
    %c0_i32_0 = arith.constant 0 : i32
    %c0_i32_1 = arith.constant 0 : i32
    return %c0_i32, %c0_i32_0 : i32, i32
  }
  func.func @transform_2(%arg0: i32) -> (i32, i32) {
    %c0_i32 = arith.constant 0 : i32
    %c0_i32_0 = arith.constant 0 : i32
    %c0_i32_1 = arith.constant 0 : i32
    return %c0_i32, %c0_i32_0 : i32, i32
  }
  func.func @transform_3(%arg0: i32) -> (i32, i32) {
    %c0_i32 = arith.constant 0 : i32
    %c0_i32_0 = arith.constant 0 : i32
    return %arg0, %c0_i32 : i32, i32
  }
}

module attributes {stable_mosaic.version = 14 : i64} {
  func.func @_msg_body(%arg0: i32, %arg1: memref<5000x4xf32, #tpu.memory_space<vmem>>, %arg2: memref<5000x32xf32, #tpu.memory_space<vmem>>, %arg3: memref<4x128xf32, #tpu.memory_space<vmem>>, %arg4: memref<1x128xf32, #tpu.memory_space<vmem>>, %arg5: memref<128x1024xf32, #tpu.memory_space<vmem>>, %arg6: memref<1x1024xf32, #tpu.memory_space<vmem>>, %arg7: memref<1024x32xf32, #tpu.memory_space<vmem>>, %arg8: memref<5000x32xf32, #tpu.memory_space<vmem>>) attributes {dimension_semantics = [#tpu.dimension_semantics<arbitrary>], iteration_bounds = array<i64: 32>, scalar_prefetch = 0 : i64, scratch_operands = 0 : i64, tpu.core_type = #tpu.core_type<tc>, window_params = [{transform_indices = @transform_0, window_bounds = array<i64: 5000, 4>}, {transform_indices = @transform_1, window_bounds = array<i64: 5000, 32>}, {pipeline_mode = #tpu.pipeline_mode<synchronous>, transform_indices = @transform_2, window_bounds = array<i64: 4, 128>}, {pipeline_mode = #tpu.pipeline_mode<synchronous>, transform_indices = @transform_3, window_bounds = array<i64: 1, 128>}, {pipeline_mode = #tpu.pipeline_mode<synchronous>, transform_indices = @transform_4, window_bounds = array<i64: 128, 1024>}, {pipeline_mode = #tpu.pipeline_mode<synchronous>, transform_indices = @transform_5, window_bounds = array<i64: 1, 1024>}, {pipeline_mode = #tpu.pipeline_mode<synchronous>, transform_indices = @transform_6, window_bounds = array<i64: 1024, 32>}, {transform_indices = @transform_7, window_bounds = array<i64: 5000, 32>}]} {
    %get3A = arith.constant 0 : index
    %get3A_0 = arith.constant 0 : index
    %get3A_1 = vector.load %arg1[%get3A, %get3A_0] : memref<5000x4xf32, #tpu.memory_space<vmem>>, vector<5000x4xf32>
    %get3A_2 = arith.constant 0 : index
    %get3A_3 = arith.constant 0 : index
    %get3A_4 = vector.load %arg2[%get3A_2, %get3A_3] : memref<5000x32xf32, #tpu.memory_space<vmem>>, vector<5000x32xf32>
    %get3A_5 = arith.constant 0 : index
    %get3A_6 = arith.constant 0 : index
    %get3A_7 = vector.load %arg3[%get3A_5, %get3A_6] : memref<4x128xf32, #tpu.memory_space<vmem>>, vector<4x128xf32>
    %dot_general3A = arith.constant dense<0.000000e+00> : vector<5000x128xf32>
    %dot_general3A_8 = tpu.matmul %get3A_1, %get3A_7, %dot_general3A {dimension_numbers = #tpu.dot_dimension_numbers<[1], [0], [0], [1], [0, 0, 1, 1], [], []>, transpose_lhs_hint = false} : vector<5000x4xf32>, vector<4x128xf32>, vector<5000x128xf32> -> vector<5000x128xf32>
    %get3A_9 = arith.constant 0 : index
    %get3A_10 = arith.constant 0 : index
    %get3A_11 = vector.load %arg4[%get3A_9, %get3A_10] : memref<1x128xf32, #tpu.memory_space<vmem>>, vector<1x128xf32>
    %add3A = vector.broadcast %get3A_11 : vector<1x128xf32> to vector<5000x128xf32>
    %add3A_12 = arith.addf %dot_general3A_8, %add3A : vector<5000x128xf32>
    %ge3A = arith.constant 0.000000e+00 : f32
    %ge3A_13 = vector.broadcast %ge3A : f32 to vector<5000x128xf32>
    %ge3A_14 = arith.cmpf oge, %add3A_12, %ge3A_13 : vector<5000x128xf32>
    %mul3A = arith.constant 0.00999999977 : f32
    %mul3A_15 = vector.broadcast %mul3A : f32 to vector<5000x128xf32>
    %mul3A_16 = arith.mulf %mul3A_15, %add3A_12 : vector<5000x128xf32>
    %select_n3A = arith.select %ge3A_14, %add3A_12, %mul3A_16 : vector<5000x128xi1>, vector<5000x128xf32>
    %get3A_17 = arith.constant 0 : index
    %get3A_18 = arith.constant 0 : index
    %get3A_19 = vector.load %arg5[%get3A_17, %get3A_18] : memref<128x1024xf32, #tpu.memory_space<vmem>>, vector<128x1024xf32>
    %dot_general3A_20 = arith.constant dense<0.000000e+00> : vector<5000x1024xf32>
    %dot_general3A_21 = tpu.matmul %select_n3A, %get3A_19, %dot_general3A_20 {dimension_numbers = #tpu.dot_dimension_numbers<[1], [0], [0], [1], [0, 0, 1, 1], [], []>, transpose_lhs_hint = false} : vector<5000x128xf32>, vector<128x1024xf32>, vector<5000x1024xf32> -> vector<5000x1024xf32>
    %get3A_22 = arith.constant 0 : index
    %get3A_23 = arith.constant 0 : index
    %get3A_24 = vector.load %arg6[%get3A_22, %get3A_23] : memref<1x1024xf32, #tpu.memory_space<vmem>>, vector<1x1024xf32>
    %add3A_25 = vector.broadcast %get3A_24 : vector<1x1024xf32> to vector<5000x1024xf32>
    %add3A_26 = arith.addf %dot_general3A_21, %add3A_25 : vector<5000x1024xf32>
    %tile3A = tpu.concatenate %get3A_4, %get3A_4, %get3A_4, %get3A_4, %get3A_4, %get3A_4, %get3A_4, %get3A_4, %get3A_4, %get3A_4, %get3A_4, %get3A_4, %get3A_4, %get3A_4, %get3A_4, %get3A_4, %get3A_4, %get3A_4, %get3A_4, %get3A_4, %get3A_4, %get3A_4, %get3A_4, %get3A_4, %get3A_4, %get3A_4, %get3A_4, %get3A_4, %get3A_4, %get3A_4, %get3A_4, %get3A_4 in 1 : vector<5000x32xf32>, vector<5000x32xf32>, vector<5000x32xf32>, vector<5000x32xf32>, vector<5000x32xf32>, vector<5000x32xf32>, vector<5000x32xf32>, vector<5000x32xf32>, vector<5000x32xf32>, vector<5000x32xf32>, vector<5000x32xf32>, vector<5000x32xf32>, vector<5000x32xf32>, vector<5000x32xf32>, vector<5000x32xf32>, vector<5000x32xf32>, vector<5000x32xf32>, vector<5000x32xf32>, vector<5000x32xf32>, vector<5000x32xf32>, vector<5000x32xf32>, vector<5000x32xf32>, vector<5000x32xf32>, vector<5000x32xf32>, vector<5000x32xf32>, vector<5000x32xf32>, vector<5000x32xf32>, vector<5000x32xf32>, vector<5000x32xf32>, vector<5000x32xf32>, vector<5000x32xf32>, vector<5000x32xf32> -> vector<5000x1024xf32>
    %mul3A_27 = arith.mulf %add3A_26, %tile3A : vector<5000x1024xf32>
    %get3A_28 = arith.constant 0 : index
    %get3A_29 = arith.constant 0 : index
    %get3A_30 = vector.load %arg7[%get3A_28, %get3A_29] : memref<1024x32xf32, #tpu.memory_space<vmem>>, vector<1024x32xf32>
    %dot_general3A_31 = arith.constant dense<0.000000e+00> : vector<5000x32xf32>
    %dot_general3A_32 = tpu.matmul %mul3A_27, %get3A_30, %dot_general3A_31 {dimension_numbers = #tpu.dot_dimension_numbers<[1], [0], [0], [1], [0, 0, 1, 1], [], []>, transpose_lhs_hint = false} : vector<5000x1024xf32>, vector<1024x32xf32>, vector<5000x32xf32> -> vector<5000x32xf32>
    %swap3A = arith.constant 0 : index
    %swap3A_33 = arith.constant 0 : index
    %swap3A_34 = vector.load %arg8[%swap3A, %swap3A_33] : memref<5000x32xf32, #tpu.memory_space<vmem>>, vector<5000x32xf32>
    tpu.vector_store %arg8[%swap3A, %swap3A_33], %dot_general3A_32 {strides = array<i32>} : memref<5000x32xf32, #tpu.memory_space<vmem>>, vector<5000x32xf32>,
    return
  }
  func.func @transform_0(%arg0: i32) -> (i32, i32) {
    %c0_i32 = arith.constant 0 : i32
    %c0_i32_0 = arith.constant 0 : i32
    return %arg0, %c0_i32 : i32, i32
  }
  func.func @transform_1(%arg0: i32) -> (i32, i32) {
    %c0_i32 = arith.constant 0 : i32
    %c0_i32_0 = arith.constant 0 : i32
    return %arg0, %c0_i32 : i32, i32
  }
  func.func @transform_2(%arg0: i32) -> (i32, i32) {
    %c0_i32 = arith.constant 0 : i32
    %c0_i32_0 = arith.constant 0 : i32
    %c0_i32_1 = arith.constant 0 : i32
    return %c0_i32, %c0_i32_0 : i32, i32
  }
  func.func @transform_3(%arg0: i32) -> (i32, i32) {
    %c0_i32 = arith.constant 0 : i32
    %c0_i32_0 = arith.constant 0 : i32
    %c0_i32_1 = arith.constant 0 : i32
    return %c0_i32, %c0_i32_0 : i32, i32
  }
  func.func @transform_4(%arg0: i32) -> (i32, i32) {
    %c0_i32 = arith.constant 0 : i32
    %c0_i32_0 = arith.constant 0 : i32
    %c0_i32_1 = arith.constant 0 : i32
    return %c0_i32, %c0_i32_0 : i32, i32
  }
  func.func @transform_5(%arg0: i32) -> (i32, i32) {
    %c0_i32 = arith.constant 0 : i32
    %c0_i32_0 = arith.constant 0 : i32
    %c0_i32_1 = arith.constant 0 : i32
    return %c0_i32, %c0_i32_0 : i32, i32
  }
  func.func @transform_6(%arg0: i32) -> (i32, i32) {
    %c0_i32 = arith.constant 0 : i32
    %c0_i32_0 = arith.constant 0 : i32
    %c0_i32_1 = arith.constant 0 : i32
    return %c0_i32, %c0_i32_0 : i32, i32
  }
  func.func @transform_7(%arg0: i32) -> (i32, i32) {
    %c0_i32 = arith.constant 0 : i32
    %c0_i32_0 = arith.constant 0 : i32
    return %arg0, %c0_i32 : i32, i32
  }
}

module attributes {stable_mosaic.version = 14 : i64} {
  func.func @_gru_body(%arg0: i32, %arg1: memref<2000x32xf32, #tpu.memory_space<vmem>>, %arg2: memref<2000x32xf32, #tpu.memory_space<vmem>>, %arg3: memref<2000x32xf32, #tpu.memory_space<vmem>>, %arg4: memref<2000x32xf32, #tpu.memory_space<vmem>>, %arg5: memref<2000x32xf32, #tpu.memory_space<vmem>>, %arg6: memref<32x32xf32, #tpu.memory_space<vmem>>, %arg7: memref<1x32xf32, #tpu.memory_space<vmem>>, %arg8: memref<32x32xf32, #tpu.memory_space<vmem>>, %arg9: memref<32x32xf32, #tpu.memory_space<vmem>>, %arg10: memref<32x32xf32, #tpu.memory_space<vmem>>, %arg11: memref<1x32xf32, #tpu.memory_space<vmem>>, %arg12: memref<1x32xf32, #tpu.memory_space<vmem>>, %arg13: memref<1x32xf32, #tpu.memory_space<vmem>>, %arg14: memref<32x32xf32, #tpu.memory_space<vmem>>, %arg15: memref<32x32xf32, #tpu.memory_space<vmem>>, %arg16: memref<32x32xf32, #tpu.memory_space<vmem>>, %arg17: memref<1x32xf32, #tpu.memory_space<vmem>>, %arg18: memref<1x32xf32, #tpu.memory_space<vmem>>, %arg19: memref<1x32xf32, #tpu.memory_space<vmem>>, %arg20: memref<2000x32xf32, #tpu.memory_space<vmem>>) attributes {dimension_semantics = [#tpu.dimension_semantics<arbitrary>], iteration_bounds = array<i64: 5>, scalar_prefetch = 0 : i64, scratch_operands = 0 : i64, tpu.core_type = #tpu.core_type<tc>, window_params = [{transform_indices = @transform_0, window_bounds = array<i64: 2000, 32>}, {transform_indices = @transform_1, window_bounds = array<i64: 2000, 32>}, {transform_indices = @transform_2, window_bounds = array<i64: 2000, 32>}, {transform_indices = @transform_3, window_bounds = array<i64: 2000, 32>}, {transform_indices = @transform_4, window_bounds = array<i64: 2000, 32>}, {pipeline_mode = #tpu.pipeline_mode<synchronous>, transform_indices = @transform_5, window_bounds = array<i64: 32, 32>}, {pipeline_mode = #tpu.pipeline_mode<synchronous>, transform_indices = @transform_6, window_bounds = array<i64: 1, 32>}, {pipeline_mode = #tpu.pipeline_mode<synchronous>, transform_indices = @transform_7, window_bounds = array<i64: 32, 32>}, {pipeline_mode = #tpu.pipeline_mode<synchronous>, transform_indices = @transform_8, window_bounds = array<i64: 32, 32>}, {pipeline_mode = #tpu.pipeline_mode<synchronous>, transform_indices = @transform_9, window_bounds = array<i64: 32, 32>}, {pipeline_mode = #tpu.pipeline_mode<synchronous>, transform_indices = @transform_10, window_bounds = array<i64: 1, 32>}, {pipeline_mode = #tpu.pipeline_mode<synchronous>, transform_indices = @transform_11, window_bounds = array<i64: 1, 32>}, {pipeline_mode = #tpu.pipeline_mode<synchronous>, transform_indices = @transform_12, window_bounds = array<i64: 1, 32>}, {pipeline_mode = #tpu.pipeline_mode<synchronous>, transform_indices = @transform_13, window_bounds = array<i64: 32, 32>}, {pipeline_mode = #tpu.pipeline_mode<synchronous>, transform_indices = @transform_14, window_bounds = array<i64: 32, 32>}, {pipeline_mode = #tpu.pipeline_mode<synchronous>, transform_indices = @transform_15, window_bounds = array<i64: 32, 32>}, {pipeline_mode = #tpu.pipeline_mode<synchronous>, transform_indices = @transform_16, window_bounds = array<i64: 1, 32>}, {pipeline_mode = #tpu.pipeline_mode<synchronous>, transform_indices = @transform_17, window_bounds = array<i64: 1, 32>}, {pipeline_mode = #tpu.pipeline_mode<synchronous>, transform_indices = @transform_18, window_bounds = array<i64: 1, 32>}, {transform_indices = @transform_19, window_bounds = array<i64: 2000, 32>}]} {
    %get3A = arith.constant 0 : index
    %get3A_0 = arith.constant 0 : index
    %get3A_1 = vector.load %arg5[%get3A, %get3A_0] : memref<2000x32xf32, #tpu.memory_space<vmem>>, vector<2000x32xf32>
    %get3A_2 = arith.constant 0 : index
    %get3A_3 = arith.constant 0 : index
    %get3A_4 = vector.load %arg3[%get3A_2, %get3A_3] : memref<2000x32xf32, #tpu.memory_space<vmem>>, vector<2000x32xf32>
    %get3A_5 = arith.constant 0 : index
    %get3A_6 = arith.constant 0 : index
    %get3A_7 = vector.load %arg4[%get3A_5, %get3A_6] : memref<2000x32xf32, #tpu.memory_space<vmem>>, vector<2000x32xf32>
    %add3A = arith.addf %get3A_4, %get3A_7 : vector<2000x32xf32>
    %max3A = arith.constant 1.000000e+00 : f32
    %max3A_8 = vector.broadcast %max3A : f32 to vector<2000x32xf32>
    %max3A_9 = arith.maximumf %add3A, %max3A_8 : vector<2000x32xf32>
    %get3A_10 = arith.constant 0 : index
    %get3A_11 = arith.constant 0 : index
    %get3A_12 = vector.load %arg1[%get3A_10, %get3A_11] : memref<2000x32xf32, #tpu.memory_space<vmem>>, vector<2000x32xf32>
    %get3A_13 = arith.constant 0 : index
    %get3A_14 = arith.constant 0 : index
    %get3A_15 = vector.load %arg2[%get3A_13, %get3A_14] : memref<2000x32xf32, #tpu.memory_space<vmem>>, vector<2000x32xf32>
    %add3A_16 = arith.addf %get3A_12, %get3A_15 : vector<2000x32xf32>
    %div3A = arith.divf %add3A_16, %max3A_9 : vector<2000x32xf32>
    %get3A_17 = arith.constant 0 : index
    %get3A_18 = arith.constant 0 : index
    %get3A_19 = vector.load %arg6[%get3A_17, %get3A_18] : memref<32x32xf32, #tpu.memory_space<vmem>>, vector<32x32xf32>
    %dot_general3A = arith.constant dense<0.000000e+00> : vector<2000x32xf32>
    %dot_general3A_20 = tpu.matmul %get3A_1, %get3A_19, %dot_general3A {dimension_numbers = #tpu.dot_dimension_numbers<[1], [0], [0], [1], [0, 0, 1, 1], [], []>, transpose_lhs_hint = false} : vector<2000x32xf32>, vector<32x32xf32>, vector<2000x32xf32> -> vector<2000x32xf32>
    %add3A_21 = arith.addf %div3A, %dot_general3A_20 : vector<2000x32xf32>
    %get3A_22 = arith.constant 0 : index
    %get3A_23 = arith.constant 0 : index
    %get3A_24 = vector.load %arg7[%get3A_22, %get3A_23] : memref<1x32xf32, #tpu.memory_space<vmem>>, vector<1x32xf32>
    %add3A_25 = vector.broadcast %get3A_24 : vector<1x32xf32> to vector<2000x32xf32>
    %add3A_26 = arith.addf %add3A_21, %add3A_25 : vector<2000x32xf32>
    %ge3A = arith.constant 0.000000e+00 : f32
    %ge3A_27 = vector.broadcast %ge3A : f32 to vector<2000x32xf32>
    %ge3A_28 = arith.cmpf oge, %add3A_26, %ge3A_27 : vector<2000x32xf32>
    %mul3A = arith.constant 0.00999999977 : f32
    %mul3A_29 = vector.broadcast %mul3A : f32 to vector<2000x32xf32>
    %mul3A_30 = arith.mulf %mul3A_29, %add3A_26 : vector<2000x32xf32>
    %select_n3A = arith.select %ge3A_28, %add3A_26, %mul3A_30 : vector<2000x32xi1>, vector<2000x32xf32>
    %get3A_31 = arith.constant 0 : index
    %get3A_32 = arith.constant 0 : index
    %get3A_33 = vector.load %arg8[%get3A_31, %get3A_32] : memref<32x32xf32, #tpu.memory_space<vmem>>, vector<32x32xf32>
    %dot_general3A_34 = arith.constant dense<0.000000e+00> : vector<2000x32xf32>
    %dot_general3A_35 = tpu.matmul %select_n3A, %get3A_33, %dot_general3A_34 {dimension_numbers = #tpu.dot_dimension_numbers<[1], [0], [0], [1], [0, 0, 1, 1], [], []>, transpose_lhs_hint = false} : vector<2000x32xf32>, vector<32x32xf32>, vector<2000x32xf32> -> vector<2000x32xf32>
    %get3A_36 = arith.constant 0 : index
    %get3A_37 = arith.constant 0 : index
    %get3A_38 = vector.load %arg11[%get3A_36, %get3A_37] : memref<1x32xf32, #tpu.memory_space<vmem>>, vector<1x32xf32>
    %add3A_39 = vector.broadcast %get3A_38 : vector<1x32xf32> to vector<2000x32xf32>
    %add3A_40 = arith.addf %dot_general3A_35, %add3A_39 : vector<2000x32xf32>
    %get3A_41 = arith.constant 0 : index
    %get3A_42 = arith.constant 0 : index
    %get3A_43 = vector.load %arg14[%get3A_41, %get3A_42] : memref<32x32xf32, #tpu.memory_space<vmem>>, vector<32x32xf32>
    %dot_general3A_44 = arith.constant dense<0.000000e+00> : vector<2000x32xf32>
    %dot_general3A_45 = tpu.matmul %get3A_1, %get3A_43, %dot_general3A_44 {dimension_numbers = #tpu.dot_dimension_numbers<[1], [0], [0], [1], [0, 0, 1, 1], [], []>, transpose_lhs_hint = false} : vector<2000x32xf32>, vector<32x32xf32>, vector<2000x32xf32> -> vector<2000x32xf32>
    %get3A_46 = arith.constant 0 : index
    %get3A_47 = arith.constant 0 : index
    %get3A_48 = vector.load %arg17[%get3A_46, %get3A_47] : memref<1x32xf32, #tpu.memory_space<vmem>>, vector<1x32xf32>
    %add3A_49 = vector.broadcast %get3A_48 : vector<1x32xf32> to vector<2000x32xf32>
    %add3A_50 = arith.addf %dot_general3A_45, %add3A_49 : vector<2000x32xf32>
    %add3A_51 = arith.addf %add3A_40, %add3A_50 : vector<2000x32xf32>
    %neg3A = arith.constant 0.000000e+00 : f32
    %neg3A_52 = vector.broadcast %neg3A : f32 to vector<2000x32xf32>
    %neg3A_53 = arith.subf %neg3A_52, %add3A_51 : vector<2000x32xf32>
    %exp3A = math.exp %neg3A_53 : vector<2000x32xf32>
    %add3A_54 = arith.constant 1.000000e+00 : f32
    %add3A_55 = vector.broadcast %add3A_54 : f32 to vector<2000x32xf32>
    %add3A_56 = arith.addf %add3A_55, %exp3A : vector<2000x32xf32>
    %div3A_57 = arith.constant 1.000000e+00 : f32
    %div3A_58 = vector.broadcast %div3A_57 : f32 to vector<2000x32xf32>
    %div3A_59 = arith.divf %div3A_58, %add3A_56 : vector<2000x32xf32>
    %get3A_60 = arith.constant 0 : index
    %get3A_61 = arith.constant 0 : index
    %get3A_62 = vector.load %arg9[%get3A_60, %get3A_61] : memref<32x32xf32, #tpu.memory_space<vmem>>, vector<32x32xf32>
    %dot_general3A_63 = arith.constant dense<0.000000e+00> : vector<2000x32xf32>
    %dot_general3A_64 = tpu.matmul %select_n3A, %get3A_62, %dot_general3A_63 {dimension_numbers = #tpu.dot_dimension_numbers<[1], [0], [0], [1], [0, 0, 1, 1], [], []>, transpose_lhs_hint = false} : vector<2000x32xf32>, vector<32x32xf32>, vector<2000x32xf32> -> vector<2000x32xf32>
    %get3A_65 = arith.constant 0 : index
    %get3A_66 = arith.constant 0 : index
    %get3A_67 = vector.load %arg12[%get3A_65, %get3A_66] : memref<1x32xf32, #tpu.memory_space<vmem>>, vector<1x32xf32>
    %add3A_68 = vector.broadcast %get3A_67 : vector<1x32xf32> to vector<2000x32xf32>
    %add3A_69 = arith.addf %dot_general3A_64, %add3A_68 : vector<2000x32xf32>
    %get3A_70 = arith.constant 0 : index
    %get3A_71 = arith.constant 0 : index
    %get3A_72 = vector.load %arg15[%get3A_70, %get3A_71] : memref<32x32xf32, #tpu.memory_space<vmem>>, vector<32x32xf32>
    %dot_general3A_73 = arith.constant dense<0.000000e+00> : vector<2000x32xf32>
    %dot_general3A_74 = tpu.matmul %get3A_1, %get3A_72, %dot_general3A_73 {dimension_numbers = #tpu.dot_dimension_numbers<[1], [0], [0], [1], [0, 0, 1, 1], [], []>, transpose_lhs_hint = false} : vector<2000x32xf32>, vector<32x32xf32>, vector<2000x32xf32> -> vector<2000x32xf32>
    %get3A_75 = arith.constant 0 : index
    %get3A_76 = arith.constant 0 : index
    %get3A_77 = vector.load %arg18[%get3A_75, %get3A_76] : memref<1x32xf32, #tpu.memory_space<vmem>>, vector<1x32xf32>
    %add3A_78 = vector.broadcast %get3A_77 : vector<1x32xf32> to vector<2000x32xf32>
    %add3A_79 = arith.addf %dot_general3A_74, %add3A_78 : vector<2000x32xf32>
    %add3A_80 = arith.addf %add3A_69, %add3A_79 : vector<2000x32xf32>
    %neg3A_81 = arith.constant 0.000000e+00 : f32
    %neg3A_82 = vector.broadcast %neg3A_81 : f32 to vector<2000x32xf32>
    %neg3A_83 = arith.subf %neg3A_82, %add3A_80 : vector<2000x32xf32>
    %exp3A_84 = math.exp %neg3A_83 : vector<2000x32xf32>
    %add3A_85 = arith.constant 1.000000e+00 : f32
    %add3A_86 = vector.broadcast %add3A_85 : f32 to vector<2000x32xf32>
    %add3A_87 = arith.addf %add3A_86, %exp3A_84 : vector<2000x32xf32>
    %div3A_88 = arith.constant 1.000000e+00 : f32
    %div3A_89 = vector.broadcast %div3A_88 : f32 to vector<2000x32xf32>
    %div3A_90 = arith.divf %div3A_89, %add3A_87 : vector<2000x32xf32>
    %get3A_91 = arith.constant 0 : index
    %get3A_92 = arith.constant 0 : index
    %get3A_93 = vector.load %arg10[%get3A_91, %get3A_92] : memref<32x32xf32, #tpu.memory_space<vmem>>, vector<32x32xf32>
    %dot_general3A_94 = arith.constant dense<0.000000e+00> : vector<2000x32xf32>
    %dot_general3A_95 = tpu.matmul %select_n3A, %get3A_93, %dot_general3A_94 {dimension_numbers = #tpu.dot_dimension_numbers<[1], [0], [0], [1], [0, 0, 1, 1], [], []>, transpose_lhs_hint = false} : vector<2000x32xf32>, vector<32x32xf32>, vector<2000x32xf32> -> vector<2000x32xf32>
    %get3A_96 = arith.constant 0 : index
    %get3A_97 = arith.constant 0 : index
    %get3A_98 = vector.load %arg13[%get3A_96, %get3A_97] : memref<1x32xf32, #tpu.memory_space<vmem>>, vector<1x32xf32>
    %add3A_99 = vector.broadcast %get3A_98 : vector<1x32xf32> to vector<2000x32xf32>
    %add3A_100 = arith.addf %dot_general3A_95, %add3A_99 : vector<2000x32xf32>
    %get3A_101 = arith.constant 0 : index
    %get3A_102 = arith.constant 0 : index
    %get3A_103 = vector.load %arg16[%get3A_101, %get3A_102] : memref<32x32xf32, #tpu.memory_space<vmem>>, vector<32x32xf32>
    %dot_general3A_104 = arith.constant dense<0.000000e+00> : vector<2000x32xf32>
    %dot_general3A_105 = tpu.matmul %get3A_1, %get3A_103, %dot_general3A_104 {dimension_numbers = #tpu.dot_dimension_numbers<[1], [0], [0], [1], [0, 0, 1, 1], [], []>, transpose_lhs_hint = false} : vector<2000x32xf32>, vector<32x32xf32>, vector<2000x32xf32> -> vector<2000x32xf32>
    %get3A_106 = arith.constant 0 : index
    %get3A_107 = arith.constant 0 : index
    %get3A_108 = vector.load %arg19[%get3A_106, %get3A_107] : memref<1x32xf32, #tpu.memory_space<vmem>>, vector<1x32xf32>
    %add3A_109 = vector.broadcast %get3A_108 : vector<1x32xf32> to vector<2000x32xf32>
    %add3A_110 = arith.addf %dot_general3A_105, %add3A_109 : vector<2000x32xf32>
    %mul3A_111 = arith.mulf %div3A_59, %add3A_110 : vector<2000x32xf32>
    %add3A_112 = arith.addf %add3A_100, %mul3A_111 : vector<2000x32xf32>
    %tanh3A = math.tanh %add3A_112 : vector<2000x32xf32>
    %sub3A = arith.constant 1.000000e+00 : f32
    %sub3A_113 = vector.broadcast %sub3A : f32 to vector<2000x32xf32>
    %sub3A_114 = arith.subf %sub3A_113, %div3A_90 : vector<2000x32xf32>
    %mul3A_115 = arith.mulf %sub3A_114, %tanh3A : vector<2000x32xf32>
    %mul3A_116 = arith.mulf %div3A_90, %get3A_1 : vector<2000x32xf32>
    %add3A_117 = arith.addf %mul3A_115, %mul3A_116 : vector<2000x32xf32>
    %swap3A = arith.constant 0 : index
    %swap3A_118 = arith.constant 0 : index
    %swap3A_119 = vector.load %arg20[%swap3A, %swap3A_118] : memref<2000x32xf32, #tpu.memory_space<vmem>>, vector<2000x32xf32>
    tpu.vector_store %arg20[%swap3A, %swap3A_118], %add3A_117 {strides = array<i32>} : memref<2000x32xf32, #tpu.memory_space<vmem>>, vector<2000x32xf32>,
    return
  }
  func.func @transform_0(%arg0: i32) -> (i32, i32) {
    %c0_i32 = arith.constant 0 : i32
    %c0_i32_0 = arith.constant 0 : i32
    return %arg0, %c0_i32 : i32, i32
  }
  func.func @transform_1(%arg0: i32) -> (i32, i32) {
    %c0_i32 = arith.constant 0 : i32
    %c0_i32_0 = arith.constant 0 : i32
    return %arg0, %c0_i32 : i32, i32
  }
  func.func @transform_2(%arg0: i32) -> (i32, i32) {
    %c0_i32 = arith.constant 0 : i32
    %c0_i32_0 = arith.constant 0 : i32
    return %arg0, %c0_i32 : i32, i32
  }
  func.func @transform_3(%arg0: i32) -> (i32, i32) {
    %c0_i32 = arith.constant 0 : i32
    %c0_i32_0 = arith.constant 0 : i32
    return %arg0, %c0_i32 : i32, i32
  }
  func.func @transform_4(%arg0: i32) -> (i32, i32) {
    %c0_i32 = arith.constant 0 : i32
    %c0_i32_0 = arith.constant 0 : i32
    return %arg0, %c0_i32 : i32, i32
  }
  func.func @transform_5(%arg0: i32) -> (i32, i32) {
    %c0_i32 = arith.constant 0 : i32
    %c0_i32_0 = arith.constant 0 : i32
    %c0_i32_1 = arith.constant 0 : i32
    return %c0_i32, %c0_i32_0 : i32, i32
  }
  func.func @transform_6(%arg0: i32) -> (i32, i32) {
    %c0_i32 = arith.constant 0 : i32
    %c0_i32_0 = arith.constant 0 : i32
    %c0_i32_1 = arith.constant 0 : i32
    return %c0_i32, %c0_i32_0 : i32, i32
  }
  func.func @transform_7(%arg0: i32) -> (i32, i32) {
    %c0_i32 = arith.constant 0 : i32
    %c0_i32_0 = arith.constant 0 : i32
    %c0_i32_1 = arith.constant 0 : i32
    return %c0_i32, %c0_i32_0 : i32, i32
  }
  func.func @transform_8(%arg0: i32) -> (i32, i32) {
    %c0_i32 = arith.constant 0 : i32
    %c0_i32_0 = arith.constant 0 : i32
    %c0_i32_1 = arith.constant 0 : i32
    return %c0_i32, %c0_i32_0 : i32, i32
  }
  func.func @transform_9(%arg0: i32) -> (i32, i32) {
    %c0_i32 = arith.constant 0 : i32
    %c0_i32_0 = arith.constant 0 : i32
    %c0_i32_1 = arith.constant 0 : i32
    return %c0_i32, %c0_i32_0 : i32, i32
  }
  func.func @transform_10(%arg0: i32) -> (i32, i32) {
    %c0_i32 = arith.constant 0 : i32
    %c0_i32_0 = arith.constant 0 : i32
    %c0_i32_1 = arith.constant 0 : i32
    return %c0_i32, %c0_i32_0 : i32, i32
  }
  func.func @transform_11(%arg0: i32) -> (i32, i32) {
    %c0_i32 = arith.constant 0 : i32
    %c0_i32_0 = arith.constant 0 : i32
    %c0_i32_1 = arith.constant 0 : i32
    return %c0_i32, %c0_i32_0 : i32, i32
  }
  func.func @transform_12(%arg0: i32) -> (i32, i32) {
    %c0_i32 = arith.constant 0 : i32
    %c0_i32_0 = arith.constant 0 : i32
    %c0_i32_1 = arith.constant 0 : i32
    return %c0_i32, %c0_i32_0 : i32, i32
  }
  func.func @transform_13(%arg0: i32) -> (i32, i32) {
    %c0_i32 = arith.constant 0 : i32
    %c0_i32_0 = arith.constant 0 : i32
    %c0_i32_1 = arith.constant 0 : i32
    return %c0_i32, %c0_i32_0 : i32, i32
  }
  func.func @transform_14(%arg0: i32) -> (i32, i32) {
    %c0_i32 = arith.constant 0 : i32
    %c0_i32_0 = arith.constant 0 : i32
    %c0_i32_1 = arith.constant 0 : i32
    return %c0_i32, %c0_i32_0 : i32, i32
  }
  func.func @transform_15(%arg0: i32) -> (i32, i32) {
    %c0_i32 = arith.constant 0 : i32
    %c0_i32_0 = arith.constant 0 : i32
    %c0_i32_1 = arith.constant 0 : i32
    return %c0_i32, %c0_i32_0 : i32, i32
  }
  func.func @transform_16(%arg0: i32) -> (i32, i32) {
    %c0_i32 = arith.constant 0 : i32
    %c0_i32_0 = arith.constant 0 : i32
    %c0_i32_1 = arith.constant 0 : i32
    return %c0_i32, %c0_i32_0 : i32, i32
  }
  func.func @transform_17(%arg0: i32) -> (i32, i32) {
    %c0_i32 = arith.constant 0 : i32
    %c0_i32_0 = arith.constant 0 : i32
    %c0_i32_1 = arith.constant 0 : i32
    return %c0_i32, %c0_i32_0 : i32, i32
  }
  func.func @transform_18(%arg0: i32) -> (i32, i32) {
    %c0_i32 = arith.constant 0 : i32
    %c0_i32_0 = arith.constant 0 : i32
    %c0_i32_1 = arith.constant 0 : i32
    return %c0_i32, %c0_i32_0 : i32, i32
  }
  func.func @transform_19(%arg0: i32) -> (i32, i32) {
    %c0_i32 = arith.constant 0 : i32
    %c0_i32_0 = arith.constant 0 : i32
    return %arg0, %c0_i32 : i32, i32
  }
}

module attributes {stable_mosaic.version = 14 : i64} {
  func.func @_s2s_body(%arg0: memref<10000x32xf32, #tpu.memory_space<vmem>>, %arg1: memref<10000x1xi32, #tpu.memory_space<vmem>>, %arg2: memref<1x10000xi32, #tpu.memory_space<vmem>>, %arg3: memref<64x32xf32, #tpu.memory_space<vmem>>, %arg4: memref<64x32xf32, #tpu.memory_space<vmem>>, %arg5: memref<64x32xf32, #tpu.memory_space<vmem>>, %arg6: memref<64x32xf32, #tpu.memory_space<vmem>>, %arg7: memref<32x32xf32, #tpu.memory_space<vmem>>, %arg8: memref<32x32xf32, #tpu.memory_space<vmem>>, %arg9: memref<32x32xf32, #tpu.memory_space<vmem>>, %arg10: memref<32x32xf32, #tpu.memory_space<vmem>>, %arg11: memref<1x32xf32, #tpu.memory_space<vmem>>, %arg12: memref<1x32xf32, #tpu.memory_space<vmem>>, %arg13: memref<1x32xf32, #tpu.memory_space<vmem>>, %arg14: memref<1x32xf32, #tpu.memory_space<vmem>>, %arg15: memref<64x1xf32, #tpu.memory_space<vmem>>, %arg16: memref<1x1xf32, #tpu.memory_space<vmem>>, %arg17: memref<256x1xf32, #tpu.memory_space<vmem>>, %arg18: memref<10000x1xf32, #tpu.memory_space<vmem>>) attributes {dimension_semantics = [], scalar_prefetch = 0 : i64, scratch_operands = 1 : i64, tpu.core_type = #tpu.core_type<tc>} {
    %iota3A = tpu.iota {dimensions = array<i32: 1>} : vector<1x256xi32>
    %broadcast_in_dim3A = arith.constant 0.000000e+00 : f32
    %broadcast_in_dim3A_0 = vector.broadcast %broadcast_in_dim3A : f32 to vector<256x32xf32>
    %broadcast_in_dim3A_1 = arith.constant 0.000000e+00 : f32
    %broadcast_in_dim3A_2 = vector.broadcast %broadcast_in_dim3A_1 : f32 to vector<256x32xf32>
    %broadcast_in_dim3A_3 = arith.constant 0.000000e+00 : f32
    %broadcast_in_dim3A_4 = vector.broadcast %broadcast_in_dim3A_3 : f32 to vector<256x64xf32>
    %get3A = arith.constant 0 : index
    %get3A_5 = arith.constant 0 : index
    %get3A_6 = vector.load %arg3[%get3A, %get3A_5] : memref<64x32xf32, #tpu.memory_space<vmem>>, vector<64x32xf32>
    %dot_general3A = arith.constant dense<0.000000e+00> : vector<256x32xf32>
    %dot_general3A_7 = tpu.matmul %broadcast_in_dim3A_4, %get3A_6, %dot_general3A {dimension_numbers = #tpu.dot_dimension_numbers<[1], [0], [0], [1], [0, 0, 1, 1], [], []>, transpose_lhs_hint = false} : vector<256x64xf32>, vector<64x32xf32>, vector<256x32xf32> -> vector<256x32xf32>
    %get3A_8 = arith.constant 0 : index
    %get3A_9 = arith.constant 0 : index
    %get3A_10 = vector.load %arg7[%get3A_8, %get3A_9] : memref<32x32xf32, #tpu.memory_space<vmem>>, vector<32x32xf32>
    %dot_general3A_11 = arith.constant dense<0.000000e+00> : vector<256x32xf32>
    %dot_general3A_12 = tpu.matmul %broadcast_in_dim3A_0, %get3A_10, %dot_general3A_11 {dimension_numbers = #tpu.dot_dimension_numbers<[1], [0], [0], [1], [0, 0, 1, 1], [], []>, transpose_lhs_hint = false} : vector<256x32xf32>, vector<32x32xf32>, vector<256x32xf32> -> vector<256x32xf32>
    %add3A = arith.addf %dot_general3A_7, %dot_general3A_12 : vector<256x32xf32>
    %get3A_13 = arith.constant 0 : index
    %get3A_14 = arith.constant 0 : index
    %get3A_15 = vector.load %arg11[%get3A_13, %get3A_14] : memref<1x32xf32, #tpu.memory_space<vmem>>, vector<1x32xf32>
    %add3A_16 = vector.broadcast %get3A_15 : vector<1x32xf32> to vector<256x32xf32>
    %add3A_17 = arith.addf %add3A, %add3A_16 : vector<256x32xf32>
    %neg3A = arith.constant 0.000000e+00 : f32
    %neg3A_18 = vector.broadcast %neg3A : f32 to vector<256x32xf32>
    %neg3A_19 = arith.subf %neg3A_18, %add3A_17 : vector<256x32xf32>
    %exp3A = math.exp %neg3A_19 : vector<256x32xf32>
    %add3A_20 = arith.constant 1.000000e+00 : f32
    %add3A_21 = vector.broadcast %add3A_20 : f32 to vector<256x32xf32>
    %add3A_22 = arith.addf %add3A_21, %exp3A : vector<256x32xf32>
    %div3A = arith.constant 1.000000e+00 : f32
    %div3A_23 = vector.broadcast %div3A : f32 to vector<256x32xf32>
    %div3A_24 = arith.divf %div3A_23, %add3A_22 : vector<256x32xf32>
    %get3A_25 = arith.constant 0 : index
    %get3A_26 = arith.constant 0 : index
    %get3A_27 = vector.load %arg4[%get3A_25, %get3A_26] : memref<64x32xf32, #tpu.memory_space<vmem>>, vector<64x32xf32>
    %dot_general3A_28 = arith.constant dense<0.000000e+00> : vector<256x32xf32>
    %dot_general3A_29 = tpu.matmul %broadcast_in_dim3A_4, %get3A_27, %dot_general3A_28 {dimension_numbers = #tpu.dot_dimension_numbers<[1], [0], [0], [1], [0, 0, 1, 1], [], []>, transpose_lhs_hint = false} : vector<256x64xf32>, vector<64x32xf32>, vector<256x32xf32> -> vector<256x32xf32>
    %get3A_30 = arith.constant 0 : index
    %get3A_31 = arith.constant 0 : index
    %get3A_32 = vector.load %arg8[%get3A_30, %get3A_31] : memref<32x32xf32, #tpu.memory_space<vmem>>, vector<32x32xf32>
    %dot_general3A_33 = arith.constant dense<0.000000e+00> : vector<256x32xf32>
    %dot_general3A_34 = tpu.matmul %broadcast_in_dim3A_0, %get3A_32, %dot_general3A_33 {dimension_numbers = #tpu.dot_dimension_numbers<[1], [0], [0], [1], [0, 0, 1, 1], [], []>, transpose_lhs_hint = false} : vector<256x32xf32>, vector<32x32xf32>, vector<256x32xf32> -> vector<256x32xf32>
    %add3A_35 = arith.addf %dot_general3A_29, %dot_general3A_34 : vector<256x32xf32>
    %get3A_36 = arith.constant 0 : index
    %get3A_37 = arith.constant 0 : index
    %get3A_38 = vector.load %arg12[%get3A_36, %get3A_37] : memref<1x32xf32, #tpu.memory_space<vmem>>, vector<1x32xf32>
    %add3A_39 = vector.broadcast %get3A_38 : vector<1x32xf32> to vector<256x32xf32>
    %add3A_40 = arith.addf %add3A_35, %add3A_39 : vector<256x32xf32>
    %neg3A_41 = arith.constant 0.000000e+00 : f32
    %neg3A_42 = vector.broadcast %neg3A_41 : f32 to vector<256x32xf32>
    %neg3A_43 = arith.subf %neg3A_42, %add3A_40 : vector<256x32xf32>
    %exp3A_44 = math.exp %neg3A_43 : vector<256x32xf32>
    %add3A_45 = arith.constant 1.000000e+00 : f32
    %add3A_46 = vector.broadcast %add3A_45 : f32 to vector<256x32xf32>
    %add3A_47 = arith.addf %add3A_46, %exp3A_44 : vector<256x32xf32>
    %div3A_48 = arith.constant 1.000000e+00 : f32
    %div3A_49 = vector.broadcast %div3A_48 : f32 to vector<256x32xf32>
    %div3A_50 = arith.divf %div3A_49, %add3A_47 : vector<256x32xf32>
    %get3A_51 = arith.constant 0 : index
    %get3A_52 = arith.constant 0 : index
    %get3A_53 = vector.load %arg5[%get3A_51, %get3A_52] : memref<64x32xf32, #tpu.memory_space<vmem>>, vector<64x32xf32>
    %dot_general3A_54 = arith.constant dense<0.000000e+00> : vector<256x32xf32>
    %dot_general3A_55 = tpu.matmul %broadcast_in_dim3A_4, %get3A_53, %dot_general3A_54 {dimension_numbers = #tpu.dot_dimension_numbers<[1], [0], [0], [1], [0, 0, 1, 1], [], []>, transpose_lhs_hint = false} : vector<256x64xf32>, vector<64x32xf32>, vector<256x32xf32> -> vector<256x32xf32>
    %get3A_56 = arith.constant 0 : index
    %get3A_57 = arith.constant 0 : index
    %get3A_58 = vector.load %arg9[%get3A_56, %get3A_57] : memref<32x32xf32, #tpu.memory_space<vmem>>, vector<32x32xf32>
    %dot_general3A_59 = arith.constant dense<0.000000e+00> : vector<256x32xf32>
    %dot_general3A_60 = tpu.matmul %broadcast_in_dim3A_0, %get3A_58, %dot_general3A_59 {dimension_numbers = #tpu.dot_dimension_numbers<[1], [0], [0], [1], [0, 0, 1, 1], [], []>, transpose_lhs_hint = false} : vector<256x32xf32>, vector<32x32xf32>, vector<256x32xf32> -> vector<256x32xf32>
    %add3A_61 = arith.addf %dot_general3A_55, %dot_general3A_60 : vector<256x32xf32>
    %get3A_62 = arith.constant 0 : index
    %get3A_63 = arith.constant 0 : index
    %get3A_64 = vector.load %arg13[%get3A_62, %get3A_63] : memref<1x32xf32, #tpu.memory_space<vmem>>, vector<1x32xf32>
    %add3A_65 = vector.broadcast %get3A_64 : vector<1x32xf32> to vector<256x32xf32>
    %add3A_66 = arith.addf %add3A_61, %add3A_65 : vector<256x32xf32>
    %tanh3A = math.tanh %add3A_66 : vector<256x32xf32>
    %get3A_67 = arith.constant 0 : index
    %get3A_68 = arith.constant 0 : index
    %get3A_69 = vector.load %arg6[%get3A_67, %get3A_68] : memref<64x32xf32, #tpu.memory_space<vmem>>, vector<64x32xf32>
    %dot_general3A_70 = arith.constant dense<0.000000e+00> : vector<256x32xf32>
    %dot_general3A_71 = tpu.matmul %broadcast_in_dim3A_4, %get3A_69, %dot_general3A_70 {dimension_numbers = #tpu.dot_dimension_numbers<[1], [0], [0], [1], [0, 0, 1, 1], [], []>, transpose_lhs_hint = false} : vector<256x64xf32>, vector<64x32xf32>, vector<256x32xf32> -> vector<256x32xf32>
    %get3A_72 = arith.constant 0 : index
    %get3A_73 = arith.constant 0 : index
    %get3A_74 = vector.load %arg10[%get3A_72, %get3A_73] : memref<32x32xf32, #tpu.memory_space<vmem>>, vector<32x32xf32>
    %dot_general3A_75 = arith.constant dense<0.000000e+00> : vector<256x32xf32>
    %dot_general3A_76 = tpu.matmul %broadcast_in_dim3A_0, %get3A_74, %dot_general3A_75 {dimension_numbers = #tpu.dot_dimension_numbers<[1], [0], [0], [1], [0, 0, 1, 1], [], []>, transpose_lhs_hint = false} : vector<256x32xf32>, vector<32x32xf32>, vector<256x32xf32> -> vector<256x32xf32>
    %add3A_77 = arith.addf %dot_general3A_71, %dot_general3A_76 : vector<256x32xf32>
    %get3A_78 = arith.constant 0 : index
    %get3A_79 = arith.constant 0 : index
    %get3A_80 = vector.load %arg14[%get3A_78, %get3A_79] : memref<1x32xf32, #tpu.memory_space<vmem>>, vector<1x32xf32>
    %add3A_81 = vector.broadcast %get3A_80 : vector<1x32xf32> to vector<256x32xf32>
    %add3A_82 = arith.addf %add3A_77, %add3A_81 : vector<256x32xf32>
    %neg3A_83 = arith.constant 0.000000e+00 : f32
    %neg3A_84 = vector.broadcast %neg3A_83 : f32 to vector<256x32xf32>
    %neg3A_85 = arith.subf %neg3A_84, %add3A_82 : vector<256x32xf32>
    %exp3A_86 = math.exp %neg3A_85 : vector<256x32xf32>
    %add3A_87 = arith.constant 1.000000e+00 : f32
    %add3A_88 = vector.broadcast %add3A_87 : f32 to vector<256x32xf32>
    %add3A_89 = arith.addf %add3A_88, %exp3A_86 : vector<256x32xf32>
    %div3A_90 = arith.constant 1.000000e+00 : f32
    %div3A_91 = vector.broadcast %div3A_90 : f32 to vector<256x32xf32>
    %div3A_92 = arith.divf %div3A_91, %add3A_89 : vector<256x32xf32>
    %mul3A = arith.mulf %div3A_50, %broadcast_in_dim3A_2 : vector<256x32xf32>
    %mul3A_93 = arith.mulf %div3A_24, %tanh3A : vector<256x32xf32>
    %add3A_94 = arith.addf %mul3A, %mul3A_93 : vector<256x32xf32>
    %tanh3A_95 = math.tanh %add3A_94 : vector<256x32xf32>
    %mul3A_96 = arith.mulf %div3A_92, %tanh3A_95 : vector<256x32xf32>
    %broadcast_in_dim3A_97 = arith.constant -1.000000e+30 : f32
    %broadcast_in_dim3A_98 = vector.broadcast %broadcast_in_dim3A_97 : f32 to vector<1x256xf32>
    %scan3A = arith.constant 0 : i32
    %scan3A_99 = arith.constant 10 : i32
    %scan3A_100 = arith.addi %scan3A, %scan3A_99 : i32
    %scan3A_101 = arith.constant 1 : i32
    %scan3A_102 = scf.for %scan3A_427 = %scan3A to %scan3A_100 step %scan3A_101 iter_args(%scan3A_428 = %broadcast_in_dim3A_98) -> (vector<1x256xf32>)  : i32 {
      %mul3A_429 = arith.constant 1000 : i32
      %mul3A_430 = arith.muli %scan3A_427, %mul3A_429 : i32
      %get3A_431 = arith.index_cast %mul3A_430 : i32 to index
      %get3A_432 = arith.constant 0 : index
      %get3A_433 = vector.load %arg1[%get3A_431, %get3A_432] : memref<10000x1xi32, #tpu.memory_space<vmem>>, vector<1000x1xi32>
      %eq3A = vector.broadcast %get3A_433 : vector<1000x1xi32> to vector<1000x256xi32>
      %eq3A_434 = vector.broadcast %iota3A : vector<1x256xi32> to vector<1000x256xi32>
      %eq3A_435 = arith.cmpi eq, %eq3A, %eq3A_434 : vector<1000x256xi32>
      %convert_element_type3A = arith.extui %eq3A_435 : vector<1000x256xi1> to vector<1000x256xi32>
      %convert_element_type3A_436 = arith.sitofp %convert_element_type3A : vector<1000x256xi32> to vector<1000x256xf32>
      %dot_general3A_437 = arith.constant dense<0.000000e+00> : vector<1000x32xf32>
      %dot_general3A_438 = tpu.matmul %convert_element_type3A_436, %mul3A_96, %dot_general3A_437 {dimension_numbers = #tpu.dot_dimension_numbers<[1], [0], [0], [1], [0, 0, 1, 1], [], []>, precision = #tpu.contract_precision<fp32>, transpose_lhs_hint = false} : vector<1000x256xf32>, vector<256x32xf32>, vector<1000x32xf32> -> vector<1000x32xf32>
      %mul3A_439 = arith.constant 1000 : i32
      %mul3A_440 = arith.muli %scan3A_427, %mul3A_439 : i32
      %get3A_441 = arith.index_cast %mul3A_440 : i32 to index
      %get3A_442 = arith.constant 0 : index
      %get3A_443 = vector.load %arg0[%get3A_441, %get3A_442] : memref<10000x32xf32, #tpu.memory_space<vmem>>, vector<1000x32xf32>
      %mul3A_444 = arith.mulf %get3A_443, %dot_general3A_438 : vector<1000x32xf32>
      %reduce_sum3A = arith.constant dense<0.000000e+00> : vector<1000xf32>
      %reduce_sum3A_445 = vector.multi_reduction <add>, %mul3A_444, %reduce_sum3A [1] : vector<1000x32xf32> to vector<1000xf32>
      %broadcast_in_dim3A_446 = vector.shape_cast %reduce_sum3A_445 : vector<1000xf32> to vector<1000x1xf32>
      %mul3A_447 = arith.constant 1000 : i32
      %mul3A_448 = arith.muli %scan3A_427, %mul3A_447 : i32
      %swap3A_449 = arith.index_cast %mul3A_448 : i32 to index
      %swap3A_450 = arith.constant 0 : index
      %swap3A_451 = vector.load %arg18[%swap3A_449, %swap3A_450] : memref<10000x1xf32, #tpu.memory_space<vmem>>, vector<1000x1xf32>
      tpu.vector_store %arg18[%swap3A_449, %swap3A_450], %broadcast_in_dim3A_446 {strides = array<i32>} : memref<10000x1xf32, #tpu.memory_space<vmem>>, vector<1000x1xf32>,
      %jit3A_452 = arith.constant -1.000000e+30 : f32
      %broadcast_in_dim3A_453 = vector.shape_cast %broadcast_in_dim3A_446 : vector<1000x1xf32> to vector<1000x1xf32>
      %broadcast_in_dim3A_454 = vector.broadcast %broadcast_in_dim3A_453 : vector<1000x1xf32> to vector<1000x256xf32>
      %broadcast_in_dim3A_455 = vector.broadcast %jit3A_452 : f32 to vector<1000x256xf32>
      %select_n3A_456 = arith.select %eq3A_435, %broadcast_in_dim3A_454, %broadcast_in_dim3A_455 : vector<1000x256xi1>, vector<1000x256xf32>
      %reduce_max3A = arith.constant dense<0xFF800000> : vector<256xf32>
      %reduce_max3A_457 = vector.multi_reduction <maximumf>, %select_n3A_456, %reduce_max3A [0] : vector<1000x256xf32> to vector<256xf32>
      %broadcast_in_dim3A_458 = vector.shape_cast %reduce_max3A_457 : vector<256xf32> to vector<1x256xf32>
      %max3A = arith.maximumf %scan3A_428, %broadcast_in_dim3A_458 : vector<1x256xf32>
      scf.yield %max3A : vector<1x256xf32>
    }
    %scan3A_103 = arith.constant 10 : i32
    %gt3A = arith.constant -1.000000e+29 : f32
    %gt3A_104 = vector.broadcast %gt3A : f32 to vector<1x256xf32>
    %gt3A_105 = arith.cmpf ogt, %scan3A_102, %gt3A_104 : vector<1x256xf32>
    %jit3A = arith.constant 0.000000e+00 : f32
    %broadcast_in_dim3A_106 = vector.broadcast %jit3A : f32 to vector<1x256xf32>
    %select_n3A = arith.select %gt3A_105, %scan3A_102, %broadcast_in_dim3A_106 : vector<1x256xi1>, vector<1x256xf32>
    %broadcast_in_dim3A_107 = arith.constant 0.000000e+00 : f32
    %broadcast_in_dim3A_108 = vector.broadcast %broadcast_in_dim3A_107 : f32 to vector<256x1xf32>
    %broadcast_in_dim3A_109 = arith.constant 0.000000e+00 : f32
    %broadcast_in_dim3A_110 = vector.broadcast %broadcast_in_dim3A_109 : f32 to vector<256x32xf32>
    %scan3A_111 = arith.constant 0 : i32
    %scan3A_112 = arith.constant 10 : i32
    %scan3A_113 = arith.addi %scan3A_111, %scan3A_112 : i32
    %scan3A_114 = arith.constant 1 : i32
    %scan3A_115:2 = scf.for %scan3A_427 = %scan3A_111 to %scan3A_113 step %scan3A_114 iter_args(%scan3A_428 = %broadcast_in_dim3A_108, %scan3A_429 = %broadcast_in_dim3A_110) -> (vector<256x1xf32>, vector<256x32xf32>)  : i32 {
      %mul3A_430 = arith.constant 1000 : i32
      %mul3A_431 = arith.muli %scan3A_427, %mul3A_430 : i32
      %get3A_432 = arith.index_cast %mul3A_431 : i32 to index
      %get3A_433 = arith.constant 0 : index
      %get3A_434 = vector.load %arg1[%get3A_432, %get3A_433] : memref<10000x1xi32, #tpu.memory_space<vmem>>, vector<1000x1xi32>
      %eq3A = vector.broadcast %get3A_434 : vector<1000x1xi32> to vector<1000x256xi32>
      %eq3A_435 = vector.broadcast %iota3A : vector<1x256xi32> to vector<1000x256xi32>
      %eq3A_436 = arith.cmpi eq, %eq3A, %eq3A_435 : vector<1000x256xi32>
      %convert_element_type3A = arith.extui %eq3A_436 : vector<1000x256xi1> to vector<1000x256xi32>
      %convert_element_type3A_437 = arith.sitofp %convert_element_type3A : vector<1000x256xi32> to vector<1000x256xf32>
      %mul3A_438 = vector.broadcast %select_n3A : vector<1x256xf32> to vector<1000x256xf32>
      %mul3A_439 = arith.mulf %convert_element_type3A_437, %mul3A_438 : vector<1000x256xf32>
      %reduce_sum3A = arith.constant dense<0.000000e+00> : vector<1000xf32>
      %reduce_sum3A_440 = vector.multi_reduction <add>, %mul3A_439, %reduce_sum3A [1] : vector<1000x256xf32> to vector<1000xf32>
      %broadcast_in_dim3A_441 = vector.shape_cast %reduce_sum3A_440 : vector<1000xf32> to vector<1000x1xf32>
      %mul3A_442 = arith.constant 1000 : i32
      %mul3A_443 = arith.muli %scan3A_427, %mul3A_442 : i32
      %get3A_444 = arith.index_cast %mul3A_443 : i32 to index
      %get3A_445 = arith.constant 0 : index
      %get3A_446 = vector.load %arg18[%get3A_444, %get3A_445] : memref<10000x1xf32, #tpu.memory_space<vmem>>, vector<1000x1xf32>
      %sub3A = arith.subf %get3A_446, %broadcast_in_dim3A_441 : vector<1000x1xf32>
      %exp3A_447 = math.exp %sub3A : vector<1000x1xf32>
      %mul3A_448 = arith.constant 1000 : i32
      %mul3A_449 = arith.muli %scan3A_427, %mul3A_448 : i32
      %get3A_450 = arith.index_cast %mul3A_449 : i32 to index
      %get3A_451 = arith.constant 0 : index
      %get3A_452 = vector.load %arg0[%get3A_450, %get3A_451] : memref<10000x32xf32, #tpu.memory_space<vmem>>, vector<1000x32xf32>
      %dot_general3A_453 = arith.constant dense<0.000000e+00> : vector<256x1xf32>
      %dot_general3A_454 = tpu.matmul %convert_element_type3A_437, %exp3A_447, %dot_general3A_453 {dimension_numbers = #tpu.dot_dimension_numbers<[0], [0], [1], [1], [0, 1, 1, 1], [], []>, precision = #tpu.contract_precision<fp32>, transpose_lhs_hint = false} : vector<1000x256xf32>, vector<1000x1xf32>, vector<256x1xf32> -> vector<256x1xf32>
      %add3A_455 = arith.addf %scan3A_428, %dot_general3A_454 : vector<256x1xf32>
      %mul3A_456 = vector.broadcast %exp3A_447 : vector<1000x1xf32> to vector<1000x32xf32>
      %mul3A_457 = arith.mulf %mul3A_456, %get3A_452 : vector<1000x32xf32>
      %dot_general3A_458 = arith.constant dense<0.000000e+00> : vector<256x32xf32>
      %dot_general3A_459 = tpu.matmul %convert_element_type3A_437, %mul3A_457, %dot_general3A_458 {dimension_numbers = #tpu.dot_dimension_numbers<[0], [0], [1], [1], [0, 1, 1, 1], [], []>, precision = #tpu.contract_precision<fp32>, transpose_lhs_hint = false} : vector<1000x256xf32>, vector<1000x32xf32>, vector<256x32xf32> -> vector<256x32xf32>
      %add3A_460 = arith.addf %scan3A_429, %dot_general3A_459 : vector<256x32xf32>
      scf.yield %add3A_455, %add3A_460 : vector<256x1xf32>, vector<256x32xf32>
    }
    %scan3A_116 = arith.constant 10 : i32
    %gt3A_117 = arith.constant 0.000000e+00 : f32
    %gt3A_118 = vector.broadcast %gt3A_117 : f32 to vector<256x1xf32>
    %gt3A_119 = arith.cmpf ogt, %scan3A_115#0, %gt3A_118 : vector<256x1xf32>
    %gt3A_120 = arith.constant 0.000000e+00 : f32
    %gt3A_121 = vector.broadcast %gt3A_120 : f32 to vector<256x1xf32>
    %gt3A_122 = arith.cmpf ogt, %scan3A_115#0, %gt3A_121 : vector<256x1xf32>
    %jit3A_123 = arith.constant 1.000000e+00 : f32
    %broadcast_in_dim3A_124 = vector.broadcast %jit3A_123 : f32 to vector<256x1xf32>
    %select_n3A_125 = arith.select %gt3A_122, %scan3A_115#0, %broadcast_in_dim3A_124 : vector<256x1xi1>, vector<256x1xf32>
    %div3A_126 = vector.broadcast %select_n3A_125 : vector<256x1xf32> to vector<256x32xf32>
    %div3A_127 = arith.divf %scan3A_115#1, %div3A_126 : vector<256x32xf32>
    %jit3A_128 = arith.constant 0.000000e+00 : f32
    %broadcast_in_dim3A_129 = vector.shape_cast %gt3A_119 : vector<256x1xi1> to vector<256x1xi1>
    %broadcast_in_dim3A_130 = vector.broadcast %broadcast_in_dim3A_129 : vector<256x1xi1> to vector<256x32xi1>
    %broadcast_in_dim3A_131 = vector.broadcast %jit3A_128 : f32 to vector<256x32xf32>
    %select_n3A_132 = arith.select %broadcast_in_dim3A_130, %div3A_127, %broadcast_in_dim3A_131 : vector<256x32xi1>, vector<256x32xf32>
    %concatenate3A = tpu.concatenate %mul3A_96, %select_n3A_132 in 1 : vector<256x32xf32>, vector<256x32xf32> -> vector<256x64xf32>
    %get3A_133 = arith.constant 0 : index
    %get3A_134 = arith.constant 0 : index
    %get3A_135 = vector.load %arg3[%get3A_133, %get3A_134] : memref<64x32xf32, #tpu.memory_space<vmem>>, vector<64x32xf32>
    %dot_general3A_136 = arith.constant dense<0.000000e+00> : vector<256x32xf32>
    %dot_general3A_137 = tpu.matmul %concatenate3A, %get3A_135, %dot_general3A_136 {dimension_numbers = #tpu.dot_dimension_numbers<[1], [0], [0], [1], [0, 0, 1, 1], [], []>, transpose_lhs_hint = false} : vector<256x64xf32>, vector<64x32xf32>, vector<256x32xf32> -> vector<256x32xf32>
    %get3A_138 = arith.constant 0 : index
    %get3A_139 = arith.constant 0 : index
    %get3A_140 = vector.load %arg7[%get3A_138, %get3A_139] : memref<32x32xf32, #tpu.memory_space<vmem>>, vector<32x32xf32>
    %dot_general3A_141 = arith.constant dense<0.000000e+00> : vector<256x32xf32>
    %dot_general3A_142 = tpu.matmul %mul3A_96, %get3A_140, %dot_general3A_141 {dimension_numbers = #tpu.dot_dimension_numbers<[1], [0], [0], [1], [0, 0, 1, 1], [], []>, transpose_lhs_hint = false} : vector<256x32xf32>, vector<32x32xf32>, vector<256x32xf32> -> vector<256x32xf32>
    %add3A_143 = arith.addf %dot_general3A_137, %dot_general3A_142 : vector<256x32xf32>
    %get3A_144 = arith.constant 0 : index
    %get3A_145 = arith.constant 0 : index
    %get3A_146 = vector.load %arg11[%get3A_144, %get3A_145] : memref<1x32xf32, #tpu.memory_space<vmem>>, vector<1x32xf32>
    %add3A_147 = vector.broadcast %get3A_146 : vector<1x32xf32> to vector<256x32xf32>
    %add3A_148 = arith.addf %add3A_143, %add3A_147 : vector<256x32xf32>
    %neg3A_149 = arith.constant 0.000000e+00 : f32
    %neg3A_150 = vector.broadcast %neg3A_149 : f32 to vector<256x32xf32>
    %neg3A_151 = arith.subf %neg3A_150, %add3A_148 : vector<256x32xf32>
    %exp3A_152 = math.exp %neg3A_151 : vector<256x32xf32>
    %add3A_153 = arith.constant 1.000000e+00 : f32
    %add3A_154 = vector.broadcast %add3A_153 : f32 to vector<256x32xf32>
    %add3A_155 = arith.addf %add3A_154, %exp3A_152 : vector<256x32xf32>
    %div3A_156 = arith.constant 1.000000e+00 : f32
    %div3A_157 = vector.broadcast %div3A_156 : f32 to vector<256x32xf32>
    %div3A_158 = arith.divf %div3A_157, %add3A_155 : vector<256x32xf32>
    %get3A_159 = arith.constant 0 : index
    %get3A_160 = arith.constant 0 : index
    %get3A_161 = vector.load %arg4[%get3A_159, %get3A_160] : memref<64x32xf32, #tpu.memory_space<vmem>>, vector<64x32xf32>
    %dot_general3A_162 = arith.constant dense<0.000000e+00> : vector<256x32xf32>
    %dot_general3A_163 = tpu.matmul %concatenate3A, %get3A_161, %dot_general3A_162 {dimension_numbers = #tpu.dot_dimension_numbers<[1], [0], [0], [1], [0, 0, 1, 1], [], []>, transpose_lhs_hint = false} : vector<256x64xf32>, vector<64x32xf32>, vector<256x32xf32> -> vector<256x32xf32>
    %get3A_164 = arith.constant 0 : index
    %get3A_165 = arith.constant 0 : index
    %get3A_166 = vector.load %arg8[%get3A_164, %get3A_165] : memref<32x32xf32, #tpu.memory_space<vmem>>, vector<32x32xf32>
    %dot_general3A_167 = arith.constant dense<0.000000e+00> : vector<256x32xf32>
    %dot_general3A_168 = tpu.matmul %mul3A_96, %get3A_166, %dot_general3A_167 {dimension_numbers = #tpu.dot_dimension_numbers<[1], [0], [0], [1], [0, 0, 1, 1], [], []>, transpose_lhs_hint = false} : vector<256x32xf32>, vector<32x32xf32>, vector<256x32xf32> -> vector<256x32xf32>
    %add3A_169 = arith.addf %dot_general3A_163, %dot_general3A_168 : vector<256x32xf32>
    %get3A_170 = arith.constant 0 : index
    %get3A_171 = arith.constant 0 : index
    %get3A_172 = vector.load %arg12[%get3A_170, %get3A_171] : memref<1x32xf32, #tpu.memory_space<vmem>>, vector<1x32xf32>
    %add3A_173 = vector.broadcast %get3A_172 : vector<1x32xf32> to vector<256x32xf32>
    %add3A_174 = arith.addf %add3A_169, %add3A_173 : vector<256x32xf32>
    %neg3A_175 = arith.constant 0.000000e+00 : f32
    %neg3A_176 = vector.broadcast %neg3A_175 : f32 to vector<256x32xf32>
    %neg3A_177 = arith.subf %neg3A_176, %add3A_174 : vector<256x32xf32>
    %exp3A_178 = math.exp %neg3A_177 : vector<256x32xf32>
    %add3A_179 = arith.constant 1.000000e+00 : f32
    %add3A_180 = vector.broadcast %add3A_179 : f32 to vector<256x32xf32>
    %add3A_181 = arith.addf %add3A_180, %exp3A_178 : vector<256x32xf32>
    %div3A_182 = arith.constant 1.000000e+00 : f32
    %div3A_183 = vector.broadcast %div3A_182 : f32 to vector<256x32xf32>
    %div3A_184 = arith.divf %div3A_183, %add3A_181 : vector<256x32xf32>
    %get3A_185 = arith.constant 0 : index
    %get3A_186 = arith.constant 0 : index
    %get3A_187 = vector.load %arg5[%get3A_185, %get3A_186] : memref<64x32xf32, #tpu.memory_space<vmem>>, vector<64x32xf32>
    %dot_general3A_188 = arith.constant dense<0.000000e+00> : vector<256x32xf32>
    %dot_general3A_189 = tpu.matmul %concatenate3A, %get3A_187, %dot_general3A_188 {dimension_numbers = #tpu.dot_dimension_numbers<[1], [0], [0], [1], [0, 0, 1, 1], [], []>, transpose_lhs_hint = false} : vector<256x64xf32>, vector<64x32xf32>, vector<256x32xf32> -> vector<256x32xf32>
    %get3A_190 = arith.constant 0 : index
    %get3A_191 = arith.constant 0 : index
    %get3A_192 = vector.load %arg9[%get3A_190, %get3A_191] : memref<32x32xf32, #tpu.memory_space<vmem>>, vector<32x32xf32>
    %dot_general3A_193 = arith.constant dense<0.000000e+00> : vector<256x32xf32>
    %dot_general3A_194 = tpu.matmul %mul3A_96, %get3A_192, %dot_general3A_193 {dimension_numbers = #tpu.dot_dimension_numbers<[1], [0], [0], [1], [0, 0, 1, 1], [], []>, transpose_lhs_hint = false} : vector<256x32xf32>, vector<32x32xf32>, vector<256x32xf32> -> vector<256x32xf32>
    %add3A_195 = arith.addf %dot_general3A_189, %dot_general3A_194 : vector<256x32xf32>
    %get3A_196 = arith.constant 0 : index
    %get3A_197 = arith.constant 0 : index
    %get3A_198 = vector.load %arg13[%get3A_196, %get3A_197] : memref<1x32xf32, #tpu.memory_space<vmem>>, vector<1x32xf32>
    %add3A_199 = vector.broadcast %get3A_198 : vector<1x32xf32> to vector<256x32xf32>
    %add3A_200 = arith.addf %add3A_195, %add3A_199 : vector<256x32xf32>
    %tanh3A_201 = math.tanh %add3A_200 : vector<256x32xf32>
    %get3A_202 = arith.constant 0 : index
    %get3A_203 = arith.constant 0 : index
    %get3A_204 = vector.load %arg6[%get3A_202, %get3A_203] : memref<64x32xf32, #tpu.memory_space<vmem>>, vector<64x32xf32>
    %dot_general3A_205 = arith.constant dense<0.000000e+00> : vector<256x32xf32>
    %dot_general3A_206 = tpu.matmul %concatenate3A, %get3A_204, %dot_general3A_205 {dimension_numbers = #tpu.dot_dimension_numbers<[1], [0], [0], [1], [0, 0, 1, 1], [], []>, transpose_lhs_hint = false} : vector<256x64xf32>, vector<64x32xf32>, vector<256x32xf32> -> vector<256x32xf32>
    %get3A_207 = arith.constant 0 : index
    %get3A_208 = arith.constant 0 : index
    %get3A_209 = vector.load %arg10[%get3A_207, %get3A_208] : memref<32x32xf32, #tpu.memory_space<vmem>>, vector<32x32xf32>
    %dot_general3A_210 = arith.constant dense<0.000000e+00> : vector<256x32xf32>
    %dot_general3A_211 = tpu.matmul %mul3A_96, %get3A_209, %dot_general3A_210 {dimension_numbers = #tpu.dot_dimension_numbers<[1], [0], [0], [1], [0, 0, 1, 1], [], []>, transpose_lhs_hint = false} : vector<256x32xf32>, vector<32x32xf32>, vector<256x32xf32> -> vector<256x32xf32>
    %add3A_212 = arith.addf %dot_general3A_206, %dot_general3A_211 : vector<256x32xf32>
    %get3A_213 = arith.constant 0 : index
    %get3A_214 = arith.constant 0 : index
    %get3A_215 = vector.load %arg14[%get3A_213, %get3A_214] : memref<1x32xf32, #tpu.memory_space<vmem>>, vector<1x32xf32>
    %add3A_216 = vector.broadcast %get3A_215 : vector<1x32xf32> to vector<256x32xf32>
    %add3A_217 = arith.addf %add3A_212, %add3A_216 : vector<256x32xf32>
    %neg3A_218 = arith.constant 0.000000e+00 : f32
    %neg3A_219 = vector.broadcast %neg3A_218 : f32 to vector<256x32xf32>
    %neg3A_220 = arith.subf %neg3A_219, %add3A_217 : vector<256x32xf32>
    %exp3A_221 = math.exp %neg3A_220 : vector<256x32xf32>
    %add3A_222 = arith.constant 1.000000e+00 : f32
    %add3A_223 = vector.broadcast %add3A_222 : f32 to vector<256x32xf32>
    %add3A_224 = arith.addf %add3A_223, %exp3A_221 : vector<256x32xf32>
    %div3A_225 = arith.constant 1.000000e+00 : f32
    %div3A_226 = vector.broadcast %div3A_225 : f32 to vector<256x32xf32>
    %div3A_227 = arith.divf %div3A_226, %add3A_224 : vector<256x32xf32>
    %mul3A_228 = arith.mulf %div3A_184, %add3A_94 : vector<256x32xf32>
    %mul3A_229 = arith.mulf %div3A_158, %tanh3A_201 : vector<256x32xf32>
    %add3A_230 = arith.addf %mul3A_228, %mul3A_229 : vector<256x32xf32>
    %tanh3A_231 = math.tanh %add3A_230 : vector<256x32xf32>
    %mul3A_232 = arith.mulf %div3A_227, %tanh3A_231 : vector<256x32xf32>
    %broadcast_in_dim3A_233 = arith.constant -1.000000e+30 : f32
    %broadcast_in_dim3A_234 = vector.broadcast %broadcast_in_dim3A_233 : f32 to vector<1x256xf32>
    %scan3A_235 = arith.constant 0 : i32
    %scan3A_236 = arith.constant 10 : i32
    %scan3A_237 = arith.addi %scan3A_235, %scan3A_236 : i32
    %scan3A_238 = arith.constant 1 : i32
    %scan3A_239 = scf.for %scan3A_427 = %scan3A_235 to %scan3A_237 step %scan3A_238 iter_args(%scan3A_428 = %broadcast_in_dim3A_234) -> (vector<1x256xf32>)  : i32 {
      %mul3A_429 = arith.constant 1000 : i32
      %mul3A_430 = arith.muli %scan3A_427, %mul3A_429 : i32
      %get3A_431 = arith.index_cast %mul3A_430 : i32 to index
      %get3A_432 = arith.constant 0 : index
      %get3A_433 = vector.load %arg1[%get3A_431, %get3A_432] : memref<10000x1xi32, #tpu.memory_space<vmem>>, vector<1000x1xi32>
      %eq3A = vector.broadcast %get3A_433 : vector<1000x1xi32> to vector<1000x256xi32>
      %eq3A_434 = vector.broadcast %iota3A : vector<1x256xi32> to vector<1000x256xi32>
      %eq3A_435 = arith.cmpi eq, %eq3A, %eq3A_434 : vector<1000x256xi32>
      %convert_element_type3A = arith.extui %eq3A_435 : vector<1000x256xi1> to vector<1000x256xi32>
      %convert_element_type3A_436 = arith.sitofp %convert_element_type3A : vector<1000x256xi32> to vector<1000x256xf32>
      %dot_general3A_437 = arith.constant dense<0.000000e+00> : vector<1000x32xf32>
      %dot_general3A_438 = tpu.matmul %convert_element_type3A_436, %mul3A_232, %dot_general3A_437 {dimension_numbers = #tpu.dot_dimension_numbers<[1], [0], [0], [1], [0, 0, 1, 1], [], []>, precision = #tpu.contract_precision<fp32>, transpose_lhs_hint = false} : vector<1000x256xf32>, vector<256x32xf32>, vector<1000x32xf32> -> vector<1000x32xf32>
      %mul3A_439 = arith.constant 1000 : i32
      %mul3A_440 = arith.muli %scan3A_427, %mul3A_439 : i32
      %get3A_441 = arith.index_cast %mul3A_440 : i32 to index
      %get3A_442 = arith.constant 0 : index
      %get3A_443 = vector.load %arg0[%get3A_441, %get3A_442] : memref<10000x32xf32, #tpu.memory_space<vmem>>, vector<1000x32xf32>
      %mul3A_444 = arith.mulf %get3A_443, %dot_general3A_438 : vector<1000x32xf32>
      %reduce_sum3A = arith.constant dense<0.000000e+00> : vector<1000xf32>
      %reduce_sum3A_445 = vector.multi_reduction <add>, %mul3A_444, %reduce_sum3A [1] : vector<1000x32xf32> to vector<1000xf32>
      %broadcast_in_dim3A_446 = vector.shape_cast %reduce_sum3A_445 : vector<1000xf32> to vector<1000x1xf32>
      %mul3A_447 = arith.constant 1000 : i32
      %mul3A_448 = arith.muli %scan3A_427, %mul3A_447 : i32
      %swap3A_449 = arith.index_cast %mul3A_448 : i32 to index
      %swap3A_450 = arith.constant 0 : index
      %swap3A_451 = vector.load %arg18[%swap3A_449, %swap3A_450] : memref<10000x1xf32, #tpu.memory_space<vmem>>, vector<1000x1xf32>
      tpu.vector_store %arg18[%swap3A_449, %swap3A_450], %broadcast_in_dim3A_446 {strides = array<i32>} : memref<10000x1xf32, #tpu.memory_space<vmem>>, vector<1000x1xf32>,
      %jit3A_452 = arith.constant -1.000000e+30 : f32
      %broadcast_in_dim3A_453 = vector.shape_cast %broadcast_in_dim3A_446 : vector<1000x1xf32> to vector<1000x1xf32>
      %broadcast_in_dim3A_454 = vector.broadcast %broadcast_in_dim3A_453 : vector<1000x1xf32> to vector<1000x256xf32>
      %broadcast_in_dim3A_455 = vector.broadcast %jit3A_452 : f32 to vector<1000x256xf32>
      %select_n3A_456 = arith.select %eq3A_435, %broadcast_in_dim3A_454, %broadcast_in_dim3A_455 : vector<1000x256xi1>, vector<1000x256xf32>
      %reduce_max3A = arith.constant dense<0xFF800000> : vector<256xf32>
      %reduce_max3A_457 = vector.multi_reduction <maximumf>, %select_n3A_456, %reduce_max3A [0] : vector<1000x256xf32> to vector<256xf32>
      %broadcast_in_dim3A_458 = vector.shape_cast %reduce_max3A_457 : vector<256xf32> to vector<1x256xf32>
      %max3A = arith.maximumf %scan3A_428, %broadcast_in_dim3A_458 : vector<1x256xf32>
      scf.yield %max3A : vector<1x256xf32>
    }
    %scan3A_240 = arith.constant 10 : i32
    %gt3A_241 = arith.constant -1.000000e+29 : f32
    %gt3A_242 = vector.broadcast %gt3A_241 : f32 to vector<1x256xf32>
    %gt3A_243 = arith.cmpf ogt, %scan3A_239, %gt3A_242 : vector<1x256xf32>
    %jit3A_244 = arith.constant 0.000000e+00 : f32
    %broadcast_in_dim3A_245 = vector.broadcast %jit3A_244 : f32 to vector<1x256xf32>
    %select_n3A_246 = arith.select %gt3A_243, %scan3A_239, %broadcast_in_dim3A_245 : vector<1x256xi1>, vector<1x256xf32>
    %broadcast_in_dim3A_247 = arith.constant 0.000000e+00 : f32
    %broadcast_in_dim3A_248 = vector.broadcast %broadcast_in_dim3A_247 : f32 to vector<256x1xf32>
    %broadcast_in_dim3A_249 = arith.constant 0.000000e+00 : f32
    %broadcast_in_dim3A_250 = vector.broadcast %broadcast_in_dim3A_249 : f32 to vector<256x32xf32>
    %scan3A_251 = arith.constant 0 : i32
    %scan3A_252 = arith.constant 10 : i32
    %scan3A_253 = arith.addi %scan3A_251, %scan3A_252 : i32
    %scan3A_254 = arith.constant 1 : i32
    %scan3A_255:2 = scf.for %scan3A_427 = %scan3A_251 to %scan3A_253 step %scan3A_254 iter_args(%scan3A_428 = %broadcast_in_dim3A_248, %scan3A_429 = %broadcast_in_dim3A_250) -> (vector<256x1xf32>, vector<256x32xf32>)  : i32 {
      %mul3A_430 = arith.constant 1000 : i32
      %mul3A_431 = arith.muli %scan3A_427, %mul3A_430 : i32
      %get3A_432 = arith.index_cast %mul3A_431 : i32 to index
      %get3A_433 = arith.constant 0 : index
      %get3A_434 = vector.load %arg1[%get3A_432, %get3A_433] : memref<10000x1xi32, #tpu.memory_space<vmem>>, vector<1000x1xi32>
      %eq3A = vector.broadcast %get3A_434 : vector<1000x1xi32> to vector<1000x256xi32>
      %eq3A_435 = vector.broadcast %iota3A : vector<1x256xi32> to vector<1000x256xi32>
      %eq3A_436 = arith.cmpi eq, %eq3A, %eq3A_435 : vector<1000x256xi32>
      %convert_element_type3A = arith.extui %eq3A_436 : vector<1000x256xi1> to vector<1000x256xi32>
      %convert_element_type3A_437 = arith.sitofp %convert_element_type3A : vector<1000x256xi32> to vector<1000x256xf32>
      %mul3A_438 = vector.broadcast %select_n3A_246 : vector<1x256xf32> to vector<1000x256xf32>
      %mul3A_439 = arith.mulf %convert_element_type3A_437, %mul3A_438 : vector<1000x256xf32>
      %reduce_sum3A = arith.constant dense<0.000000e+00> : vector<1000xf32>
      %reduce_sum3A_440 = vector.multi_reduction <add>, %mul3A_439, %reduce_sum3A [1] : vector<1000x256xf32> to vector<1000xf32>
      %broadcast_in_dim3A_441 = vector.shape_cast %reduce_sum3A_440 : vector<1000xf32> to vector<1000x1xf32>
      %mul3A_442 = arith.constant 1000 : i32
      %mul3A_443 = arith.muli %scan3A_427, %mul3A_442 : i32
      %get3A_444 = arith.index_cast %mul3A_443 : i32 to index
      %get3A_445 = arith.constant 0 : index
      %get3A_446 = vector.load %arg18[%get3A_444, %get3A_445] : memref<10000x1xf32, #tpu.memory_space<vmem>>, vector<1000x1xf32>
      %sub3A = arith.subf %get3A_446, %broadcast_in_dim3A_441 : vector<1000x1xf32>
      %exp3A_447 = math.exp %sub3A : vector<1000x1xf32>
      %mul3A_448 = arith.constant 1000 : i32
      %mul3A_449 = arith.muli %scan3A_427, %mul3A_448 : i32
      %get3A_450 = arith.index_cast %mul3A_449 : i32 to index
      %get3A_451 = arith.constant 0 : index
      %get3A_452 = vector.load %arg0[%get3A_450, %get3A_451] : memref<10000x32xf32, #tpu.memory_space<vmem>>, vector<1000x32xf32>
      %dot_general3A_453 = arith.constant dense<0.000000e+00> : vector<256x1xf32>
      %dot_general3A_454 = tpu.matmul %convert_element_type3A_437, %exp3A_447, %dot_general3A_453 {dimension_numbers = #tpu.dot_dimension_numbers<[0], [0], [1], [1], [0, 1, 1, 1], [], []>, precision = #tpu.contract_precision<fp32>, transpose_lhs_hint = false} : vector<1000x256xf32>, vector<1000x1xf32>, vector<256x1xf32> -> vector<256x1xf32>
      %add3A_455 = arith.addf %scan3A_428, %dot_general3A_454 : vector<256x1xf32>
      %mul3A_456 = vector.broadcast %exp3A_447 : vector<1000x1xf32> to vector<1000x32xf32>
      %mul3A_457 = arith.mulf %mul3A_456, %get3A_452 : vector<1000x32xf32>
      %dot_general3A_458 = arith.constant dense<0.000000e+00> : vector<256x32xf32>
      %dot_general3A_459 = tpu.matmul %convert_element_type3A_437, %mul3A_457, %dot_general3A_458 {dimension_numbers = #tpu.dot_dimension_numbers<[0], [0], [1], [1], [0, 1, 1, 1], [], []>, precision = #tpu.contract_precision<fp32>, transpose_lhs_hint = false} : vector<1000x256xf32>, vector<1000x32xf32>, vector<256x32xf32> -> vector<256x32xf32>
      %add3A_460 = arith.addf %scan3A_429, %dot_general3A_459 : vector<256x32xf32>
      scf.yield %add3A_455, %add3A_460 : vector<256x1xf32>, vector<256x32xf32>
    }
    %scan3A_256 = arith.constant 10 : i32
    %gt3A_257 = arith.constant 0.000000e+00 : f32
    %gt3A_258 = vector.broadcast %gt3A_257 : f32 to vector<256x1xf32>
    %gt3A_259 = arith.cmpf ogt, %scan3A_255#0, %gt3A_258 : vector<256x1xf32>
    %gt3A_260 = arith.constant 0.000000e+00 : f32
    %gt3A_261 = vector.broadcast %gt3A_260 : f32 to vector<256x1xf32>
    %gt3A_262 = arith.cmpf ogt, %scan3A_255#0, %gt3A_261 : vector<256x1xf32>
    %jit3A_263 = arith.constant 1.000000e+00 : f32
    %broadcast_in_dim3A_264 = vector.broadcast %jit3A_263 : f32 to vector<256x1xf32>
    %select_n3A_265 = arith.select %gt3A_262, %scan3A_255#0, %broadcast_in_dim3A_264 : vector<256x1xi1>, vector<256x1xf32>
    %div3A_266 = vector.broadcast %select_n3A_265 : vector<256x1xf32> to vector<256x32xf32>
    %div3A_267 = arith.divf %scan3A_255#1, %div3A_266 : vector<256x32xf32>
    %jit3A_268 = arith.constant 0.000000e+00 : f32
    %broadcast_in_dim3A_269 = vector.shape_cast %gt3A_259 : vector<256x1xi1> to vector<256x1xi1>
    %broadcast_in_dim3A_270 = vector.broadcast %broadcast_in_dim3A_269 : vector<256x1xi1> to vector<256x32xi1>
    %broadcast_in_dim3A_271 = vector.broadcast %jit3A_268 : f32 to vector<256x32xf32>
    %select_n3A_272 = arith.select %broadcast_in_dim3A_270, %div3A_267, %broadcast_in_dim3A_271 : vector<256x32xi1>, vector<256x32xf32>
    %concatenate3A_273 = tpu.concatenate %mul3A_232, %select_n3A_272 in 1 : vector<256x32xf32>, vector<256x32xf32> -> vector<256x64xf32>
    %get3A_274 = arith.constant 0 : index
    %get3A_275 = arith.constant 0 : index
    %get3A_276 = vector.load %arg3[%get3A_274, %get3A_275] : memref<64x32xf32, #tpu.memory_space<vmem>>, vector<64x32xf32>
    %dot_general3A_277 = arith.constant dense<0.000000e+00> : vector<256x32xf32>
    %dot_general3A_278 = tpu.matmul %concatenate3A_273, %get3A_276, %dot_general3A_277 {dimension_numbers = #tpu.dot_dimension_numbers<[1], [0], [0], [1], [0, 0, 1, 1], [], []>, transpose_lhs_hint = false} : vector<256x64xf32>, vector<64x32xf32>, vector<256x32xf32> -> vector<256x32xf32>
    %get3A_279 = arith.constant 0 : index
    %get3A_280 = arith.constant 0 : index
    %get3A_281 = vector.load %arg7[%get3A_279, %get3A_280] : memref<32x32xf32, #tpu.memory_space<vmem>>, vector<32x32xf32>
    %dot_general3A_282 = arith.constant dense<0.000000e+00> : vector<256x32xf32>
    %dot_general3A_283 = tpu.matmul %mul3A_232, %get3A_281, %dot_general3A_282 {dimension_numbers = #tpu.dot_dimension_numbers<[1], [0], [0], [1], [0, 0, 1, 1], [], []>, transpose_lhs_hint = false} : vector<256x32xf32>, vector<32x32xf32>, vector<256x32xf32> -> vector<256x32xf32>
    %add3A_284 = arith.addf %dot_general3A_278, %dot_general3A_283 : vector<256x32xf32>
    %get3A_285 = arith.constant 0 : index
    %get3A_286 = arith.constant 0 : index
    %get3A_287 = vector.load %arg11[%get3A_285, %get3A_286] : memref<1x32xf32, #tpu.memory_space<vmem>>, vector<1x32xf32>
    %add3A_288 = vector.broadcast %get3A_287 : vector<1x32xf32> to vector<256x32xf32>
    %add3A_289 = arith.addf %add3A_284, %add3A_288 : vector<256x32xf32>
    %neg3A_290 = arith.constant 0.000000e+00 : f32
    %neg3A_291 = vector.broadcast %neg3A_290 : f32 to vector<256x32xf32>
    %neg3A_292 = arith.subf %neg3A_291, %add3A_289 : vector<256x32xf32>
    %exp3A_293 = math.exp %neg3A_292 : vector<256x32xf32>
    %add3A_294 = arith.constant 1.000000e+00 : f32
    %add3A_295 = vector.broadcast %add3A_294 : f32 to vector<256x32xf32>
    %add3A_296 = arith.addf %add3A_295, %exp3A_293 : vector<256x32xf32>
    %div3A_297 = arith.constant 1.000000e+00 : f32
    %div3A_298 = vector.broadcast %div3A_297 : f32 to vector<256x32xf32>
    %div3A_299 = arith.divf %div3A_298, %add3A_296 : vector<256x32xf32>
    %get3A_300 = arith.constant 0 : index
    %get3A_301 = arith.constant 0 : index
    %get3A_302 = vector.load %arg4[%get3A_300, %get3A_301] : memref<64x32xf32, #tpu.memory_space<vmem>>, vector<64x32xf32>
    %dot_general3A_303 = arith.constant dense<0.000000e+00> : vector<256x32xf32>
    %dot_general3A_304 = tpu.matmul %concatenate3A_273, %get3A_302, %dot_general3A_303 {dimension_numbers = #tpu.dot_dimension_numbers<[1], [0], [0], [1], [0, 0, 1, 1], [], []>, transpose_lhs_hint = false} : vector<256x64xf32>, vector<64x32xf32>, vector<256x32xf32> -> vector<256x32xf32>
    %get3A_305 = arith.constant 0 : index
    %get3A_306 = arith.constant 0 : index
    %get3A_307 = vector.load %arg8[%get3A_305, %get3A_306] : memref<32x32xf32, #tpu.memory_space<vmem>>, vector<32x32xf32>
    %dot_general3A_308 = arith.constant dense<0.000000e+00> : vector<256x32xf32>
    %dot_general3A_309 = tpu.matmul %mul3A_232, %get3A_307, %dot_general3A_308 {dimension_numbers = #tpu.dot_dimension_numbers<[1], [0], [0], [1], [0, 0, 1, 1], [], []>, transpose_lhs_hint = false} : vector<256x32xf32>, vector<32x32xf32>, vector<256x32xf32> -> vector<256x32xf32>
    %add3A_310 = arith.addf %dot_general3A_304, %dot_general3A_309 : vector<256x32xf32>
    %get3A_311 = arith.constant 0 : index
    %get3A_312 = arith.constant 0 : index
    %get3A_313 = vector.load %arg12[%get3A_311, %get3A_312] : memref<1x32xf32, #tpu.memory_space<vmem>>, vector<1x32xf32>
    %add3A_314 = vector.broadcast %get3A_313 : vector<1x32xf32> to vector<256x32xf32>
    %add3A_315 = arith.addf %add3A_310, %add3A_314 : vector<256x32xf32>
    %neg3A_316 = arith.constant 0.000000e+00 : f32
    %neg3A_317 = vector.broadcast %neg3A_316 : f32 to vector<256x32xf32>
    %neg3A_318 = arith.subf %neg3A_317, %add3A_315 : vector<256x32xf32>
    %exp3A_319 = math.exp %neg3A_318 : vector<256x32xf32>
    %add3A_320 = arith.constant 1.000000e+00 : f32
    %add3A_321 = vector.broadcast %add3A_320 : f32 to vector<256x32xf32>
    %add3A_322 = arith.addf %add3A_321, %exp3A_319 : vector<256x32xf32>
    %div3A_323 = arith.constant 1.000000e+00 : f32
    %div3A_324 = vector.broadcast %div3A_323 : f32 to vector<256x32xf32>
    %div3A_325 = arith.divf %div3A_324, %add3A_322 : vector<256x32xf32>
    %get3A_326 = arith.constant 0 : index
    %get3A_327 = arith.constant 0 : index
    %get3A_328 = vector.load %arg5[%get3A_326, %get3A_327] : memref<64x32xf32, #tpu.memory_space<vmem>>, vector<64x32xf32>
    %dot_general3A_329 = arith.constant dense<0.000000e+00> : vector<256x32xf32>
    %dot_general3A_330 = tpu.matmul %concatenate3A_273, %get3A_328, %dot_general3A_329 {dimension_numbers = #tpu.dot_dimension_numbers<[1], [0], [0], [1], [0, 0, 1, 1], [], []>, transpose_lhs_hint = false} : vector<256x64xf32>, vector<64x32xf32>, vector<256x32xf32> -> vector<256x32xf32>
    %get3A_331 = arith.constant 0 : index
    %get3A_332 = arith.constant 0 : index
    %get3A_333 = vector.load %arg9[%get3A_331, %get3A_332] : memref<32x32xf32, #tpu.memory_space<vmem>>, vector<32x32xf32>
    %dot_general3A_334 = arith.constant dense<0.000000e+00> : vector<256x32xf32>
    %dot_general3A_335 = tpu.matmul %mul3A_232, %get3A_333, %dot_general3A_334 {dimension_numbers = #tpu.dot_dimension_numbers<[1], [0], [0], [1], [0, 0, 1, 1], [], []>, transpose_lhs_hint = false} : vector<256x32xf32>, vector<32x32xf32>, vector<256x32xf32> -> vector<256x32xf32>
    %add3A_336 = arith.addf %dot_general3A_330, %dot_general3A_335 : vector<256x32xf32>
    %get3A_337 = arith.constant 0 : index
    %get3A_338 = arith.constant 0 : index
    %get3A_339 = vector.load %arg13[%get3A_337, %get3A_338] : memref<1x32xf32, #tpu.memory_space<vmem>>, vector<1x32xf32>
    %add3A_340 = vector.broadcast %get3A_339 : vector<1x32xf32> to vector<256x32xf32>
    %add3A_341 = arith.addf %add3A_336, %add3A_340 : vector<256x32xf32>
    %tanh3A_342 = math.tanh %add3A_341 : vector<256x32xf32>
    %get3A_343 = arith.constant 0 : index
    %get3A_344 = arith.constant 0 : index
    %get3A_345 = vector.load %arg6[%get3A_343, %get3A_344] : memref<64x32xf32, #tpu.memory_space<vmem>>, vector<64x32xf32>
    %dot_general3A_346 = arith.constant dense<0.000000e+00> : vector<256x32xf32>
    %dot_general3A_347 = tpu.matmul %concatenate3A_273, %get3A_345, %dot_general3A_346 {dimension_numbers = #tpu.dot_dimension_numbers<[1], [0], [0], [1], [0, 0, 1, 1], [], []>, transpose_lhs_hint = false} : vector<256x64xf32>, vector<64x32xf32>, vector<256x32xf32> -> vector<256x32xf32>
    %get3A_348 = arith.constant 0 : index
    %get3A_349 = arith.constant 0 : index
    %get3A_350 = vector.load %arg10[%get3A_348, %get3A_349] : memref<32x32xf32, #tpu.memory_space<vmem>>, vector<32x32xf32>
    %dot_general3A_351 = arith.constant dense<0.000000e+00> : vector<256x32xf32>
    %dot_general3A_352 = tpu.matmul %mul3A_232, %get3A_350, %dot_general3A_351 {dimension_numbers = #tpu.dot_dimension_numbers<[1], [0], [0], [1], [0, 0, 1, 1], [], []>, transpose_lhs_hint = false} : vector<256x32xf32>, vector<32x32xf32>, vector<256x32xf32> -> vector<256x32xf32>
    %add3A_353 = arith.addf %dot_general3A_347, %dot_general3A_352 : vector<256x32xf32>
    %get3A_354 = arith.constant 0 : index
    %get3A_355 = arith.constant 0 : index
    %get3A_356 = vector.load %arg14[%get3A_354, %get3A_355] : memref<1x32xf32, #tpu.memory_space<vmem>>, vector<1x32xf32>
    %add3A_357 = vector.broadcast %get3A_356 : vector<1x32xf32> to vector<256x32xf32>
    %add3A_358 = arith.addf %add3A_353, %add3A_357 : vector<256x32xf32>
    %neg3A_359 = arith.constant 0.000000e+00 : f32
    %neg3A_360 = vector.broadcast %neg3A_359 : f32 to vector<256x32xf32>
    %neg3A_361 = arith.subf %neg3A_360, %add3A_358 : vector<256x32xf32>
    %exp3A_362 = math.exp %neg3A_361 : vector<256x32xf32>
    %add3A_363 = arith.constant 1.000000e+00 : f32
    %add3A_364 = vector.broadcast %add3A_363 : f32 to vector<256x32xf32>
    %add3A_365 = arith.addf %add3A_364, %exp3A_362 : vector<256x32xf32>
    %div3A_366 = arith.constant 1.000000e+00 : f32
    %div3A_367 = vector.broadcast %div3A_366 : f32 to vector<256x32xf32>
    %div3A_368 = arith.divf %div3A_367, %add3A_365 : vector<256x32xf32>
    %mul3A_369 = arith.mulf %div3A_325, %add3A_230 : vector<256x32xf32>
    %mul3A_370 = arith.mulf %div3A_299, %tanh3A_342 : vector<256x32xf32>
    %add3A_371 = arith.addf %mul3A_369, %mul3A_370 : vector<256x32xf32>
    %tanh3A_372 = math.tanh %add3A_371 : vector<256x32xf32>
    %mul3A_373 = arith.mulf %div3A_368, %tanh3A_372 : vector<256x32xf32>
    %broadcast_in_dim3A_374 = arith.constant -1.000000e+30 : f32
    %broadcast_in_dim3A_375 = vector.broadcast %broadcast_in_dim3A_374 : f32 to vector<1x256xf32>
    %scan3A_376 = arith.constant 0 : i32
    %scan3A_377 = arith.constant 10 : i32
    %scan3A_378 = arith.addi %scan3A_376, %scan3A_377 : i32
    %scan3A_379 = arith.constant 1 : i32
    %scan3A_380 = scf.for %scan3A_427 = %scan3A_376 to %scan3A_378 step %scan3A_379 iter_args(%scan3A_428 = %broadcast_in_dim3A_375) -> (vector<1x256xf32>)  : i32 {
      %mul3A_429 = arith.constant 1000 : i32
      %mul3A_430 = arith.muli %scan3A_427, %mul3A_429 : i32
      %get3A_431 = arith.index_cast %mul3A_430 : i32 to index
      %get3A_432 = arith.constant 0 : index
      %get3A_433 = vector.load %arg1[%get3A_431, %get3A_432] : memref<10000x1xi32, #tpu.memory_space<vmem>>, vector<1000x1xi32>
      %eq3A = vector.broadcast %get3A_433 : vector<1000x1xi32> to vector<1000x256xi32>
      %eq3A_434 = vector.broadcast %iota3A : vector<1x256xi32> to vector<1000x256xi32>
      %eq3A_435 = arith.cmpi eq, %eq3A, %eq3A_434 : vector<1000x256xi32>
      %convert_element_type3A = arith.extui %eq3A_435 : vector<1000x256xi1> to vector<1000x256xi32>
      %convert_element_type3A_436 = arith.sitofp %convert_element_type3A : vector<1000x256xi32> to vector<1000x256xf32>
      %dot_general3A_437 = arith.constant dense<0.000000e+00> : vector<1000x32xf32>
      %dot_general3A_438 = tpu.matmul %convert_element_type3A_436, %mul3A_373, %dot_general3A_437 {dimension_numbers = #tpu.dot_dimension_numbers<[1], [0], [0], [1], [0, 0, 1, 1], [], []>, precision = #tpu.contract_precision<fp32>, transpose_lhs_hint = false} : vector<1000x256xf32>, vector<256x32xf32>, vector<1000x32xf32> -> vector<1000x32xf32>
      %mul3A_439 = arith.constant 1000 : i32
      %mul3A_440 = arith.muli %scan3A_427, %mul3A_439 : i32
      %get3A_441 = arith.index_cast %mul3A_440 : i32 to index
      %get3A_442 = arith.constant 0 : index
      %get3A_443 = vector.load %arg0[%get3A_441, %get3A_442] : memref<10000x32xf32, #tpu.memory_space<vmem>>, vector<1000x32xf32>
      %mul3A_444 = arith.mulf %get3A_443, %dot_general3A_438 : vector<1000x32xf32>
      %reduce_sum3A = arith.constant dense<0.000000e+00> : vector<1000xf32>
      %reduce_sum3A_445 = vector.multi_reduction <add>, %mul3A_444, %reduce_sum3A [1] : vector<1000x32xf32> to vector<1000xf32>
      %broadcast_in_dim3A_446 = vector.shape_cast %reduce_sum3A_445 : vector<1000xf32> to vector<1000x1xf32>
      %mul3A_447 = arith.constant 1000 : i32
      %mul3A_448 = arith.muli %scan3A_427, %mul3A_447 : i32
      %swap3A_449 = arith.index_cast %mul3A_448 : i32 to index
      %swap3A_450 = arith.constant 0 : index
      %swap3A_451 = vector.load %arg18[%swap3A_449, %swap3A_450] : memref<10000x1xf32, #tpu.memory_space<vmem>>, vector<1000x1xf32>
      tpu.vector_store %arg18[%swap3A_449, %swap3A_450], %broadcast_in_dim3A_446 {strides = array<i32>} : memref<10000x1xf32, #tpu.memory_space<vmem>>, vector<1000x1xf32>,
      %jit3A_452 = arith.constant -1.000000e+30 : f32
      %broadcast_in_dim3A_453 = vector.shape_cast %broadcast_in_dim3A_446 : vector<1000x1xf32> to vector<1000x1xf32>
      %broadcast_in_dim3A_454 = vector.broadcast %broadcast_in_dim3A_453 : vector<1000x1xf32> to vector<1000x256xf32>
      %broadcast_in_dim3A_455 = vector.broadcast %jit3A_452 : f32 to vector<1000x256xf32>
      %select_n3A_456 = arith.select %eq3A_435, %broadcast_in_dim3A_454, %broadcast_in_dim3A_455 : vector<1000x256xi1>, vector<1000x256xf32>
      %reduce_max3A = arith.constant dense<0xFF800000> : vector<256xf32>
      %reduce_max3A_457 = vector.multi_reduction <maximumf>, %select_n3A_456, %reduce_max3A [0] : vector<1000x256xf32> to vector<256xf32>
      %broadcast_in_dim3A_458 = vector.shape_cast %reduce_max3A_457 : vector<256xf32> to vector<1x256xf32>
      %max3A = arith.maximumf %scan3A_428, %broadcast_in_dim3A_458 : vector<1x256xf32>
      scf.yield %max3A : vector<1x256xf32>
    }
    %scan3A_381 = arith.constant 10 : i32
    %gt3A_382 = arith.constant -1.000000e+29 : f32
    %gt3A_383 = vector.broadcast %gt3A_382 : f32 to vector<1x256xf32>
    %gt3A_384 = arith.cmpf ogt, %scan3A_380, %gt3A_383 : vector<1x256xf32>
    %jit3A_385 = arith.constant 0.000000e+00 : f32
    %broadcast_in_dim3A_386 = vector.broadcast %jit3A_385 : f32 to vector<1x256xf32>
    %select_n3A_387 = arith.select %gt3A_384, %scan3A_380, %broadcast_in_dim3A_386 : vector<1x256xi1>, vector<1x256xf32>
    %broadcast_in_dim3A_388 = arith.constant 0.000000e+00 : f32
    %broadcast_in_dim3A_389 = vector.broadcast %broadcast_in_dim3A_388 : f32 to vector<256x1xf32>
    %broadcast_in_dim3A_390 = arith.constant 0.000000e+00 : f32
    %broadcast_in_dim3A_391 = vector.broadcast %broadcast_in_dim3A_390 : f32 to vector<256x32xf32>
    %scan3A_392 = arith.constant 0 : i32
    %scan3A_393 = arith.constant 10 : i32
    %scan3A_394 = arith.addi %scan3A_392, %scan3A_393 : i32
    %scan3A_395 = arith.constant 1 : i32
    %scan3A_396:2 = scf.for %scan3A_427 = %scan3A_392 to %scan3A_394 step %scan3A_395 iter_args(%scan3A_428 = %broadcast_in_dim3A_389, %scan3A_429 = %broadcast_in_dim3A_391) -> (vector<256x1xf32>, vector<256x32xf32>)  : i32 {
      %mul3A_430 = arith.constant 1000 : i32
      %mul3A_431 = arith.muli %scan3A_427, %mul3A_430 : i32
      %get3A_432 = arith.index_cast %mul3A_431 : i32 to index
      %get3A_433 = arith.constant 0 : index
      %get3A_434 = vector.load %arg1[%get3A_432, %get3A_433] : memref<10000x1xi32, #tpu.memory_space<vmem>>, vector<1000x1xi32>
      %eq3A = vector.broadcast %get3A_434 : vector<1000x1xi32> to vector<1000x256xi32>
      %eq3A_435 = vector.broadcast %iota3A : vector<1x256xi32> to vector<1000x256xi32>
      %eq3A_436 = arith.cmpi eq, %eq3A, %eq3A_435 : vector<1000x256xi32>
      %convert_element_type3A = arith.extui %eq3A_436 : vector<1000x256xi1> to vector<1000x256xi32>
      %convert_element_type3A_437 = arith.sitofp %convert_element_type3A : vector<1000x256xi32> to vector<1000x256xf32>
      %mul3A_438 = vector.broadcast %select_n3A_387 : vector<1x256xf32> to vector<1000x256xf32>
      %mul3A_439 = arith.mulf %convert_element_type3A_437, %mul3A_438 : vector<1000x256xf32>
      %reduce_sum3A = arith.constant dense<0.000000e+00> : vector<1000xf32>
      %reduce_sum3A_440 = vector.multi_reduction <add>, %mul3A_439, %reduce_sum3A [1] : vector<1000x256xf32> to vector<1000xf32>
      %broadcast_in_dim3A_441 = vector.shape_cast %reduce_sum3A_440 : vector<1000xf32> to vector<1000x1xf32>
      %mul3A_442 = arith.constant 1000 : i32
      %mul3A_443 = arith.muli %scan3A_427, %mul3A_442 : i32
      %get3A_444 = arith.index_cast %mul3A_443 : i32 to index
      %get3A_445 = arith.constant 0 : index
      %get3A_446 = vector.load %arg18[%get3A_444, %get3A_445] : memref<10000x1xf32, #tpu.memory_space<vmem>>, vector<1000x1xf32>
      %sub3A = arith.subf %get3A_446, %broadcast_in_dim3A_441 : vector<1000x1xf32>
      %exp3A_447 = math.exp %sub3A : vector<1000x1xf32>
      %mul3A_448 = arith.constant 1000 : i32
      %mul3A_449 = arith.muli %scan3A_427, %mul3A_448 : i32
      %get3A_450 = arith.index_cast %mul3A_449 : i32 to index
      %get3A_451 = arith.constant 0 : index
      %get3A_452 = vector.load %arg0[%get3A_450, %get3A_451] : memref<10000x32xf32, #tpu.memory_space<vmem>>, vector<1000x32xf32>
      %dot_general3A_453 = arith.constant dense<0.000000e+00> : vector<256x1xf32>
      %dot_general3A_454 = tpu.matmul %convert_element_type3A_437, %exp3A_447, %dot_general3A_453 {dimension_numbers = #tpu.dot_dimension_numbers<[0], [0], [1], [1], [0, 1, 1, 1], [], []>, precision = #tpu.contract_precision<fp32>, transpose_lhs_hint = false} : vector<1000x256xf32>, vector<1000x1xf32>, vector<256x1xf32> -> vector<256x1xf32>
      %add3A_455 = arith.addf %scan3A_428, %dot_general3A_454 : vector<256x1xf32>
      %mul3A_456 = vector.broadcast %exp3A_447 : vector<1000x1xf32> to vector<1000x32xf32>
      %mul3A_457 = arith.mulf %mul3A_456, %get3A_452 : vector<1000x32xf32>
      %dot_general3A_458 = arith.constant dense<0.000000e+00> : vector<256x32xf32>
      %dot_general3A_459 = tpu.matmul %convert_element_type3A_437, %mul3A_457, %dot_general3A_458 {dimension_numbers = #tpu.dot_dimension_numbers<[0], [0], [1], [1], [0, 1, 1, 1], [], []>, precision = #tpu.contract_precision<fp32>, transpose_lhs_hint = false} : vector<1000x256xf32>, vector<1000x32xf32>, vector<256x32xf32> -> vector<256x32xf32>
      %add3A_460 = arith.addf %scan3A_429, %dot_general3A_459 : vector<256x32xf32>
      scf.yield %add3A_455, %add3A_460 : vector<256x1xf32>, vector<256x32xf32>
    }
    %scan3A_397 = arith.constant 10 : i32
    %gt3A_398 = arith.constant 0.000000e+00 : f32
    %gt3A_399 = vector.broadcast %gt3A_398 : f32 to vector<256x1xf32>
    %gt3A_400 = arith.cmpf ogt, %scan3A_396#0, %gt3A_399 : vector<256x1xf32>
    %gt3A_401 = arith.constant 0.000000e+00 : f32
    %gt3A_402 = vector.broadcast %gt3A_401 : f32 to vector<256x1xf32>
    %gt3A_403 = arith.cmpf ogt, %scan3A_396#0, %gt3A_402 : vector<256x1xf32>
    %jit3A_404 = arith.constant 1.000000e+00 : f32
    %broadcast_in_dim3A_405 = vector.broadcast %jit3A_404 : f32 to vector<256x1xf32>
    %select_n3A_406 = arith.select %gt3A_403, %scan3A_396#0, %broadcast_in_dim3A_405 : vector<256x1xi1>, vector<256x1xf32>
    %div3A_407 = vector.broadcast %select_n3A_406 : vector<256x1xf32> to vector<256x32xf32>
    %div3A_408 = arith.divf %scan3A_396#1, %div3A_407 : vector<256x32xf32>
    %jit3A_409 = arith.constant 0.000000e+00 : f32
    %broadcast_in_dim3A_410 = vector.shape_cast %gt3A_400 : vector<256x1xi1> to vector<256x1xi1>
    %broadcast_in_dim3A_411 = vector.broadcast %broadcast_in_dim3A_410 : vector<256x1xi1> to vector<256x32xi1>
    %broadcast_in_dim3A_412 = vector.broadcast %jit3A_409 : f32 to vector<256x32xf32>
    %select_n3A_413 = arith.select %broadcast_in_dim3A_411, %div3A_408, %broadcast_in_dim3A_412 : vector<256x32xi1>, vector<256x32xf32>
    %concatenate3A_414 = tpu.concatenate %mul3A_373, %select_n3A_413 in 1 : vector<256x32xf32>, vector<256x32xf32> -> vector<256x64xf32>
    %get3A_415 = arith.constant 0 : index
    %get3A_416 = arith.constant 0 : index
    %get3A_417 = vector.load %arg15[%get3A_415, %get3A_416] : memref<64x1xf32, #tpu.memory_space<vmem>>, vector<64x1xf32>
    %dot_general3A_418 = arith.constant dense<0.000000e+00> : vector<256x1xf32>
    %dot_general3A_419 = tpu.matmul %concatenate3A_414, %get3A_417, %dot_general3A_418 {dimension_numbers = #tpu.dot_dimension_numbers<[1], [0], [0], [1], [0, 0, 1, 1], [], []>, transpose_lhs_hint = false} : vector<256x64xf32>, vector<64x1xf32>, vector<256x1xf32> -> vector<256x1xf32>
    %get3A_420 = arith.constant 0 : index
    %get3A_421 = arith.constant 0 : index
    %get3A_422 = vector.load %arg16[%get3A_420, %get3A_421] : memref<1x1xf32, #tpu.memory_space<vmem>>, vector<1x1xf32>
    %add3A_423 = vector.broadcast %get3A_422 : vector<1x1xf32> to vector<256x1xf32>
    %add3A_424 = arith.addf %dot_general3A_419, %add3A_423 : vector<256x1xf32>
    %swap3A = arith.constant 0 : index
    %swap3A_425 = arith.constant 0 : index
    %swap3A_426 = vector.load %arg17[%swap3A, %swap3A_425] : memref<256x1xf32, #tpu.memory_space<vmem>>, vector<256x1xf32>
    tpu.vector_store %arg17[%swap3A, %swap3A_425], %add3A_424 {strides = array<i32>} : memref<256x1xf32, #tpu.memory_space<vmem>>, vector<256x1xf32>,
    return
  }
}

</mosaic_0001>

<sc_bundles>
// kernel: kernel.17.cloned.1.call-start
scs
__scs_entry_jumppad:
0x0: {  	(pc) =	sbr.rel $0x88, $3  }
0x1: {  	(tag) =	ssettag $0x0;
	lr =	simm.s32 $0x1  }
0x2: {  	[smem:$0x3F8B] =	sst lr;
	_ =	strace $0xD0000000  }
0x3: {  	_ = 	snop  }
0x4: {  	_ = 	snop  }
0x5: {  	_ = 	snop  }
0x6: {  	_ = 	snop  }
0x7: {  	_ = 	snop  }
__scs_overlays_trampoline_lowered:
0x8: {  	[smem:$0x3F9A] =	sst s0  }
0x9: {  	[smem:$0x3F9B] =	sst s1  }
0xa: {  	[smem:$0x3F9C] =	sst s2  }
0xb: {  	[smem:$0x3F9D] =	sst s3  }
0xc: {  	[smem:$0x3F9E] =	sst s4  }
0xd: {  	[smem:$0x3F9F] =	sst s5  }
0xe: {  	[smem:$0x3FA0] =	sst s6  }
0xf: {  	[smem:$0x3FA1] =	sst s7  }
0x10: {  	[smem:$0x3FA2] =	sst s8  }
0x11: {  	[smem:$0x3FA3] =	sst s9;
	s0 =	simm.s32 @!p0 $0x0  }
0x12: {  	s1 =	sld [smem:$0x3F89];
	s0 =	simm.s32 @p0 $0x1  }
0x13: {  	[smem:$0x3FA4] =	sst s0;
	s0 =	simm.s32 @!p1 $0x0  }
0x14: {  	s2 =	sld [smem:$0x3F88];
	s0 =	simm.s32 @p1 $0x1  }
0x15: {  	[smem:$0x3FA5] =	sst s0;
	s0 =	simm.s32 @!p2 $0x0  }
0x16: {  	s3 =	sld [smem:$0x3FDB];
	s0 =	simm.s32 @p2 $0x1  }
0x17: {  	s4 =	simm.s32 $0x1BF5;
	[smem:$0x3FA7] =	sst s0  }
0x18: {  	s0 =	sld [smem:$0x3F8A];
	_ =	swait.ge [sflag:s4], $0x0  }
0x19: {  	s7 =	sld [smem:$0x3F8B]  }
0x1a: {  	s8 =	sadd.s32 $0xFFFFE003, lr  }
0x1b: {  	s9 =	sadd.s32 $0xFFFFFEF7, lr;
	s5 =	simm.s32 $0xFFFFFFFF;
	p2 =	slt.u32 s8, $0xFFFFF086  }
0x1c: {  	p1 =	slt.u32 s9, $0xF7A;
	s5 =	simm.s32 @!p2 $0x0  }
0x1d: {  	s5 =	simm.s32 @p1 $0x1;
	p0 =	seq.s32 s7, s2  }
0x1e: {  	s7 =	smul.u32 @!p0 $0xF7A, s2;
	p2 =	seq.s32 @!p0 s5, $0x0  }
0x1f: {  	s9 =	smul.u32 $0xF7A, s1;
	s8 =	simm.s32 @!p0 $0x1BF5;
	p2 =	por !p2, p0  }
0x20: {  	[sflag:s8] =	ssyncset.s32 @!p0 $0xFFFFF086;
	s6 =	sadd.s32 @!p0 s3, s7;
	s7 =	simm.s32 @!p0 $0x108  }
0x21: {  	s3 =	sadd.s32 s3, s9;
	s6 =	sadd.s32 @!p0 $0x88, s6;
	s7 =	simm.s32 @p2 $0x1082  }
0x22: {  	[simem:s7], [sflag:s8] =	dma.local @!p0 [hbm:s6], $0xF7A  }
0x23: {  	s9 =	sor.u32 $0xD0000000, s2;
	s6 =	simm.s32 $0x108;
	_ =	swait.ge @!p0 [sflag:s8], $0x0  }
0x24: {  	s3 =	sadd.s32 $0x88, s3;
	s6 =	simm.s32 @!p1 $0x1082;
	[sflag:s4] =	ssyncset.s32 $0xFFFFF086  }
0x25: {  	[simem:s6], [sflag:s4] =	dma.local [hbm:s3], $0xF7A  }
0x26: {  	[smem:$0x3F8B] =	sst s1;
	(tag) =	ssettag s2;
	_ =	strace s9  }
0x27: {  	s1 =	sld [smem:$0x3F9B]  }
0x28: {  	s2 =	sld [smem:$0x3F9C]  }
0x29: {  	s4 =	sld [smem:$0x3F9E]  }
0x2a: {  	p0 =	seq.s32 s5, $0x0;
	s5 =	sld [smem:$0x3F9F]  }
0x2b: {  	s6 =	sld [smem:$0x3FA0]  }
0x2c: {  	s7 =	sld [smem:$0x3FA1]  }
0x2d: {  	s3 =	simm.s32 $0x108;
	s8 =	sld [smem:$0x3FA2]  }
0x2e: {  	s3 =	simm.s32 @!p0 $0x1082;
	s9 =	sld [smem:$0x3FA3]  }
0x2f: {  	lr =	sadd.s32 s0, s3;
	s0 =	sld [smem:$0x3F9A]  }
0x30: {  	s3 =	sld [smem:$0x3F9D]  }
0x31: {  	[smem:$0x3FA6] =	sst s10  }
0x32: {  	s10 =	sld [smem:$0x3FA4];
	_ =	sdelay $0x3  }
0x33: {  	p0 =	seq.s32 s10, $0x1;
	s10 =	sld [smem:$0x3FA6];
	_ =	sdelay $0x3  }
0x34: {  	[smem:$0x3FA6] =	sst s10  }
0x35: {  	s10 =	sld [smem:$0x3FA5];
	_ =	sdelay $0x3  }
0x36: {  	p1 =	seq.s32 s10, $0x1;
	s10 =	sld [smem:$0x3FA6];
	_ =	sdelay $0x3  }
0x37: {  	[smem:$0x3FA6] =	sst s10  }
0x38: {  	s10 =	sld [smem:$0x3FA7]  }
0x39: {  	_ = 	snop;
	(pc) =	sbr.ind lr, $3  }
0x3a: {  	_ = 	snop  }
0x3b: {  	_ = 	snop  }
0x3c: {  	p2 =	seq.s32 s10, $0x1;
	s10 =	sld [smem:$0x3FA6]  }
0x3d: {  	_ =	shalt  }
0x3e: {  	_ =	shalt  }
0x3f: {  	_ =	shalt  }
0x40: {  	_ =	shalt  }
0x41: {  	_ =	shalt  }
0x42: {  	_ =	shalt  }
0x43: {  	_ =	shalt  }
0x44: {  	_ =	shalt  }
0x45: {  	_ =	shalt  }
0x46: {  	_ =	shalt  }
0x47: {  	_ =	shalt  }
0x48: {  	_ =	shalt  }
0x49: {  	_ =	shalt  }
0x4a: {  	_ =	shalt  }
0x4b: {  	_ =	shalt  }
0x4c: {  	_ =	shalt  }
0x4d: {  	_ =	shalt  }
0x4e: {  	_ =	shalt  }
0x4f: {  	_ =	shalt  }
0x50: {  	_ =	shalt  }
0x51: {  	_ =	shalt  }
0x52: {  	_ =	shalt  }
0x53: {  	_ =	shalt  }
0x54: {  	_ =	shalt  }
0x55: {  	_ =	shalt  }
0x56: {  	_ =	shalt  }
0x57: {  	_ =	shalt  }
0x58: {  	_ =	shalt  }
0x59: {  	_ =	shalt  }
0x5a: {  	_ =	shalt  }
0x5b: {  	_ =	shalt  }
0x5c: {  	_ =	shalt  }
0x5d: {  	_ =	shalt  }
0x5e: {  	_ =	shalt  }
0x5f: {  	_ =	shalt  }
0x60: {  	_ =	shalt  }
0x61: {  	_ =	shalt  }
0x62: {  	_ =	shalt  }
0x63: {  	_ =	shalt  }
0x64: {  	_ =	shalt  }
0x65: {  	_ =	shalt  }
0x66: {  	_ =	shalt  }
0x67: {  	_ =	shalt  }
0x68: {  	_ =	shalt  }
0x69: {  	_ =	shalt  }
0x6a: {  	_ =	shalt  }
0x6b: {  	_ =	shalt  }
0x6c: {  	_ =	shalt  }
0x6d: {  	_ =	shalt  }
0x6e: {  	_ =	shalt  }
0x6f: {  	_ =	shalt  }
0x70: {  	_ =	shalt  }
0x71: {  	_ =	shalt  }
0x72: {  	_ =	shalt  }
0x73: {  	_ =	shalt  }
0x74: {  	_ =	shalt  }
0x75: {  	_ =	shalt  }
0x76: {  	_ =	shalt  }
0x77: {  	_ =	shalt  }
0x78: {  	_ =	shalt  }
0x79: {  	_ =	shalt  }
0x7a: {  	_ =	shalt  }
0x7b: {  	_ =	shalt  }
0x7c: {  	_ =	shalt  }
0x7d: {  	_ =	shalt  }
0x7e: {  	_ =	shalt  }
0x7f: {  	_ =	shalt  }
0x80: {  	_ =	shalt  }
0x81: {  	_ =	shalt  }
0x82: {  	_ =	shalt  }
0x83: {  	_ =	shalt  }
0x84: {  	_ =	shalt  }
0x85: {  	_ =	shalt  }
0x86: {  	_ =	shalt  }
0x87: {  	_ =	shalt  }
.Lfunc_end0:
.L_simem_size_0:
called_computation_lowered:
.L_overlay_start_0:
0x88: {  	s2 =	sld [smem:$0x3FD9]  }
0x89: {  	s3 =	sld [smem:$0x3FFE];
	_ =	sdelay $0x1  }
0x8a: {  	s1 =	srdreg.scid  }
0x8b: {  	s0 =	sand.u32 $0x1, s1  }
0x8c: {  	s17 =	sshll.u32 s0, $0xA;
	s2 =	sadd.s32 s3, s2  }
0x8d: {  	s2 =	sadd.s32 s2, s17  }
0x8e: {  	[smem:$0x3FB2] =	sst s2  }
0x8f: {  	_ = 	snop  }
0x90: {  	(tm) =	ssettm $0x1  }
0x91: {  	s18 =	sld [smem:$0x3FFB];
	_ =	sdelay $0x3  }
0x92: {  	_ =	strace s18  }
0x93: {  	s2 =	sld [smem:$0x3FFC];
	_ =	sdelay $0x3  }
0x94: {  	_ =	strace s2  }
0x95: {  	s2 =	sld [smem:$0x3FFD];
	_ =	sdelay $0x3  }
0x96: {  	_ =	strace s2  }
0x97: {  	_ =	strace $0x8FFFFFFF  }
0x98: {  	s19 =	sld [smem:$0x3FDB];
	_ =	sdelay $0x1  }
0x99: {  	s20 =	simm.s32 $_scs_section_size  }
0x9a: {  	s4 =	simm.s32 $_size__tile_overlayer_lowered;
	s5 =	simm.s32 $_tile_overlayer_lowered  }
0x9b: {  	s6 =	simm.s32 $0x1BFF;
	s21 =	sshll.u32 s5, $0x1;
	s3 =	sadd.s32 s20, s19  }
0x9c: {  	s22 =	simm.s32 $0x0;
	s4 =	sshll.u32 s4, $0x1;
	s5 =	sadd.s32 s21, s3  }
0x9d: {  	[timem:s22], [sflag:s6] =	dma.local [hbm:s5], s4  }
0x9e: {  	_ =	swait.ge [sflag:s6], s4  }
0x9f: {  	s4 =	ssub.s32 $0x0, s4;
	[sflag:s6] =	ssyncset.done $0x0  }
0xa0: {  	[sflag:s6] =	ssyncadd.s32 s4;
	_ =	sdelay $0x1  }
0xa1: {  	s23 =	simm.s32 $0x1B8B  }
0xa2: {  	_ =	swait.ge [sflag:s23], $0x1  }
0xa3: {  	[sflag:s23] =	ssyncset.done $0x0  }
0xa4: {  	[sflag:s23] =	ssyncadd.s32 $0xFFFFFFFF  }
0xa5: {  	s4 =	sld [smem:$0x0]  }
0xa6: {  	s5 =	sand.u32 $0xFFFFFFFE, s1  }
0xa7: {  	p0 =	sne.s32 s1, s5  }
0xa8: {  	s5 =	sshll.u32 @p0 s5, $0xE  }
0xa9: {  	s5 =	sadd.s32 @p0 $0x11B8D, s5;
	s6 =	sshll.u32 @p0 s4, $0x11  }
0xaa: {  	s5 =	sor.u32 @p0 s6, s5  }
0xab: {  	[sflag:s5] =	ssyncadd.remote.s32 @p0 $0x1;
	_ =	sdelay $0x1  }
0xac: {  	s5 =	simm.s32 @p0 $0x1B8D  }
0xad: {  	_ =	swait.eq @p0 [sflag:s5], $0x1  }
0xae: {  	[sflag:s5] =	ssyncadd.s32 @p0 $0xFFFFFFFF  }
0xaf: {  	s6 =	sshll.u32 @!p0 s1, $0xE  }
0xb0: {  	s6 =	sor.u32 @!p0 $0x4000, s6;
	s5 =	simm.s32 @!p0 $0x1B8D  }
0xb1: {  	s4 =	sshll.u32 @!p0 s4, $0x11;
	s6 =	sadd.s32 @!p0 $0x11B8D, s6;
	_ =	swait.eq @!p0 [sflag:s5], $0x1  }
0xb2: {  	s4 =	sor.u32 @!p0 s4, s6;
	[sflag:s5] =	ssyncadd.s32 @!p0 $0xFFFFFFFF  }
0xb3: {  	s25 =	simm.s32 $0x1B8E;
	s24 =	sld [smem:$0x3FFE];
	[sflag:s4] =	ssyncadd.remote.s32 @!p0 $0x1  }
0xb4: {  	s26 =	simm.s32 $execute0_lowered;
	[smem:$0x3FD2] =	sst s25  }
0xb5: {  	s5 =	sshll.u32 s26, $0x1;
	_ =	strace $0x80000049;
	[dreg:$0x1] =	wrdreg $0xFFFFFFFF  }
0xb6: {  	s28 =	simm.s32 $_size_execute0_lowered;
	s3 =	sadd.s32 s3, s5;
	[dreg:$0x0] =	wrdreg $0x0  }
0xb7: {  	s5 =	sshll.u32 s28, $0x1;
	[dreg:$0x2] =	wrdreg s3  }
0xb8: {  	[dreg:$0x3] =	wrdreg s5  }
0xb9: {  	[dreg:$0x4] =	wrdreg $0xC0  }
0xba: {  	_ =	task [dreg:s22], $0x5FFFF  }
0xbb: {  	[dreg:$0x1] =	wrdreg $0xFFFFFFFF  }
0xbc: {  	[dreg:$0x0] =	wrdreg $0x60  }
0xbd: {  	[dreg:$0x2] =	wrdreg s24  }
0xbe: {  	[dreg:$0x3] =	wrdreg $0x10800  }
0xbf: {  	[dreg:$0x4] =	wrdreg $0x9  }
0xc0: {  	_ =	task.clear_ibuf [dreg:s22], $0x5FFFF;
	_ =	strace $0x90000049  }
0xc1: {  	s29 =	simm.s32 $0x9;
	_ =	strace $0x8000004B  }
0xc2: {  	_ =	swait.ge [sflag:s29], $0x1  }
0xc3: {  	[sflag:s29] =	ssyncadd.s32 $0xFFFFFFFF  }
0xc4: {  	_ =	strace $0x9000004B  }
0xc5: {  	_ =	sfence  }
0xc6: {  	s30 =	sld [smem:$0x0];
	_ =	sdelay $0x2  }
0xc7: {  	s31 =	sshll.u32 s1, $0xD;
	s1 =	sshrl.u32 s1, $0x2  }
0xc8: {  	s4 =	sand.u32 $0x4000, s31;
	s1 =	sadd.s32 s1, s30  }
0xc9: {  	s0 =	sor.u32 s4, s0;
	s1 =	sshll.u32 s1, $0x11  }
0xca: {  	s0 =	sor.u32 s1, s0  }
0xcb: {  	s0 =	sadd.s32 $0x8F2B, s0  }
0xcc: {  	[sflag:s0] =	ssyncadd.remote.s32 $0x1  }
0xcd: {  	_ =	sfence.sel $0xFFFF  }
0xce: {  	[dreg:$0x0] =	wrdreg $0xFFFFFFFF;
	(pc) =	sbr.abs _section_cstart, $3  }
0xcf: {  	[dreg:$0x1] =	wrdreg $0xFFFFFFFF  }
0xd0: {  	_ =	task.clear_ibuf [dreg:s22], $0x2FFFF;
	_ =	strace $0x9FFFFFFF  }
0xd1: {  	(tm) =	ssettm $0x7FFFFFFF  }
tec
execute0_lowered:
.L_overlay_start_1:
0x0: {  	(tag) =	ssettag $0x1  }
0x1: {  	s5 =	rddreg [dreg:$0x0]  }
0x2: {  	s2 =	rddreg [dreg:$0x1]  }
0x3: {  	s0 =	rddreg [dreg:$0x2]  }
0x4: {  	s1 =	stileid.u32;
	s4 =	srdreg.scid;
	s3 =	simm.s32 $0x0  }
0x5: {  	s14 =	simm.s32 $0x0;
	s6 =	smul.u32 $0x4E20, s1;
	s7 =	sand.u32 $0x1, s4  }
0x6: {  	[smem:$0x7FF] =	sst s3;
	s8 =	sshll.u32 s1, $0x5;
	s30 =	sshll.u32 s1, $0x6  }
0x7: {  	s4 =	smul.u32 $0x4E200, s7;
	_ =	strace $0x8000004A;
	s9 =	sadd.s32 s8, s5  }
0x8: {  	s11 =	ssub.s32 $0x2, s7;
	s13 =	sshll.u32 s7, $0x4;
	s7 =	sor.u32 $0x1C01, s30  }
0x9: {  	s28 =	sshrl.u32 s6, $0x3;
	s29 =	sshrl.u32 s11, $0x1;
	s12 =	sadd.s32 s6, s2  }
0xa: {  	s31 =	sadd.s32 s13, s9;
	s13 =	simm.s32 $0x80;
	s4 =	sadd.s32 s6, s4  }
0xb: {  	s8 =	sadd.s32 s28, s5;
	s11 =	ssub.s32 s11, s29;
	s10 =	sshrl.u32 s4, $0x3  }
0xc: {  	s4 =	sadd.s32 $0xECC00, s5;
	s6 =	sadd.s32 $0xE2E00, s8;
	s9 =	smax.u32 s11, $0x1  }
0xd: {  	s11 =	sshrl.u32 s12, $0x3;
	s12 =	simm.s32 $0x1;
	s10 =	sadd.s32 s10, s5  }
0xe: {  	s5 =	sshll.u32 s1, $0x1;
	s8 =	sadd.s32 $0xECE00, s10;
	s10 =	sadd.s32 $0x10A00, s31  }
.LBB2_1:
0xf: {  	[spmem:s11], [sflag:s7] =	dma.local [hbm:s6], $0x9C4  }
0x10: {  	_ =	swait.ge [sflag:s12], $0x9C4  }
0x11: {  	[sflag:s12] =	ssyncset.done $0x0  }
0x12: {  	[sflag:s12] =	ssyncadd.s32 $0xFFFFF63C  }
0x13: {  	[tilespmem:s13], [sflag:$0x1] =	stream.linear.gather [hbm4b:s4+s3], $0x1000, $0x38;
	[tilespmem:$0x5EA0] =	vst v63  }
0x14: {  	_ =	swait.ge [sflag:s12], $0x1000  }
0x15: {  	s15 =	sadd.s32 $0x0, s5;
	[sflag:s12] =	ssyncset.done $0x0  }
0x16: {  	p0 =	sgt.u32 s15, $0x4E1;
	[sflag:s12] =	ssyncadd.s32 $0xFFFFF000  }
0x17: {  	s16 =	simm.s32 @!p0 $0x0;
	s17 =	simm.s32 @!p0 $0x2;
	[bflag:$0x0] =	sbarrier.arrive $0xFFFF  }
0x18: {  	[tilespmem:s16], [sflag:$0x2] =	stream.linear.gather @!p0 [hbm4b:s10+s16], $0x80, $0x38;
	[tilespmem:$0x5EA0] =	vst v63  }
0x19: {  	_ =	swait.ge @!p0 [sflag:s17], $0x80  }
0x1a: {  	s31 =	sadd.s32 $0x20, s5;
	[sflag:s17] =	ssyncset.done @!p0 $0x0  }
0x1b: {  	s18 =	simm.s32 @!p0 $0x80;
	[sflag:s17] =	ssyncadd.s32 @!p0 $0xFFFFFF80;
	s17 =	simm.s32 @!p0 $0x1  }
0x1c: {  	[spmem:s2] =	stream.indirect.scatter.add.f32 @!p0 [tilespmem:s18], [sflag:$0x1], $0x20, s16, s18, $0xb8;
	[tilespmem:$0x5EA0] =	vst v63  }
0x1d: {  	s15 =	simm.s32 $0x40;
	p1 =	por p0, p0;
	_ =	swait.ge @!p0 [sflag:s17], $0x1000  }
0x1e: {  	s16 =	sadd.s32 $0x200, s10;
	p0 =	sgt.u32 s31, $0x4E1;
	[sflag:s17] =	ssyncset.done @!p1 $0x0  }
.LBB2_2:
0x1f: {  	s18 =	simm.s32 @!p0 $0x0;
	s19 =	simm.s32 @!p0 $0x2  }
0x20: {  	[sflag:s17] =	ssyncadd.s32 @!p1 $0xFFFFF000;
	s20 =	smov.u32 s15;
	s15 =	sadd.s32 $0x20, s15  }
0x21: {  	[tilespmem:s18], [sflag:$0x2] =	stream.linear.gather @!p0 [hbm4b:s16+s18], $0x80, $0x38;
	[tilespmem:$0x5EA0] =	vst v63  }
0x22: {  	p2 =	sne.s32 s15, $0x500;
	_ =	swait.ge @!p0 [sflag:s19], $0x80  }
.Ltmp0:
0x23: {  	[sflag:s19] =	ssyncset.done @!p0 $0x0;
	(pc) =	sbr.rel @p2 .LBB2_2-.Ltmp0, $4  }
0x24: {  	s17 =	simm.s32 @!p0 $0x1;
	[sflag:s19] =	ssyncadd.s32 @!p0 $0xFFFFFF80;
	s19 =	simm.s32 @!p0 $0x80  }
0x25: {  	[spmem:s2] =	stream.indirect.scatter.add.f32 @!p0 [tilespmem:s19], [sflag:$0x1], $0x20, s18, s19, $0xb8;
	[tilespmem:$0x5EA0] =	vst v63  }
0x26: {  	p1 =	por p0, p0;
	s18 =	sadd.s32 s20, s5;
	_ =	swait.ge @!p0 [sflag:s17], $0x1000  }
0x27: {  	s16 =	sadd.s32 $0x200, s16;
	p0 =	sgt.u32 s18, $0x4E1;
	[sflag:s17] =	ssyncset.done @!p1 $0x0  }
0x28: {  	s15 =	simm.s32 @!p0 $0x0;
	s18 =	simm.s32 @!p0 $0x2;
	[sflag:s17] =	ssyncadd.s32 @!p1 $0xFFFFF000  }
0x29: {  	[tilespmem:s15], [sflag:$0x2] =	stream.linear.gather @!p0 [hbm4b:s16+s15], $0x80, $0x38;
	[tilespmem:$0x5EA0] =	vst v63  }
0x2a: {  	_ =	swait.ge @!p0 [sflag:s18], $0x80  }
0x2b: {  	[sflag:s18] =	ssyncset.done @!p0 $0x0  }
0x2c: {  	s17 =	simm.s32 @!p0 $0x1;
	s16 =	simm.s32 @!p0 $0x80;
	[sflag:s18] =	ssyncadd.s32 @!p0 $0xFFFFFF80  }
0x2d: {  	[spmem:s2] =	stream.indirect.scatter.add.f32 @!p0 [tilespmem:s16], [sflag:$0x1], $0x20, s15, s16, $0xb8;
	[tilespmem:$0x5EA0] =	vst v63  }
0x2e: {  	_ =	swait.ge @!p0 [sflag:s17], $0x1000;
	p0 =	por p0, p0  }
0x2f: {  	s14 =	sadd.s32 $0x1, s14;
	[sflag:s17] =	ssyncset.done @!p0 $0x0  }
0x30: {  	[sflag:s17] =	ssyncadd.s32 @!p0 $0xFFFFF000;
	p0 =	sne.s32 s14, s9  }
.Ltmp1:
0x31: {  	[bflag:$0x0] =	sbarrier.arrive $0xFFFF;
	(pc) =	sbr.rel @p0 .LBB2_1-.Ltmp1, $4  }
0x32: {  	[hbm:s8], [sflag:s7] =	dma.local [spmem:s11], $0x9C4  }
0x33: {  	_ =	swait.ge [sflag:s12], $0x9C4  }
0x34: {  	[sflag:s12] =	ssyncset.done $0x0  }
0x35: {  	[sflag:s12] =	ssyncadd.s32 $0xFFFFF63C  }
0x36: {  	_ =	sfence.sel $0x180000  }
0x37: {  	[bflag:$0x0] =	sbarrier.arrive $0xFFFF  }
0x38: {  	p0 =	sne.s32 s1, $0x0;
	_ =	strace $0x9000004A  }
0x39: {  	s0 =	sadd.s32 @!p0 $0x100000, s0;
	[bflag:$0x2] =	sbarrier.arrive $0xFFFF  }
0x3a: {  	[sflag:s0] =	ssyncadd.tile.s32 @!p0 $0x1;
	_ =	shalt  }
.Lfunc_end2:
_tile_overlayer_lowered:
.L_overlay_start_2:
0x3b: {  	(tag) =	ssettag $0x2  }
0x3c: {  	s0 =	rddreg [dreg:$0x0];
	s2 =	stileid.u32  }
0x3d: {  	s1 =	rddreg [dreg:$0x1];
	p0 =	sne.s32 s2, $0x0  }
0x3e: {  	s3 =	rddreg [dreg:$0x2];
	[bflag:$0x3] =	sbarrier.arrive $0xFFFF;
	s2 =	simm.s32 @!p0 $0x1C01  }
0x3f: {  	[timem:s3], [sflag:s2] =	dma.local @!p0 [hbm:s0], s1  }
0x40: {  	s0 =	simm.s32 @!p0 $0x1  }
0x41: {  	_ =	swait.ge @!p0 [sflag:s0], s1  }
0x42: {  	s1 =	ssub.s32 @!p0 $0x0, s1;
	[sflag:s0] =	ssyncset.done @!p0 $0x0  }
0x43: {  	[sflag:s0] =	ssyncadd.s32 @!p0 s1  }
0x44: {  	[bflag:$0x3] =	sbarrier.arrive $0xFFFF  }
0x45: {  	_ =	shalt  }

// kernel: kernel.20.cloned.1.call-start
scs
__scs_entry_jumppad:
0x0: {  	(pc) =	sbr.rel $0x88, $3  }
0x1: {  	(tag) =	ssettag $0x0;
	lr =	simm.s32 $0x1  }
0x2: {  	[smem:$0x3F8B] =	sst lr;
	_ =	strace $0xD0000000  }
0x3: {  	_ = 	snop  }
0x4: {  	_ = 	snop  }
0x5: {  	_ = 	snop  }
0x6: {  	_ = 	snop  }
0x7: {  	_ = 	snop  }
__scs_overlays_trampoline_lowered:
0x8: {  	[smem:$0x3F9A] =	sst s0  }
0x9: {  	[smem:$0x3F9B] =	sst s1  }
0xa: {  	[smem:$0x3F9C] =	sst s2  }
0xb: {  	[smem:$0x3F9D] =	sst s3  }
0xc: {  	[smem:$0x3F9E] =	sst s4  }
0xd: {  	[smem:$0x3F9F] =	sst s5  }
0xe: {  	[smem:$0x3FA0] =	sst s6  }
0xf: {  	[smem:$0x3FA1] =	sst s7  }
0x10: {  	[smem:$0x3FA2] =	sst s8  }
0x11: {  	[smem:$0x3FA3] =	sst s9;
	s0 =	simm.s32 @!p0 $0x0  }
0x12: {  	s1 =	sld [smem:$0x3F89];
	s0 =	simm.s32 @p0 $0x1  }
0x13: {  	[smem:$0x3FA4] =	sst s0;
	s0 =	simm.s32 @!p1 $0x0  }
0x14: {  	s2 =	sld [smem:$0x3F88];
	s0 =	simm.s32 @p1 $0x1  }
0x15: {  	[smem:$0x3FA5] =	sst s0;
	s0 =	simm.s32 @!p2 $0x0  }
0x16: {  	s3 =	sld [smem:$0x3FDB];
	s0 =	simm.s32 @p2 $0x1  }
0x17: {  	s4 =	simm.s32 $0x1BF5;
	[smem:$0x3FA7] =	sst s0  }
0x18: {  	s0 =	sld [smem:$0x3F8A];
	_ =	swait.ge [sflag:s4], $0x0  }
0x19: {  	s7 =	sld [smem:$0x3F8B]  }
0x1a: {  	s8 =	sadd.s32 $0xFFFFE003, lr  }
0x1b: {  	s9 =	sadd.s32 $0xFFFFFEF7, lr;
	s5 =	simm.s32 $0xFFFFFFFF;
	p2 =	slt.u32 s8, $0xFFFFF086  }
0x1c: {  	p1 =	slt.u32 s9, $0xF7A;
	s5 =	simm.s32 @!p2 $0x0  }
0x1d: {  	s5 =	simm.s32 @p1 $0x1;
	p0 =	seq.s32 s7, s2  }
0x1e: {  	s7 =	smul.u32 @!p0 $0xF7A, s2;
	p2 =	seq.s32 @!p0 s5, $0x0  }
0x1f: {  	s9 =	smul.u32 $0xF7A, s1;
	s8 =	simm.s32 @!p0 $0x1BF5;
	p2 =	por !p2, p0  }
0x20: {  	[sflag:s8] =	ssyncset.s32 @!p0 $0xFFFFF086;
	s6 =	sadd.s32 @!p0 s3, s7;
	s7 =	simm.s32 @!p0 $0x108  }
0x21: {  	s3 =	sadd.s32 s3, s9;
	s6 =	sadd.s32 @!p0 $0x88, s6;
	s7 =	simm.s32 @p2 $0x1082  }
0x22: {  	[simem:s7], [sflag:s8] =	dma.local @!p0 [hbm:s6], $0xF7A  }
0x23: {  	s9 =	sor.u32 $0xD0000000, s2;
	s6 =	simm.s32 $0x108;
	_ =	swait.ge @!p0 [sflag:s8], $0x0  }
0x24: {  	s3 =	sadd.s32 $0x88, s3;
	s6 =	simm.s32 @!p1 $0x1082;
	[sflag:s4] =	ssyncset.s32 $0xFFFFF086  }
0x25: {  	[simem:s6], [sflag:s4] =	dma.local [hbm:s3], $0xF7A  }
0x26: {  	[smem:$0x3F8B] =	sst s1;
	(tag) =	ssettag s2;
	_ =	strace s9  }
0x27: {  	s1 =	sld [smem:$0x3F9B]  }
0x28: {  	s2 =	sld [smem:$0x3F9C]  }
0x29: {  	s4 =	sld [smem:$0x3F9E]  }
0x2a: {  	p0 =	seq.s32 s5, $0x0;
	s5 =	sld [smem:$0x3F9F]  }
0x2b: {  	s6 =	sld [smem:$0x3FA0]  }
0x2c: {  	s7 =	sld [smem:$0x3FA1]  }
0x2d: {  	s3 =	simm.s32 $0x108;
	s8 =	sld [smem:$0x3FA2]  }
0x2e: {  	s3 =	simm.s32 @!p0 $0x1082;
	s9 =	sld [smem:$0x3FA3]  }
0x2f: {  	lr =	sadd.s32 s0, s3;
	s0 =	sld [smem:$0x3F9A]  }
0x30: {  	s3 =	sld [smem:$0x3F9D]  }
0x31: {  	[smem:$0x3FA6] =	sst s10  }
0x32: {  	s10 =	sld [smem:$0x3FA4];
	_ =	sdelay $0x3  }
0x33: {  	p0 =	seq.s32 s10, $0x1;
	s10 =	sld [smem:$0x3FA6];
	_ =	sdelay $0x3  }
0x34: {  	[smem:$0x3FA6] =	sst s10  }
0x35: {  	s10 =	sld [smem:$0x3FA5];
	_ =	sdelay $0x3  }
0x36: {  	p1 =	seq.s32 s10, $0x1;
	s10 =	sld [smem:$0x3FA6];
	_ =	sdelay $0x3  }
0x37: {  	[smem:$0x3FA6] =	sst s10  }
0x38: {  	s10 =	sld [smem:$0x3FA7]  }
0x39: {  	_ = 	snop;
	(pc) =	sbr.ind lr, $3  }
0x3a: {  	_ = 	snop  }
0x3b: {  	_ = 	snop  }
0x3c: {  	p2 =	seq.s32 s10, $0x1;
	s10 =	sld [smem:$0x3FA6]  }
0x3d: {  	_ =	shalt  }
0x3e: {  	_ =	shalt  }
0x3f: {  	_ =	shalt  }
0x40: {  	_ =	shalt  }
0x41: {  	_ =	shalt  }
0x42: {  	_ =	shalt  }
0x43: {  	_ =	shalt  }
0x44: {  	_ =	shalt  }
0x45: {  	_ =	shalt  }
0x46: {  	_ =	shalt  }
0x47: {  	_ =	shalt  }
0x48: {  	_ =	shalt  }
0x49: {  	_ =	shalt  }
0x4a: {  	_ =	shalt  }
0x4b: {  	_ =	shalt  }
0x4c: {  	_ =	shalt  }
0x4d: {  	_ =	shalt  }
0x4e: {  	_ =	shalt  }
0x4f: {  	_ =	shalt  }
0x50: {  	_ =	shalt  }
0x51: {  	_ =	shalt  }
0x52: {  	_ =	shalt  }
0x53: {  	_ =	shalt  }
0x54: {  	_ =	shalt  }
0x55: {  	_ =	shalt  }
0x56: {  	_ =	shalt  }
0x57: {  	_ =	shalt  }
0x58: {  	_ =	shalt  }
0x59: {  	_ =	shalt  }
0x5a: {  	_ =	shalt  }
0x5b: {  	_ =	shalt  }
0x5c: {  	_ =	shalt  }
0x5d: {  	_ =	shalt  }
0x5e: {  	_ =	shalt  }
0x5f: {  	_ =	shalt  }
0x60: {  	_ =	shalt  }
0x61: {  	_ =	shalt  }
0x62: {  	_ =	shalt  }
0x63: {  	_ =	shalt  }
0x64: {  	_ =	shalt  }
0x65: {  	_ =	shalt  }
0x66: {  	_ =	shalt  }
0x67: {  	_ =	shalt  }
0x68: {  	_ =	shalt  }
0x69: {  	_ =	shalt  }
0x6a: {  	_ =	shalt  }
0x6b: {  	_ =	shalt  }
0x6c: {  	_ =	shalt  }
0x6d: {  	_ =	shalt  }
0x6e: {  	_ =	shalt  }
0x6f: {  	_ =	shalt  }
0x70: {  	_ =	shalt  }
0x71: {  	_ =	shalt  }
0x72: {  	_ =	shalt  }
0x73: {  	_ =	shalt  }
0x74: {  	_ =	shalt  }
0x75: {  	_ =	shalt  }
0x76: {  	_ =	shalt  }
0x77: {  	_ =	shalt  }
0x78: {  	_ =	shalt  }
0x79: {  	_ =	shalt  }
0x7a: {  	_ =	shalt  }
0x7b: {  	_ =	shalt  }
0x7c: {  	_ =	shalt  }
0x7d: {  	_ =	shalt  }
0x7e: {  	_ =	shalt  }
0x7f: {  	_ =	shalt  }
0x80: {  	_ =	shalt  }
0x81: {  	_ =	shalt  }
0x82: {  	_ =	shalt  }
0x83: {  	_ =	shalt  }
0x84: {  	_ =	shalt  }
0x85: {  	_ =	shalt  }
0x86: {  	_ =	shalt  }
0x87: {  	_ =	shalt  }
.Lfunc_end0:
.L_simem_size_0:
called_computation.1_lowered:
.L_overlay_start_0:
0x88: {  	s2 =	sld [smem:$0x3FD9]  }
0x89: {  	s3 =	sld [smem:$0x3FFE];
	_ =	sdelay $0x1  }
0x8a: {  	s1 =	srdreg.scid  }
0x8b: {  	s0 =	sand.u32 $0x1, s1  }
0x8c: {  	s16 =	sshll.u32 s0, $0xA;
	s2 =	sadd.s32 s3, s2  }
0x8d: {  	s2 =	sadd.s32 s2, s16  }
0x8e: {  	[smem:$0x3FB2] =	sst s2  }
0x8f: {  	_ = 	snop  }
0x90: {  	(tm) =	ssettm $0x1  }
0x91: {  	s17 =	sld [smem:$0x3FFB];
	_ =	sdelay $0x3  }
0x92: {  	_ =	strace s17  }
0x93: {  	s2 =	sld [smem:$0x3FFC];
	_ =	sdelay $0x3  }
0x94: {  	_ =	strace s2  }
0x95: {  	s2 =	sld [smem:$0x3FFD];
	_ =	sdelay $0x3  }
0x96: {  	_ =	strace s2  }
0x97: {  	_ =	strace $0x8FFFFFFF  }
0x98: {  	s18 =	sld [smem:$0x3FDB];
	_ =	sdelay $0x1  }
0x99: {  	s19 =	simm.s32 $_scs_section_size  }
0x9a: {  	s4 =	simm.s32 $_size__tile_overlayer_lowered;
	s5 =	simm.s32 $_tile_overlayer_lowered  }
0x9b: {  	s22 =	simm.s32 $0x1BFF;
	s21 =	sshll.u32 s5, $0x1;
	s2 =	sadd.s32 s19, s18  }
0x9c: {  	s6 =	simm.s32 $0x0;
	s20 =	sshll.u32 s4, $0x1;
	s4 =	sadd.s32 s21, s2  }
0x9d: {  	[timem:s6], [sflag:s22] =	dma.local [hbm:s4], s20  }
0x9e: {  	_ =	swait.ge [sflag:s22], s20  }
0x9f: {  	s3 =	ssub.s32 $0x0, s20;
	[sflag:s22] =	ssyncset.done $0x0  }
0xa0: {  	[sflag:s22] =	ssyncadd.s32 s3;
	_ =	sdelay $0x1  }
0xa1: {  	s23 =	simm.s32 $0x1B8B  }
0xa2: {  	_ =	swait.ge [sflag:s23], $0x1  }
0xa3: {  	[sflag:s23] =	ssyncset.done $0x0  }
0xa4: {  	s25 =	simm.s32 $0x1B8E;
	s24 =	sld [smem:$0x3FFE];
	[sflag:s23] =	ssyncadd.s32 $0xFFFFFFFF  }
0xa5: {  	s26 =	simm.s32 $execute0_lowered;
	[smem:$0x3FD2] =	sst s25  }
0xa6: {  	s4 =	sshll.u32 s26, $0x1;
	_ =	strace $0x80000046;
	[dreg:$0x1] =	wrdreg $0xFFFFFFFF  }
0xa7: {  	s28 =	simm.s32 $_size_execute0_lowered;
	s2 =	sadd.s32 s2, s4;
	[dreg:$0x0] =	wrdreg $0x0  }
0xa8: {  	s4 =	sshll.u32 s28, $0x1;
	[dreg:$0x2] =	wrdreg s2  }
0xa9: {  	[dreg:$0x3] =	wrdreg s4  }
0xaa: {  	[dreg:$0x4] =	wrdreg $0xC0  }
0xab: {  	_ =	task [dreg:s6], $0x5FFFF  }
0xac: {  	[dreg:$0x1] =	wrdreg $0xFFFFFFFF  }
0xad: {  	[dreg:$0x0] =	wrdreg $0x60  }
0xae: {  	[dreg:$0x2] =	wrdreg s24  }
0xaf: {  	[dreg:$0x3] =	wrdreg $0xA  }
0xb0: {  	_ =	task.clear_ibuf [dreg:s6], $0x4FFFF;
	_ =	strace $0x90000046  }
0xb1: {  	s29 =	simm.s32 $0xA;
	_ =	strace $0x80000048  }
0xb2: {  	_ =	swait.ge [sflag:s29], $0x1  }
0xb3: {  	[sflag:s29] =	ssyncadd.s32 $0xFFFFFFFF  }
0xb4: {  	_ =	strace $0x90000048  }
0xb5: {  	_ =	sfence  }
0xb6: {  	s30 =	sld [smem:$0x0];
	_ =	sdelay $0x2  }
0xb7: {  	s31 =	sshll.u32 s1, $0xD;
	s1 =	sshrl.u32 s1, $0x2  }
0xb8: {  	s3 =	sand.u32 $0x4000, s31;
	s1 =	sadd.s32 s1, s30  }
0xb9: {  	s0 =	sor.u32 s3, s0;
	s1 =	sshll.u32 s1, $0x11  }
0xba: {  	s0 =	sor.u32 s1, s0  }
0xbb: {  	s0 =	sadd.s32 $0x8F2B, s0  }
0xbc: {  	[sflag:s0] =	ssyncadd.remote.s32 $0x1  }
0xbd: {  	_ =	sfence.sel $0xFFFF  }
0xbe: {  	[dreg:$0x0] =	wrdreg $0xFFFFFFFF;
	(pc) =	sbr.abs _section_cstart, $3  }
0xbf: {  	[dreg:$0x1] =	wrdreg $0xFFFFFFFF  }
0xc0: {  	_ =	task.clear_ibuf [dreg:s6], $0x2FFFF;
	_ =	strace $0x9FFFFFFF  }
0xc1: {  	(tm) =	ssettm $0x7FFFFFFF  }
tec
execute0_lowered:
.L_overlay_start_1:
0x0: {  	(tag) =	ssettag $0x1  }
0x1: {  	s4 =	rddreg [dreg:$0x0]  }
0x2: {  	s0 =	rddreg [dreg:$0x1];
	s1 =	simm.s32 $0x0;
	s5 =	srdreg.scid  }
0x3: {  	s2 =	stileid.u32;
	[smem:$0x7FF] =	sst s1  }
0x4: {  	s3 =	sadd.s32 $0x3CC00, s4;
	s5 =	sand.u32 $0x1, s5;
	s6 =	sshll.u32 s2, $0x5  }
0x5: {  	s7 =	sshll.u32 s2, $0xA;
	_ =	strace $0x80000047;
	s8 =	ssub.s32 $0x2, s5  }
0x6: {  	s6 =	sadd.s32 s6, s4;
	s7 =	sadd.s32 s7, s4;
	s9 =	sshll.u32 s5, $0x9  }
0x7: {  	s5 =	sshll.u32 s5, $0x4;
	s4 =	sshll.u32 s2, $0x1;
	s30 =	sshrl.u32 s8, $0x1  }
0x8: {  	s7 =	sadd.s32 s9, s7;
	s31 =	sadd.s32 s5, s6;
	s8 =	ssub.s32 s8, s30  }
0x9: {  	s6 =	sadd.s32 $0x46A00, s7;
	s7 =	sadd.s32 $0xBA00, s31;
	s5 =	smax.u32 s8, $0x1  }
.LBB2_1:
0xa: {  	s8 =	sadd.s32 $0x0, s4  }
0xb: {  	p0 =	sgt.u32 s8, $0x4E1  }
0xc: {  	s8 =	simm.s32 @!p0 $0x0;
	s9 =	simm.s32 @!p0 $0x3  }
0xd: {  	[tilespmem:s8], [sflag:$0x3] =	stream.linear.gather @!p0 [hbm4b:s7+s8], $0x80, $0x38;
	[tilespmem:$0x1080] =	vst v63  }
0xe: {  	_ =	swait.ge @!p0 [sflag:s9], $0x80  }
0xf: {  	[sflag:s9] =	ssyncset.done @!p0 $0x0;
	p0 =	por p0, p0  }
0x10: {  	[sflag:s9] =	ssyncadd.s32 @!p0 $0xFFFFFF80;
	s10 =	simm.s32 @!p0 $0x80;
	s11 =	simm.s32 @!p0 $0x1  }
0x11: {  	[tilespmem:s10], [sflag:$0x1] =	stream.indirect.gather @!p0 [hbm4b:s3+s10], $0x20, s8, s10, $0xb8;
	[tilespmem:$0x1080] =	vst v63  }
0x12: {  	_ =	swait.ge @!p0 [sflag:s11], $0x1000  }
0x13: {  	[sflag:s11] =	ssyncset.done @!p0 $0x0  }
0x14: {  	s31 =	sadd.s32 $0x20, s4;
	[sflag:s11] =	ssyncadd.s32 @!p0 $0xFFFFF000;
	s11 =	simm.s32 @!p0 $0x2  }
0x15: {  	[hbm4b:s6+s8] =	stream.linear.scatter @!p0 [tilespmem:s10], [sflag:$0x2], $0x1000, $0x38;
	[tilespmem:$0x1080] =	vst v63  }
0x16: {  	p1 =	sgt.u32 s31, $0x4E1;
	s9 =	simm.s32 $0x40;
	_ =	swait.ge @!p0 [sflag:s11], $0x1000  }
0x17: {  	s10 =	sadd.s32 $0x200, s7;
	s8 =	sadd.s32 $0x4000, s6;
	[sflag:s11] =	ssyncset.done @!p0 $0x0  }
.LBB2_2:
0x18: {  	s12 =	simm.s32 @!p1 $0x0;
	s13 =	simm.s32 @!p1 $0x3;
	[sflag:s11] =	ssyncadd.s32 @!p0 $0xFFFFF000  }
0x19: {  	[tilespmem:s12], [sflag:$0x3] =	stream.linear.gather @!p1 [hbm4b:s10+s12], $0x80, $0x38;
	[tilespmem:$0x1080] =	vst v63  }
0x1a: {  	s14 =	smov.u32 s9;
	s9 =	sadd.s32 $0x20, s9;
	_ =	swait.ge @!p1 [sflag:s13], $0x80  }
0x1b: {  	p0 =	por p1, p1;
	p2 =	sne.s32 s9, $0x500;
	[sflag:s13] =	ssyncset.done @!p1 $0x0  }
0x1c: {  	s11 =	simm.s32 @!p0 $0x1;
	[sflag:s13] =	ssyncadd.s32 @!p0 $0xFFFFFF80;
	s13 =	simm.s32 @!p0 $0x80  }
0x1d: {  	[tilespmem:s13], [sflag:$0x1] =	stream.indirect.gather @!p0 [hbm4b:s3+s13], $0x20, s12, s13, $0xb8;
	[tilespmem:$0x1080] =	vst v63  }
0x1e: {  	_ =	swait.ge @!p0 [sflag:s11], $0x1000  }
.Ltmp0:
0x1f: {  	[sflag:s11] =	ssyncset.done @!p0 $0x0;
	(pc) =	sbr.rel @p2 .LBB2_2-.Ltmp0, $4  }
0x20: {  	[sflag:s11] =	ssyncadd.s32 @!p0 $0xFFFFF000;
	s11 =	simm.s32 @!p0 $0x2  }
0x21: {  	[hbm4b:s8+s12] =	stream.linear.scatter @!p0 [tilespmem:s13], [sflag:$0x2], $0x1000, $0x38;
	[tilespmem:$0x1080] =	vst v63  }
0x22: {  	s10 =	sadd.s32 $0x200, s10;
	s12 =	sadd.s32 s14, s4;
	_ =	swait.ge @!p0 [sflag:s11], $0x1000  }
0x23: {  	s8 =	sadd.s32 $0x4000, s8;
	p1 =	sgt.u32 s12, $0x4E1;
	[sflag:s11] =	ssyncset.done @!p0 $0x0  }
0x24: {  	s9 =	simm.s32 @!p1 $0x0;
	s12 =	simm.s32 @!p1 $0x3;
	[sflag:s11] =	ssyncadd.s32 @!p0 $0xFFFFF000  }
0x25: {  	[tilespmem:s9], [sflag:$0x3] =	stream.linear.gather @!p1 [hbm4b:s10+s9], $0x80, $0x38;
	[tilespmem:$0x1080] =	vst v63  }
0x26: {  	_ =	swait.ge @!p1 [sflag:s12], $0x80  }
0x27: {  	p0 =	por p1, p1;
	[sflag:s12] =	ssyncset.done @!p1 $0x0  }
0x28: {  	s10 =	simm.s32 @!p0 $0x80;
	s11 =	simm.s32 @!p0 $0x1;
	[sflag:s12] =	ssyncadd.s32 @!p0 $0xFFFFFF80  }
0x29: {  	[tilespmem:s10], [sflag:$0x1] =	stream.indirect.gather @!p0 [hbm4b:s3+s10], $0x20, s9, s10, $0xb8;
	[tilespmem:$0x1080] =	vst v63  }
0x2a: {  	s1 =	sadd.s32 $0x1, s1;
	_ =	swait.ge @!p0 [sflag:s11], $0x1000  }
0x2b: {  	p1 =	sne.s32 s1, s5;
	[sflag:s11] =	ssyncset.done @!p0 $0x0  }
.Ltmp1:
0x2c: {  	[sflag:s11] =	ssyncadd.s32 @!p0 $0xFFFFF000;
	s11 =	simm.s32 @!p0 $0x2;
	(pc) =	sbr.rel @p1 .LBB2_1-.Ltmp1, $4  }
0x2d: {  	[hbm4b:s8+s9] =	stream.linear.scatter @!p0 [tilespmem:s10], [sflag:$0x2], $0x1000, $0x38;
	[tilespmem:$0x1080] =	vst v63  }
0x2e: {  	_ =	swait.ge @!p0 [sflag:s11], $0x1000  }
0x2f: {  	[sflag:s11] =	ssyncset.done @!p0 $0x0  }
0x30: {  	[sflag:s11] =	ssyncadd.s32 @!p0 $0xFFFFF000  }
0x31: {  	_ =	sfence.sel $0x180000  }
0x32: {  	[bflag:$0x0] =	sbarrier.arrive $0xFFFF  }
0x33: {  	p0 =	sne.s32 s2, $0x0;
	_ =	strace $0x90000047  }
0x34: {  	s0 =	sadd.s32 @!p0 $0x100000, s0;
	[bflag:$0x2] =	sbarrier.arrive $0xFFFF  }
0x35: {  	[sflag:s0] =	ssyncadd.tile.s32 @!p0 $0x1;
	_ =	shalt  }
.Lfunc_end2:
_tile_overlayer_lowered:
.L_overlay_start_2:
0x36: {  	(tag) =	ssettag $0x2  }
0x37: {  	s0 =	rddreg [dreg:$0x0];
	s2 =	stileid.u32  }
0x38: {  	s1 =	rddreg [dreg:$0x1];
	p0 =	sne.s32 s2, $0x0  }
0x39: {  	s3 =	rddreg [dreg:$0x2];
	[bflag:$0x3] =	sbarrier.arrive $0xFFFF;
	s2 =	simm.s32 @!p0 $0x1C02  }
0x3a: {  	[timem:s3], [sflag:s2] =	dma.local @!p0 [hbm:s0], s1  }
0x3b: {  	s0 =	simm.s32 @!p0 $0x2  }
0x3c: {  	_ =	swait.ge @!p0 [sflag:s0], s1  }
0x3d: {  	s1 =	ssub.s32 @!p0 $0x0, s1;
	[sflag:s0] =	ssyncset.done @!p0 $0x0  }
0x3e: {  	[sflag:s0] =	ssyncadd.s32 @!p0 s1  }
0x3f: {  	[bflag:$0x3] =	sbarrier.arrive $0xFFFF  }
0x40: {  	_ =	shalt  }

// kernel: kernel.23.cloned.1.call-start
scs
__scs_entry_jumppad:
0x0: {  	(pc) =	sbr.rel $0x88, $3  }
0x1: {  	(tag) =	ssettag $0x0;
	lr =	simm.s32 $0x1  }
0x2: {  	[smem:$0x3F8B] =	sst lr;
	_ =	strace $0xD0000000  }
0x3: {  	_ = 	snop  }
0x4: {  	_ = 	snop  }
0x5: {  	_ = 	snop  }
0x6: {  	_ = 	snop  }
0x7: {  	_ = 	snop  }
__scs_overlays_trampoline_lowered:
0x8: {  	[smem:$0x3F9A] =	sst s0  }
0x9: {  	[smem:$0x3F9B] =	sst s1  }
0xa: {  	[smem:$0x3F9C] =	sst s2  }
0xb: {  	[smem:$0x3F9D] =	sst s3  }
0xc: {  	[smem:$0x3F9E] =	sst s4  }
0xd: {  	[smem:$0x3F9F] =	sst s5  }
0xe: {  	[smem:$0x3FA0] =	sst s6  }
0xf: {  	[smem:$0x3FA1] =	sst s7  }
0x10: {  	[smem:$0x3FA2] =	sst s8  }
0x11: {  	[smem:$0x3FA3] =	sst s9;
	s0 =	simm.s32 @!p0 $0x0  }
0x12: {  	s1 =	sld [smem:$0x3F89];
	s0 =	simm.s32 @p0 $0x1  }
0x13: {  	[smem:$0x3FA4] =	sst s0;
	s0 =	simm.s32 @!p1 $0x0  }
0x14: {  	s2 =	sld [smem:$0x3F88];
	s0 =	simm.s32 @p1 $0x1  }
0x15: {  	[smem:$0x3FA5] =	sst s0;
	s0 =	simm.s32 @!p2 $0x0  }
0x16: {  	s3 =	sld [smem:$0x3FDB];
	s0 =	simm.s32 @p2 $0x1  }
0x17: {  	s4 =	simm.s32 $0x1BF5;
	[smem:$0x3FA7] =	sst s0  }
0x18: {  	s0 =	sld [smem:$0x3F8A];
	_ =	swait.ge [sflag:s4], $0x0  }
0x19: {  	s7 =	sld [smem:$0x3F8B]  }
0x1a: {  	s8 =	sadd.s32 $0xFFFFE003, lr  }
0x1b: {  	s9 =	sadd.s32 $0xFFFFFEF7, lr;
	s5 =	simm.s32 $0xFFFFFFFF;
	p2 =	slt.u32 s8, $0xFFFFF086  }
0x1c: {  	p1 =	slt.u32 s9, $0xF7A;
	s5 =	simm.s32 @!p2 $0x0  }
0x1d: {  	s5 =	simm.s32 @p1 $0x1;
	p0 =	seq.s32 s7, s2  }
0x1e: {  	s7 =	smul.u32 @!p0 $0xF7A, s2;
	p2 =	seq.s32 @!p0 s5, $0x0  }
0x1f: {  	s9 =	smul.u32 $0xF7A, s1;
	s8 =	simm.s32 @!p0 $0x1BF5;
	p2 =	por !p2, p0  }
0x20: {  	[sflag:s8] =	ssyncset.s32 @!p0 $0xFFFFF086;
	s6 =	sadd.s32 @!p0 s3, s7;
	s7 =	simm.s32 @!p0 $0x108  }
0x21: {  	s3 =	sadd.s32 s3, s9;
	s6 =	sadd.s32 @!p0 $0x88, s6;
	s7 =	simm.s32 @p2 $0x1082  }
0x22: {  	[simem:s7], [sflag:s8] =	dma.local @!p0 [hbm:s6], $0xF7A  }
0x23: {  	s9 =	sor.u32 $0xD0000000, s2;
	s6 =	simm.s32 $0x108;
	_ =	swait.ge @!p0 [sflag:s8], $0x0  }
0x24: {  	s3 =	sadd.s32 $0x88, s3;
	s6 =	simm.s32 @!p1 $0x1082;
	[sflag:s4] =	ssyncset.s32 $0xFFFFF086  }
0x25: {  	[simem:s6], [sflag:s4] =	dma.local [hbm:s3], $0xF7A  }
0x26: {  	[smem:$0x3F8B] =	sst s1;
	(tag) =	ssettag s2;
	_ =	strace s9  }
0x27: {  	s1 =	sld [smem:$0x3F9B]  }
0x28: {  	s2 =	sld [smem:$0x3F9C]  }
0x29: {  	s4 =	sld [smem:$0x3F9E]  }
0x2a: {  	p0 =	seq.s32 s5, $0x0;
	s5 =	sld [smem:$0x3F9F]  }
0x2b: {  	s6 =	sld [smem:$0x3FA0]  }
0x2c: {  	s7 =	sld [smem:$0x3FA1]  }
0x2d: {  	s3 =	simm.s32 $0x108;
	s8 =	sld [smem:$0x3FA2]  }
0x2e: {  	s3 =	simm.s32 @!p0 $0x1082;
	s9 =	sld [smem:$0x3FA3]  }
0x2f: {  	lr =	sadd.s32 s0, s3;
	s0 =	sld [smem:$0x3F9A]  }
0x30: {  	s3 =	sld [smem:$0x3F9D]  }
0x31: {  	[smem:$0x3FA6] =	sst s10  }
0x32: {  	s10 =	sld [smem:$0x3FA4];
	_ =	sdelay $0x3  }
0x33: {  	p0 =	seq.s32 s10, $0x1;
	s10 =	sld [smem:$0x3FA6];
	_ =	sdelay $0x3  }
0x34: {  	[smem:$0x3FA6] =	sst s10  }
0x35: {  	s10 =	sld [smem:$0x3FA5];
	_ =	sdelay $0x3  }
0x36: {  	p1 =	seq.s32 s10, $0x1;
	s10 =	sld [smem:$0x3FA6];
	_ =	sdelay $0x3  }
0x37: {  	[smem:$0x3FA6] =	sst s10  }
0x38: {  	s10 =	sld [smem:$0x3FA7]  }
0x39: {  	_ = 	snop;
	(pc) =	sbr.ind lr, $3  }
0x3a: {  	_ = 	snop  }
0x3b: {  	_ = 	snop  }
0x3c: {  	p2 =	seq.s32 s10, $0x1;
	s10 =	sld [smem:$0x3FA6]  }
0x3d: {  	_ =	shalt  }
0x3e: {  	_ =	shalt  }
0x3f: {  	_ =	shalt  }
0x40: {  	_ =	shalt  }
0x41: {  	_ =	shalt  }
0x42: {  	_ =	shalt  }
0x43: {  	_ =	shalt  }
0x44: {  	_ =	shalt  }
0x45: {  	_ =	shalt  }
0x46: {  	_ =	shalt  }
0x47: {  	_ =	shalt  }
0x48: {  	_ =	shalt  }
0x49: {  	_ =	shalt  }
0x4a: {  	_ =	shalt  }
0x4b: {  	_ =	shalt  }
0x4c: {  	_ =	shalt  }
0x4d: {  	_ =	shalt  }
0x4e: {  	_ =	shalt  }
0x4f: {  	_ =	shalt  }
0x50: {  	_ =	shalt  }
0x51: {  	_ =	shalt  }
0x52: {  	_ =	shalt  }
0x53: {  	_ =	shalt  }
0x54: {  	_ =	shalt  }
0x55: {  	_ =	shalt  }
0x56: {  	_ =	shalt  }
0x57: {  	_ =	shalt  }
0x58: {  	_ =	shalt  }
0x59: {  	_ =	shalt  }
0x5a: {  	_ =	shalt  }
0x5b: {  	_ =	shalt  }
0x5c: {  	_ =	shalt  }
0x5d: {  	_ =	shalt  }
0x5e: {  	_ =	shalt  }
0x5f: {  	_ =	shalt  }
0x60: {  	_ =	shalt  }
0x61: {  	_ =	shalt  }
0x62: {  	_ =	shalt  }
0x63: {  	_ =	shalt  }
0x64: {  	_ =	shalt  }
0x65: {  	_ =	shalt  }
0x66: {  	_ =	shalt  }
0x67: {  	_ =	shalt  }
0x68: {  	_ =	shalt  }
0x69: {  	_ =	shalt  }
0x6a: {  	_ =	shalt  }
0x6b: {  	_ =	shalt  }
0x6c: {  	_ =	shalt  }
0x6d: {  	_ =	shalt  }
0x6e: {  	_ =	shalt  }
0x6f: {  	_ =	shalt  }
0x70: {  	_ =	shalt  }
0x71: {  	_ =	shalt  }
0x72: {  	_ =	shalt  }
0x73: {  	_ =	shalt  }
0x74: {  	_ =	shalt  }
0x75: {  	_ =	shalt  }
0x76: {  	_ =	shalt  }
0x77: {  	_ =	shalt  }
0x78: {  	_ =	shalt  }
0x79: {  	_ =	shalt  }
0x7a: {  	_ =	shalt  }
0x7b: {  	_ =	shalt  }
0x7c: {  	_ =	shalt  }
0x7d: {  	_ =	shalt  }
0x7e: {  	_ =	shalt  }
0x7f: {  	_ =	shalt  }
0x80: {  	_ =	shalt  }
0x81: {  	_ =	shalt  }
0x82: {  	_ =	shalt  }
0x83: {  	_ =	shalt  }
0x84: {  	_ =	shalt  }
0x85: {  	_ =	shalt  }
0x86: {  	_ =	shalt  }
0x87: {  	_ =	shalt  }
.Lfunc_end0:
.L_simem_size_0:
called_computation.2_lowered:
.L_overlay_start_0:
0x88: {  	s2 =	sld [smem:$0x3FD9]  }
0x89: {  	s3 =	sld [smem:$0x3FFE];
	_ =	sdelay $0x1  }
0x8a: {  	s1 =	srdreg.scid  }
0x8b: {  	s0 =	sand.u32 $0x1, s1  }
0x8c: {  	s17 =	sshll.u32 s0, $0xA;
	s2 =	sadd.s32 s3, s2  }
0x8d: {  	s2 =	sadd.s32 s2, s17  }
0x8e: {  	[smem:$0x3FB2] =	sst s2  }
0x8f: {  	_ = 	snop  }
0x90: {  	(tm) =	ssettm $0x1  }
0x91: {  	s18 =	sld [smem:$0x3FFB];
	_ =	sdelay $0x3  }
0x92: {  	_ =	strace s18  }
0x93: {  	s2 =	sld [smem:$0x3FFC];
	_ =	sdelay $0x3  }
0x94: {  	_ =	strace s2  }
0x95: {  	s2 =	sld [smem:$0x3FFD];
	_ =	sdelay $0x3  }
0x96: {  	_ =	strace s2  }
0x97: {  	_ =	strace $0x8FFFFFFF  }
0x98: {  	s19 =	sld [smem:$0x3FDB];
	_ =	sdelay $0x1  }
0x99: {  	s20 =	simm.s32 $_scs_section_size  }
0x9a: {  	s4 =	simm.s32 $_size__tile_overlayer_lowered;
	s5 =	simm.s32 $_tile_overlayer_lowered  }
0x9b: {  	s6 =	simm.s32 $0x1BFF;
	s21 =	sshll.u32 s5, $0x1;
	s3 =	sadd.s32 s20, s19  }
0x9c: {  	s22 =	simm.s32 $0x0;
	s4 =	sshll.u32 s4, $0x1;
	s5 =	sadd.s32 s21, s3  }
0x9d: {  	[timem:s22], [sflag:s6] =	dma.local [hbm:s5], s4  }
0x9e: {  	_ =	swait.ge [sflag:s6], s4  }
0x9f: {  	s4 =	ssub.s32 $0x0, s4;
	[sflag:s6] =	ssyncset.done $0x0  }
0xa0: {  	[sflag:s6] =	ssyncadd.s32 s4;
	_ =	sdelay $0x1  }
0xa1: {  	s23 =	simm.s32 $0x1B8B  }
0xa2: {  	_ =	swait.ge [sflag:s23], $0x1  }
0xa3: {  	[sflag:s23] =	ssyncset.done $0x0  }
0xa4: {  	[sflag:s23] =	ssyncadd.s32 $0xFFFFFFFF  }
0xa5: {  	s4 =	sld [smem:$0x0]  }
0xa6: {  	s5 =	sand.u32 $0xFFFFFFFE, s1  }
0xa7: {  	p0 =	sne.s32 s1, s5  }
0xa8: {  	s5 =	sshll.u32 @p0 s5, $0xE  }
0xa9: {  	s5 =	sadd.s32 @p0 $0x11B8D, s5;
	s6 =	sshll.u32 @p0 s4, $0x11  }
0xaa: {  	s5 =	sor.u32 @p0 s6, s5  }
0xab: {  	[sflag:s5] =	ssyncadd.remote.s32 @p0 $0x1;
	_ =	sdelay $0x1  }
0xac: {  	s5 =	simm.s32 @p0 $0x1B8D  }
0xad: {  	_ =	swait.eq @p0 [sflag:s5], $0x1  }
0xae: {  	[sflag:s5] =	ssyncadd.s32 @p0 $0xFFFFFFFF  }
0xaf: {  	s6 =	sshll.u32 @!p0 s1, $0xE  }
0xb0: {  	s6 =	sor.u32 @!p0 $0x4000, s6;
	s5 =	simm.s32 @!p0 $0x1B8D  }
0xb1: {  	s4 =	sshll.u32 @!p0 s4, $0x11;
	s6 =	sadd.s32 @!p0 $0x11B8D, s6;
	_ =	swait.eq @!p0 [sflag:s5], $0x1  }
0xb2: {  	s4 =	sor.u32 @!p0 s4, s6;
	[sflag:s5] =	ssyncadd.s32 @!p0 $0xFFFFFFFF  }
0xb3: {  	s25 =	simm.s32 $0x1B8E;
	s24 =	sld [smem:$0x3FFE];
	[sflag:s4] =	ssyncadd.remote.s32 @!p0 $0x1  }
0xb4: {  	s26 =	simm.s32 $execute0_lowered;
	[smem:$0x3FD2] =	sst s25  }
0xb5: {  	s5 =	sshll.u32 s26, $0x1;
	_ =	strace $0x8000004C;
	[dreg:$0x1] =	wrdreg $0xFFFFFFFF  }
0xb6: {  	s28 =	simm.s32 $_size_execute0_lowered;
	s3 =	sadd.s32 s3, s5;
	[dreg:$0x0] =	wrdreg $0x0  }
0xb7: {  	s5 =	sshll.u32 s28, $0x1;
	[dreg:$0x2] =	wrdreg s3  }
0xb8: {  	[dreg:$0x3] =	wrdreg s5  }
0xb9: {  	[dreg:$0x4] =	wrdreg $0xC0  }
0xba: {  	_ =	task [dreg:s22], $0x5FFFF  }
0xbb: {  	[dreg:$0x1] =	wrdreg $0xFFFFFFFF  }
0xbc: {  	[dreg:$0x0] =	wrdreg $0x60  }
0xbd: {  	[dreg:$0x2] =	wrdreg s24  }
0xbe: {  	[dreg:$0x3] =	wrdreg $0x10800  }
0xbf: {  	[dreg:$0x4] =	wrdreg $0xA  }
0xc0: {  	_ =	task.clear_ibuf [dreg:s22], $0x5FFFF;
	_ =	strace $0x9000004C  }
0xc1: {  	s29 =	simm.s32 $0xA;
	_ =	strace $0x8000004E  }
0xc2: {  	_ =	swait.ge [sflag:s29], $0x1  }
0xc3: {  	[sflag:s29] =	ssyncadd.s32 $0xFFFFFFFF  }
0xc4: {  	_ =	strace $0x9000004E  }
0xc5: {  	_ =	sfence  }
0xc6: {  	s30 =	sld [smem:$0x0];
	_ =	sdelay $0x2  }
0xc7: {  	s31 =	sshll.u32 s1, $0xD;
	s1 =	sshrl.u32 s1, $0x2  }
0xc8: {  	s4 =	sand.u32 $0x4000, s31;
	s1 =	sadd.s32 s1, s30  }
0xc9: {  	s0 =	sor.u32 s4, s0;
	s1 =	sshll.u32 s1, $0x11  }
0xca: {  	s0 =	sor.u32 s1, s0  }
0xcb: {  	s0 =	sadd.s32 $0x8F2B, s0  }
0xcc: {  	[sflag:s0] =	ssyncadd.remote.s32 $0x1  }
0xcd: {  	_ =	sfence.sel $0xFFFF  }
0xce: {  	[dreg:$0x0] =	wrdreg $0xFFFFFFFF;
	(pc) =	sbr.abs _section_cstart, $3  }
0xcf: {  	[dreg:$0x1] =	wrdreg $0xFFFFFFFF  }
0xd0: {  	_ =	task.clear_ibuf [dreg:s22], $0x2FFFF;
	_ =	strace $0x9FFFFFFF  }
0xd1: {  	(tm) =	ssettm $0x7FFFFFFF  }
tec
execute0_lowered:
.L_overlay_start_1:
0x0: {  	(tag) =	ssettag $0x1  }
0x1: {  	s4 =	rddreg [dreg:$0x0]  }
0x2: {  	s2 =	rddreg [dreg:$0x1]  }
0x3: {  	s0 =	rddreg [dreg:$0x2]  }
0x4: {  	s1 =	stileid.u32;
	s5 =	srdreg.scid  }
0x5: {  	s3 =	simm.s32 $0x0;
	s6 =	smul.u32 $0x4E20, s1;
	s8 =	sand.u32 $0x1, s5  }
0x6: {  	[smem:$0x7FF] =	sst s3;
	s24 =	sshll.u32 s1, $0xA;
	s25 =	sshll.u32 s1, $0x5  }
0x7: {  	s29 =	sshll.u32 s1, $0x6;
	s7 =	smul.u32 $0x4E200, s8;
	_ =	strace $0x8000004D  }
0x8: {  	s9 =	sadd.s32 s24, s4;
	s10 =	sadd.s32 s25, s4;
	s28 =	ssub.s32 $0x2, s8  }
0x9: {  	s30 =	sshll.u32 s8, $0x9;
	s31 =	sshll.u32 s8, $0x4;
	s11 =	sshrl.u32 s6, $0x3  }
0xa: {  	s12 =	sshrl.u32 s28, $0x1;
	s14 =	sadd.s32 s6, s2;
	s9 =	sadd.s32 s30, s9  }
0xb: {  	s10 =	sadd.s32 s31, s10;
	s26 =	sadd.s32 s6, s7;
	s11 =	sadd.s32 s11, s4  }
0xc: {  	s12 =	ssub.s32 s28, s12;
	s6 =	sor.u32 $0x1C01, s29;
	s9 =	sadd.s32 $0x3CC00, s9  }
0xd: {  	s10 =	sadd.s32 $0x10A00, s10;
	s5 =	sshrl.u32 s26, $0x3;
	s8 =	smax.u32 s12, $0x1  }
0xe: {  	s12 =	simm.s32 $0x1;
	s13 =	sadd.s32 s5, s4;
	s4 =	sshll.u32 s1, $0x1  }
0xf: {  	s5 =	sadd.s32 $0xE2E00, s11;
	s11 =	sshrl.u32 s14, $0x3;
	s7 =	sadd.s32 $0x371800, s13  }
.LBB2_1:
0x10: {  	[spmem:s11], [sflag:s6] =	dma.local [hbm:s5], $0x9C4  }
0x11: {  	_ =	swait.ge [sflag:s12], $0x9C4  }
0x12: {  	s13 =	sadd.s32 $0x0, s4;
	[sflag:s12] =	ssyncset.done $0x0  }
0x13: {  	p0 =	sgt.u32 s13, $0x4E1;
	[sflag:s12] =	ssyncadd.s32 $0xFFFFF63C  }
0x14: {  	s13 =	simm.s32 @!p0 $0x0;
	s15 =	simm.s32 @!p0 $0x2;
	[bflag:$0x0] =	sbarrier.arrive $0xFFFF  }
0x15: {  	[tilespmem:s13], [sflag:$0x2] =	stream.linear.gather @!p0 [hbm4b:s10+s13], $0x80, $0x38;
	[tilespmem:$0x5EA0] =	vst v63  }
0x16: {  	_ =	swait.ge @!p0 [sflag:s15], $0x80  }
0x17: {  	[sflag:s15] =	ssyncset.done @!p0 $0x0;
	p0 =	por p0, p0  }
0x18: {  	[sflag:s15] =	ssyncadd.s32 @!p0 $0xFFFFFF80;
	s17 =	simm.s32 @!p0 $0x80  }
0x19: {  	[tilespmem:s17], [sflag:$0x2] =	stream.linear.gather @!p0 [hbm4b:s9+s13], $0x1000, $0x38;
	[tilespmem:$0x5EA0] =	vst v63  }
0x1a: {  	_ =	swait.ge @!p0 [sflag:s15], $0x1000  }
0x1b: {  	[sflag:s15] =	ssyncset.done @!p0 $0x0  }
0x1c: {  	s31 =	sadd.s32 $0x20, s4;
	s16 =	simm.s32 @!p0 $0x1;
	[sflag:s15] =	ssyncadd.s32 @!p0 $0xFFFFF000  }
0x1d: {  	[spmem:s2] =	stream.indirect.scatter.add.f32 @!p0 [tilespmem:s17], [sflag:$0x1], $0x20, s13, s17, $0xb8;
	[tilespmem:$0x5EA0] =	vst v63  }
0x1e: {  	s14 =	simm.s32 $0x40;
	p1 =	sgt.u32 s31, $0x4E1;
	_ =	swait.ge @!p0 [sflag:s16], $0x1000  }
0x1f: {  	s15 =	sadd.s32 $0x200, s10;
	s13 =	sadd.s32 $0x4000, s9;
	[sflag:s16] =	ssyncset.done @!p0 $0x0  }
.LBB2_2:
0x20: {  	s17 =	simm.s32 @!p1 $0x0;
	s18 =	simm.s32 @!p1 $0x2;
	[sflag:s16] =	ssyncadd.s32 @!p0 $0xFFFFF000  }
0x21: {  	[tilespmem:s17], [sflag:$0x2] =	stream.linear.gather @!p1 [hbm4b:s15+s17], $0x80, $0x38;
	[tilespmem:$0x5EA0] =	vst v63  }
0x22: {  	s19 =	smov.u32 s14;
	s14 =	sadd.s32 $0x20, s14;
	_ =	swait.ge @!p1 [sflag:s18], $0x80  }
0x23: {  	p0 =	por p1, p1;
	p2 =	sne.s32 s14, $0x500;
	[sflag:s18] =	ssyncset.done @!p1 $0x0  }
0x24: {  	s20 =	simm.s32 @!p0 $0x80;
	[sflag:s18] =	ssyncadd.s32 @!p0 $0xFFFFFF80  }
0x25: {  	[tilespmem:s20], [sflag:$0x2] =	stream.linear.gather @!p0 [hbm4b:s13+s17], $0x1000, $0x38;
	[tilespmem:$0x5EA0] =	vst v63  }
0x26: {  	_ =	swait.ge @!p0 [sflag:s18], $0x1000  }
.Ltmp0:
0x27: {  	[sflag:s18] =	ssyncset.done @!p0 $0x0;
	(pc) =	sbr.rel @p2 .LBB2_2-.Ltmp0, $4  }
0x28: {  	s16 =	simm.s32 @!p0 $0x1;
	[sflag:s18] =	ssyncadd.s32 @!p0 $0xFFFFF000  }
0x29: {  	[spmem:s2] =	stream.indirect.scatter.add.f32 @!p0 [tilespmem:s20], [sflag:$0x1], $0x20, s17, s20, $0xb8;
	[tilespmem:$0x5EA0] =	vst v63  }
0x2a: {  	s15 =	sadd.s32 $0x200, s15;
	s17 =	sadd.s32 s19, s4;
	_ =	swait.ge @!p0 [sflag:s16], $0x1000  }
0x2b: {  	s13 =	sadd.s32 $0x4000, s13;
	p1 =	sgt.u32 s17, $0x4E1;
	[sflag:s16] =	ssyncset.done @!p0 $0x0  }
0x2c: {  	s14 =	simm.s32 @!p1 $0x0;
	s17 =	simm.s32 @!p1 $0x2;
	[sflag:s16] =	ssyncadd.s32 @!p0 $0xFFFFF000  }
0x2d: {  	[tilespmem:s14], [sflag:$0x2] =	stream.linear.gather @!p1 [hbm4b:s15+s14], $0x80, $0x38;
	[tilespmem:$0x5EA0] =	vst v63  }
0x2e: {  	_ =	swait.ge @!p1 [sflag:s17], $0x80  }
0x2f: {  	p0 =	por p1, p1;
	[sflag:s17] =	ssyncset.done @!p1 $0x0  }
0x30: {  	s15 =	simm.s32 @!p0 $0x80;
	[sflag:s17] =	ssyncadd.s32 @!p0 $0xFFFFFF80  }
0x31: {  	[tilespmem:s15], [sflag:$0x2] =	stream.linear.gather @!p0 [hbm4b:s13+s14], $0x1000, $0x38;
	[tilespmem:$0x5EA0] =	vst v63  }
0x32: {  	_ =	swait.ge @!p0 [sflag:s17], $0x1000  }
0x33: {  	[sflag:s17] =	ssyncset.done @!p0 $0x0  }
0x34: {  	s13 =	simm.s32 @!p0 $0x1;
	[sflag:s17] =	ssyncadd.s32 @!p0 $0xFFFFF000  }
0x35: {  	[spmem:s2] =	stream.indirect.scatter.add.f32 @!p0 [tilespmem:s15], [sflag:$0x1], $0x20, s14, s15, $0xb8;
	[tilespmem:$0x5EA0] =	vst v63  }
0x36: {  	_ =	swait.ge @!p0 [sflag:s13], $0x1000  }
0x37: {  	s3 =	sadd.s32 $0x1, s3;
	[sflag:s13] =	ssyncset.done @!p0 $0x0  }
0x38: {  	[sflag:s13] =	ssyncadd.s32 @!p0 $0xFFFFF000;
	p0 =	sne.s32 s3, s8  }
.Ltmp1:
0x39: {  	[bflag:$0x0] =	sbarrier.arrive $0xFFFF;
	(pc) =	sbr.rel @p0 .LBB2_1-.Ltmp1, $4  }
0x3a: {  	[hbm:s7], [sflag:s6] =	dma.local [spmem:s11], $0x9C4  }
0x3b: {  	_ =	swait.ge [sflag:s12], $0x9C4  }
0x3c: {  	[sflag:s12] =	ssyncset.done $0x0  }
0x3d: {  	[sflag:s12] =	ssyncadd.s32 $0xFFFFF63C  }
0x3e: {  	_ =	sfence.sel $0x180000  }
0x3f: {  	[bflag:$0x0] =	sbarrier.arrive $0xFFFF  }
0x40: {  	p0 =	sne.s32 s1, $0x0;
	_ =	strace $0x9000004D  }
0x41: {  	s0 =	sadd.s32 @!p0 $0x100000, s0;
	[bflag:$0x2] =	sbarrier.arrive $0xFFFF  }
0x42: {  	[sflag:s0] =	ssyncadd.tile.s32 @!p0 $0x1;
	_ =	shalt  }
.Lfunc_end2:
_tile_overlayer_lowered:
.L_overlay_start_2:
0x43: {  	(tag) =	ssettag $0x2  }
0x44: {  	s0 =	rddreg [dreg:$0x0];
	s2 =	stileid.u32  }
0x45: {  	s1 =	rddreg [dreg:$0x1];
	p0 =	sne.s32 s2, $0x0  }
0x46: {  	s3 =	rddreg [dreg:$0x2];
	[bflag:$0x3] =	sbarrier.arrive $0xFFFF;
	s2 =	simm.s32 @!p0 $0x1C01  }
0x47: {  	[timem:s3], [sflag:s2] =	dma.local @!p0 [hbm:s0], s1  }
0x48: {  	s0 =	simm.s32 @!p0 $0x1  }
0x49: {  	_ =	swait.ge @!p0 [sflag:s0], s1  }
0x4a: {  	s1 =	ssub.s32 @!p0 $0x0, s1;
	[sflag:s0] =	ssyncset.done @!p0 $0x0  }
0x4b: {  	[sflag:s0] =	ssyncadd.s32 @!p0 s1  }
0x4c: {  	[bflag:$0x3] =	sbarrier.arrive $0xFFFF  }
0x4d: {  	_ =	shalt  }

// kernel: kernel.26.cloned.1.call-start
scs
__scs_entry_jumppad:
0x0: {  	(pc) =	sbr.rel $0x88, $3  }
0x1: {  	(tag) =	ssettag $0x0;
	lr =	simm.s32 $0x1  }
0x2: {  	[smem:$0x3F8B] =	sst lr;
	_ =	strace $0xD0000000  }
0x3: {  	_ = 	snop  }
0x4: {  	_ = 	snop  }
0x5: {  	_ = 	snop  }
0x6: {  	_ = 	snop  }
0x7: {  	_ = 	snop  }
__scs_overlays_trampoline_lowered:
0x8: {  	[smem:$0x3F9A] =	sst s0  }
0x9: {  	[smem:$0x3F9B] =	sst s1  }
0xa: {  	[smem:$0x3F9C] =	sst s2  }
0xb: {  	[smem:$0x3F9D] =	sst s3  }
0xc: {  	[smem:$0x3F9E] =	sst s4  }
0xd: {  	[smem:$0x3F9F] =	sst s5  }
0xe: {  	[smem:$0x3FA0] =	sst s6  }
0xf: {  	[smem:$0x3FA1] =	sst s7  }
0x10: {  	[smem:$0x3FA2] =	sst s8  }
0x11: {  	[smem:$0x3FA3] =	sst s9;
	s0 =	simm.s32 @!p0 $0x0  }
0x12: {  	s1 =	sld [smem:$0x3F89];
	s0 =	simm.s32 @p0 $0x1  }
0x13: {  	[smem:$0x3FA4] =	sst s0;
	s0 =	simm.s32 @!p1 $0x0  }
0x14: {  	s2 =	sld [smem:$0x3F88];
	s0 =	simm.s32 @p1 $0x1  }
0x15: {  	[smem:$0x3FA5] =	sst s0;
	s0 =	simm.s32 @!p2 $0x0  }
0x16: {  	s3 =	sld [smem:$0x3FDB];
	s0 =	simm.s32 @p2 $0x1  }
0x17: {  	s4 =	simm.s32 $0x1BF5;
	[smem:$0x3FA7] =	sst s0  }
0x18: {  	s0 =	sld [smem:$0x3F8A];
	_ =	swait.ge [sflag:s4], $0x0  }
0x19: {  	s7 =	sld [smem:$0x3F8B]  }
0x1a: {  	s8 =	sadd.s32 $0xFFFFE003, lr  }
0x1b: {  	s9 =	sadd.s32 $0xFFFFFEF7, lr;
	s5 =	simm.s32 $0xFFFFFFFF;
	p2 =	slt.u32 s8, $0xFFFFF086  }
0x1c: {  	p1 =	slt.u32 s9, $0xF7A;
	s5 =	simm.s32 @!p2 $0x0  }
0x1d: {  	s5 =	simm.s32 @p1 $0x1;
	p0 =	seq.s32 s7, s2  }
0x1e: {  	s7 =	smul.u32 @!p0 $0xF7A, s2;
	p2 =	seq.s32 @!p0 s5, $0x0  }
0x1f: {  	s9 =	smul.u32 $0xF7A, s1;
	s8 =	simm.s32 @!p0 $0x1BF5;
	p2 =	por !p2, p0  }
0x20: {  	[sflag:s8] =	ssyncset.s32 @!p0 $0xFFFFF086;
	s6 =	sadd.s32 @!p0 s3, s7;
	s7 =	simm.s32 @!p0 $0x108  }
0x21: {  	s3 =	sadd.s32 s3, s9;
	s6 =	sadd.s32 @!p0 $0x88, s6;
	s7 =	simm.s32 @p2 $0x1082  }
0x22: {  	[simem:s7], [sflag:s8] =	dma.local @!p0 [hbm:s6], $0xF7A  }
0x23: {  	s9 =	sor.u32 $0xD0000000, s2;
	s6 =	simm.s32 $0x108;
	_ =	swait.ge @!p0 [sflag:s8], $0x0  }
0x24: {  	s3 =	sadd.s32 $0x88, s3;
	s6 =	simm.s32 @!p1 $0x1082;
	[sflag:s4] =	ssyncset.s32 $0xFFFFF086  }
0x25: {  	[simem:s6], [sflag:s4] =	dma.local [hbm:s3], $0xF7A  }
0x26: {  	[smem:$0x3F8B] =	sst s1;
	(tag) =	ssettag s2;
	_ =	strace s9  }
0x27: {  	s1 =	sld [smem:$0x3F9B]  }
0x28: {  	s2 =	sld [smem:$0x3F9C]  }
0x29: {  	s4 =	sld [smem:$0x3F9E]  }
0x2a: {  	p0 =	seq.s32 s5, $0x0;
	s5 =	sld [smem:$0x3F9F]  }
0x2b: {  	s6 =	sld [smem:$0x3FA0]  }
0x2c: {  	s7 =	sld [smem:$0x3FA1]  }
0x2d: {  	s3 =	simm.s32 $0x108;
	s8 =	sld [smem:$0x3FA2]  }
0x2e: {  	s3 =	simm.s32 @!p0 $0x1082;
	s9 =	sld [smem:$0x3FA3]  }
0x2f: {  	lr =	sadd.s32 s0, s3;
	s0 =	sld [smem:$0x3F9A]  }
0x30: {  	s3 =	sld [smem:$0x3F9D]  }
0x31: {  	[smem:$0x3FA6] =	sst s10  }
0x32: {  	s10 =	sld [smem:$0x3FA4];
	_ =	sdelay $0x3  }
0x33: {  	p0 =	seq.s32 s10, $0x1;
	s10 =	sld [smem:$0x3FA6];
	_ =	sdelay $0x3  }
0x34: {  	[smem:$0x3FA6] =	sst s10  }
0x35: {  	s10 =	sld [smem:$0x3FA5];
	_ =	sdelay $0x3  }
0x36: {  	p1 =	seq.s32 s10, $0x1;
	s10 =	sld [smem:$0x3FA6];
	_ =	sdelay $0x3  }
0x37: {  	[smem:$0x3FA6] =	sst s10  }
0x38: {  	s10 =	sld [smem:$0x3FA7]  }
0x39: {  	_ = 	snop;
	(pc) =	sbr.ind lr, $3  }
0x3a: {  	_ = 	snop  }
0x3b: {  	_ = 	snop  }
0x3c: {  	p2 =	seq.s32 s10, $0x1;
	s10 =	sld [smem:$0x3FA6]  }
0x3d: {  	_ =	shalt  }
0x3e: {  	_ =	shalt  }
0x3f: {  	_ =	shalt  }
0x40: {  	_ =	shalt  }
0x41: {  	_ =	shalt  }
0x42: {  	_ =	shalt  }
0x43: {  	_ =	shalt  }
0x44: {  	_ =	shalt  }
0x45: {  	_ =	shalt  }
0x46: {  	_ =	shalt  }
0x47: {  	_ =	shalt  }
0x48: {  	_ =	shalt  }
0x49: {  	_ =	shalt  }
0x4a: {  	_ =	shalt  }
0x4b: {  	_ =	shalt  }
0x4c: {  	_ =	shalt  }
0x4d: {  	_ =	shalt  }
0x4e: {  	_ =	shalt  }
0x4f: {  	_ =	shalt  }
0x50: {  	_ =	shalt  }
0x51: {  	_ =	shalt  }
0x52: {  	_ =	shalt  }
0x53: {  	_ =	shalt  }
0x54: {  	_ =	shalt  }
0x55: {  	_ =	shalt  }
0x56: {  	_ =	shalt  }
0x57: {  	_ =	shalt  }
0x58: {  	_ =	shalt  }
0x59: {  	_ =	shalt  }
0x5a: {  	_ =	shalt  }
0x5b: {  	_ =	shalt  }
0x5c: {  	_ =	shalt  }
0x5d: {  	_ =	shalt  }
0x5e: {  	_ =	shalt  }
0x5f: {  	_ =	shalt  }
0x60: {  	_ =	shalt  }
0x61: {  	_ =	shalt  }
0x62: {  	_ =	shalt  }
0x63: {  	_ =	shalt  }
0x64: {  	_ =	shalt  }
0x65: {  	_ =	shalt  }
0x66: {  	_ =	shalt  }
0x67: {  	_ =	shalt  }
0x68: {  	_ =	shalt  }
0x69: {  	_ =	shalt  }
0x6a: {  	_ =	shalt  }
0x6b: {  	_ =	shalt  }
0x6c: {  	_ =	shalt  }
0x6d: {  	_ =	shalt  }
0x6e: {  	_ =	shalt  }
0x6f: {  	_ =	shalt  }
0x70: {  	_ =	shalt  }
0x71: {  	_ =	shalt  }
0x72: {  	_ =	shalt  }
0x73: {  	_ =	shalt  }
0x74: {  	_ =	shalt  }
0x75: {  	_ =	shalt  }
0x76: {  	_ =	shalt  }
0x77: {  	_ =	shalt  }
0x78: {  	_ =	shalt  }
0x79: {  	_ =	shalt  }
0x7a: {  	_ =	shalt  }
0x7b: {  	_ =	shalt  }
0x7c: {  	_ =	shalt  }
0x7d: {  	_ =	shalt  }
0x7e: {  	_ =	shalt  }
0x7f: {  	_ =	shalt  }
0x80: {  	_ =	shalt  }
0x81: {  	_ =	shalt  }
0x82: {  	_ =	shalt  }
0x83: {  	_ =	shalt  }
0x84: {  	_ =	shalt  }
0x85: {  	_ =	shalt  }
0x86: {  	_ =	shalt  }
0x87: {  	_ =	shalt  }
.Lfunc_end0:
.L_simem_size_0:
called_computation.3_lowered:
.L_overlay_start_0:
0x88: {  	s2 =	sld [smem:$0x3FD9]  }
0x89: {  	s3 =	sld [smem:$0x3FFE];
	_ =	sdelay $0x1  }
0x8a: {  	s1 =	srdreg.scid  }
0x8b: {  	s0 =	sand.u32 $0x1, s1  }
0x8c: {  	s16 =	sshll.u32 s0, $0xA;
	s2 =	sadd.s32 s3, s2  }
0x8d: {  	s2 =	sadd.s32 s2, s16  }
0x8e: {  	[smem:$0x3FB2] =	sst s2  }
0x8f: {  	_ = 	snop  }
0x90: {  	(tm) =	ssettm $0x1  }
0x91: {  	s17 =	sld [smem:$0x3FFB];
	_ =	sdelay $0x3  }
0x92: {  	_ =	strace s17  }
0x93: {  	s2 =	sld [smem:$0x3FFC];
	_ =	sdelay $0x3  }
0x94: {  	_ =	strace s2  }
0x95: {  	s2 =	sld [smem:$0x3FFD];
	_ =	sdelay $0x3  }
0x96: {  	_ =	strace s2  }
0x97: {  	_ =	strace $0x8FFFFFFF  }
0x98: {  	s18 =	sld [smem:$0x3FDB];
	_ =	sdelay $0x1  }
0x99: {  	s19 =	simm.s32 $_scs_section_size  }
0x9a: {  	s4 =	simm.s32 $_size__tile_overlayer_lowered;
	s5 =	simm.s32 $_tile_overlayer_lowered  }
0x9b: {  	s22 =	simm.s32 $0x1BFF;
	s21 =	sshll.u32 s5, $0x1;
	s2 =	sadd.s32 s19, s18  }
0x9c: {  	s6 =	simm.s32 $0x0;
	s20 =	sshll.u32 s4, $0x1;
	s4 =	sadd.s32 s21, s2  }
0x9d: {  	[timem:s6], [sflag:s22] =	dma.local [hbm:s4], s20  }
0x9e: {  	_ =	swait.ge [sflag:s22], s20  }
0x9f: {  	s3 =	ssub.s32 $0x0, s20;
	[sflag:s22] =	ssyncset.done $0x0  }
0xa0: {  	[sflag:s22] =	ssyncadd.s32 s3;
	_ =	sdelay $0x1  }
0xa1: {  	s23 =	simm.s32 $0x1B8B  }
0xa2: {  	_ =	swait.ge [sflag:s23], $0x1  }
0xa3: {  	[sflag:s23] =	ssyncset.done $0x0  }
0xa4: {  	s25 =	simm.s32 $0x1B8E;
	s24 =	sld [smem:$0x3FFE];
	[sflag:s23] =	ssyncadd.s32 $0xFFFFFFFF  }
0xa5: {  	s26 =	simm.s32 $execute0_lowered;
	[smem:$0x3FD2] =	sst s25  }
0xa6: {  	s4 =	sshll.u32 s26, $0x1;
	_ =	strace $0x8000004F;
	[dreg:$0x1] =	wrdreg $0xFFFFFFFF  }
0xa7: {  	s28 =	simm.s32 $_size_execute0_lowered;
	s2 =	sadd.s32 s2, s4;
	[dreg:$0x0] =	wrdreg $0x0  }
0xa8: {  	s4 =	sshll.u32 s28, $0x1;
	[dreg:$0x2] =	wrdreg s2  }
0xa9: {  	[dreg:$0x3] =	wrdreg s4  }
0xaa: {  	[dreg:$0x4] =	wrdreg $0xC0  }
0xab: {  	_ =	task [dreg:s6], $0x5FFFF  }
0xac: {  	[dreg:$0x1] =	wrdreg $0xFFFFFFFF  }
0xad: {  	[dreg:$0x0] =	wrdreg $0x60  }
0xae: {  	[dreg:$0x2] =	wrdreg s24  }
0xaf: {  	[dreg:$0x3] =	wrdreg $0x9  }
0xb0: {  	_ =	task.clear_ibuf [dreg:s6], $0x4FFFF;
	_ =	strace $0x9000004F  }
0xb1: {  	s29 =	simm.s32 $0x9;
	_ =	strace $0x80000051  }
0xb2: {  	_ =	swait.ge [sflag:s29], $0x1  }
0xb3: {  	[sflag:s29] =	ssyncadd.s32 $0xFFFFFFFF  }
0xb4: {  	_ =	strace $0x90000051  }
0xb5: {  	_ =	sfence  }
0xb6: {  	s30 =	sld [smem:$0x0];
	_ =	sdelay $0x2  }
0xb7: {  	s31 =	sshll.u32 s1, $0xD;
	s1 =	sshrl.u32 s1, $0x2  }
0xb8: {  	s3 =	sand.u32 $0x4000, s31;
	s1 =	sadd.s32 s1, s30  }
0xb9: {  	s0 =	sor.u32 s3, s0;
	s1 =	sshll.u32 s1, $0x11  }
0xba: {  	s0 =	sor.u32 s1, s0  }
0xbb: {  	s0 =	sadd.s32 $0x8F2B, s0  }
0xbc: {  	[sflag:s0] =	ssyncadd.remote.s32 $0x1  }
0xbd: {  	_ =	sfence.sel $0xFFFF  }
0xbe: {  	[dreg:$0x0] =	wrdreg $0xFFFFFFFF;
	(pc) =	sbr.abs _section_cstart, $3  }
0xbf: {  	[dreg:$0x1] =	wrdreg $0xFFFFFFFF  }
0xc0: {  	_ =	task.clear_ibuf [dreg:s6], $0x2FFFF;
	_ =	strace $0x9FFFFFFF  }
0xc1: {  	(tm) =	ssettm $0x7FFFFFFF  }
tec
execute0_lowered:
.L_overlay_start_1:
0x0: {  	(tag) =	ssettag $0x1  }
0x1: {  	s4 =	rddreg [dreg:$0x0]  }
0x2: {  	s0 =	rddreg [dreg:$0x1];
	s1 =	simm.s32 $0x0;
	s5 =	srdreg.scid  }
0x3: {  	s2 =	stileid.u32;
	[smem:$0x7FF] =	sst s1  }
0x4: {  	s3 =	sadd.s32 $0xECC00, s4;
	s5 =	sand.u32 $0x1, s5;
	s6 =	sshll.u32 s2, $0x5  }
0x5: {  	s7 =	sshll.u32 s2, $0xA;
	_ =	strace $0x80000050;
	s8 =	ssub.s32 $0x2, s5  }
0x6: {  	s6 =	sadd.s32 s6, s4;
	s7 =	sadd.s32 s7, s4;
	s9 =	sshll.u32 s5, $0x9  }
0x7: {  	s5 =	sshll.u32 s5, $0x4;
	s4 =	sshll.u32 s2, $0x1;
	s30 =	sshrl.u32 s8, $0x1  }
0x8: {  	s7 =	sadd.s32 s9, s7;
	s31 =	sadd.s32 s5, s6;
	s8 =	ssub.s32 s8, s30  }
0x9: {  	s6 =	sadd.s32 $0x371800, s7;
	s7 =	sadd.s32 $0xBA00, s31;
	s5 =	smax.u32 s8, $0x1  }
.LBB2_1:
0xa: {  	s8 =	sadd.s32 $0x0, s4  }
0xb: {  	p0 =	sgt.u32 s8, $0x4E1  }
0xc: {  	s8 =	simm.s32 @!p0 $0x0;
	s9 =	simm.s32 @!p0 $0x3  }
0xd: {  	[tilespmem:s8], [sflag:$0x3] =	stream.linear.gather @!p0 [hbm4b:s7+s8], $0x80, $0x38;
	[tilespmem:$0x1080] =	vst v63  }
0xe: {  	_ =	swait.ge @!p0 [sflag:s9], $0x80  }
0xf: {  	[sflag:s9] =	ssyncset.done @!p0 $0x0;
	p0 =	por p0, p0  }
0x10: {  	[sflag:s9] =	ssyncadd.s32 @!p0 $0xFFFFFF80;
	s10 =	simm.s32 @!p0 $0x80;
	s11 =	simm.s32 @!p0 $0x1  }
0x11: {  	[tilespmem:s10], [sflag:$0x1] =	stream.indirect.gather @!p0 [hbm4b:s3+s10], $0x20, s8, s10, $0xb8;
	[tilespmem:$0x1080] =	vst v63  }
0x12: {  	_ =	swait.ge @!p0 [sflag:s11], $0x1000  }
0x13: {  	[sflag:s11] =	ssyncset.done @!p0 $0x0  }
0x14: {  	s31 =	sadd.s32 $0x20, s4;
	[sflag:s11] =	ssyncadd.s32 @!p0 $0xFFFFF000;
	s11 =	simm.s32 @!p0 $0x2  }
0x15: {  	[hbm4b:s6+s8] =	stream.linear.scatter @!p0 [tilespmem:s10], [sflag:$0x2], $0x1000, $0x38;
	[tilespmem:$0x1080] =	vst v63  }
0x16: {  	p1 =	sgt.u32 s31, $0x4E1;
	s9 =	simm.s32 $0x40;
	_ =	swait.ge @!p0 [sflag:s11], $0x1000  }
0x17: {  	s10 =	sadd.s32 $0x200, s7;
	s8 =	sadd.s32 $0x4000, s6;
	[sflag:s11] =	ssyncset.done @!p0 $0x0  }
.LBB2_2:
0x18: {  	s12 =	simm.s32 @!p1 $0x0;
	s13 =	simm.s32 @!p1 $0x3;
	[sflag:s11] =	ssyncadd.s32 @!p0 $0xFFFFF000  }
0x19: {  	[tilespmem:s12], [sflag:$0x3] =	stream.linear.gather @!p1 [hbm4b:s10+s12], $0x80, $0x38;
	[tilespmem:$0x1080] =	vst v63  }
0x1a: {  	s14 =	smov.u32 s9;
	s9 =	sadd.s32 $0x20, s9;
	_ =	swait.ge @!p1 [sflag:s13], $0x80  }
0x1b: {  	p0 =	por p1, p1;
	p2 =	sne.s32 s9, $0x500;
	[sflag:s13] =	ssyncset.done @!p1 $0x0  }
0x1c: {  	s11 =	simm.s32 @!p0 $0x1;
	[sflag:s13] =	ssyncadd.s32 @!p0 $0xFFFFFF80;
	s13 =	simm.s32 @!p0 $0x80  }
0x1d: {  	[tilespmem:s13], [sflag:$0x1] =	stream.indirect.gather @!p0 [hbm4b:s3+s13], $0x20, s12, s13, $0xb8;
	[tilespmem:$0x1080] =	vst v63  }
0x1e: {  	_ =	swait.ge @!p0 [sflag:s11], $0x1000  }
.Ltmp0:
0x1f: {  	[sflag:s11] =	ssyncset.done @!p0 $0x0;
	(pc) =	sbr.rel @p2 .LBB2_2-.Ltmp0, $4  }
0x20: {  	[sflag:s11] =	ssyncadd.s32 @!p0 $0xFFFFF000;
	s11 =	simm.s32 @!p0 $0x2  }
0x21: {  	[hbm4b:s8+s12] =	stream.linear.scatter @!p0 [tilespmem:s13], [sflag:$0x2], $0x1000, $0x38;
	[tilespmem:$0x1080] =	vst v63  }
0x22: {  	s10 =	sadd.s32 $0x200, s10;
	s12 =	sadd.s32 s14, s4;
	_ =	swait.ge @!p0 [sflag:s11], $0x1000  }
0x23: {  	s8 =	sadd.s32 $0x4000, s8;
	p1 =	sgt.u32 s12, $0x4E1;
	[sflag:s11] =	ssyncset.done @!p0 $0x0  }
0x24: {  	s9 =	simm.s32 @!p1 $0x0;
	s12 =	simm.s32 @!p1 $0x3;
	[sflag:s11] =	ssyncadd.s32 @!p0 $0xFFFFF000  }
0x25: {  	[tilespmem:s9], [sflag:$0x3] =	stream.linear.gather @!p1 [hbm4b:s10+s9], $0x80, $0x38;
	[tilespmem:$0x1080] =	vst v63  }
0x26: {  	_ =	swait.ge @!p1 [sflag:s12], $0x80  }
0x27: {  	p0 =	por p1, p1;
	[sflag:s12] =	ssyncset.done @!p1 $0x0  }
0x28: {  	s10 =	simm.s32 @!p0 $0x80;
	s11 =	simm.s32 @!p0 $0x1;
	[sflag:s12] =	ssyncadd.s32 @!p0 $0xFFFFFF80  }
0x29: {  	[tilespmem:s10], [sflag:$0x1] =	stream.indirect.gather @!p0 [hbm4b:s3+s10], $0x20, s9, s10, $0xb8;
	[tilespmem:$0x1080] =	vst v63  }
0x2a: {  	s1 =	sadd.s32 $0x1, s1;
	_ =	swait.ge @!p0 [sflag:s11], $0x1000  }
0x2b: {  	p1 =	sne.s32 s1, s5;
	[sflag:s11] =	ssyncset.done @!p0 $0x0  }
.Ltmp1:
0x2c: {  	[sflag:s11] =	ssyncadd.s32 @!p0 $0xFFFFF000;
	s11 =	simm.s32 @!p0 $0x2;
	(pc) =	sbr.rel @p1 .LBB2_1-.Ltmp1, $4  }
0x2d: {  	[hbm4b:s8+s9] =	stream.linear.scatter @!p0 [tilespmem:s10], [sflag:$0x2], $0x1000, $0x38;
	[tilespmem:$0x1080] =	vst v63  }
0x2e: {  	_ =	swait.ge @!p0 [sflag:s11], $0x1000  }
0x2f: {  	[sflag:s11] =	ssyncset.done @!p0 $0x0  }
0x30: {  	[sflag:s11] =	ssyncadd.s32 @!p0 $0xFFFFF000  }
0x31: {  	_ =	sfence.sel $0x180000  }
0x32: {  	[bflag:$0x0] =	sbarrier.arrive $0xFFFF  }
0x33: {  	p0 =	sne.s32 s2, $0x0;
	_ =	strace $0x90000050  }
0x34: {  	s0 =	sadd.s32 @!p0 $0x100000, s0;
	[bflag:$0x2] =	sbarrier.arrive $0xFFFF  }
0x35: {  	[sflag:s0] =	ssyncadd.tile.s32 @!p0 $0x1;
	_ =	shalt  }
.Lfunc_end2:
_tile_overlayer_lowered:
.L_overlay_start_2:
0x36: {  	(tag) =	ssettag $0x2  }
0x37: {  	s0 =	rddreg [dreg:$0x0];
	s2 =	stileid.u32  }
0x38: {  	s1 =	rddreg [dreg:$0x1];
	p0 =	sne.s32 s2, $0x0  }
0x39: {  	s3 =	rddreg [dreg:$0x2];
	[bflag:$0x3] =	sbarrier.arrive $0xFFFF;
	s2 =	simm.s32 @!p0 $0x1C02  }
0x3a: {  	[timem:s3], [sflag:s2] =	dma.local @!p0 [hbm:s0], s1  }
0x3b: {  	s0 =	simm.s32 @!p0 $0x2  }
0x3c: {  	_ =	swait.ge @!p0 [sflag:s0], s1  }
0x3d: {  	s1 =	ssub.s32 @!p0 $0x0, s1;
	[sflag:s0] =	ssyncset.done @!p0 $0x0  }
0x3e: {  	[sflag:s0] =	ssyncadd.s32 @!p0 s1  }
0x3f: {  	[bflag:$0x3] =	sbarrier.arrive $0xFFFF  }
0x40: {  	_ =	shalt  }

// kernel: kernel.29.cloned.1.call-start
scs
__scs_entry_jumppad:
0x0: {  	(pc) =	sbr.rel $0x88, $3  }
0x1: {  	(tag) =	ssettag $0x0;
	lr =	simm.s32 $0x1  }
0x2: {  	[smem:$0x3F8B] =	sst lr;
	_ =	strace $0xD0000000  }
0x3: {  	_ = 	snop  }
0x4: {  	_ = 	snop  }
0x5: {  	_ = 	snop  }
0x6: {  	_ = 	snop  }
0x7: {  	_ = 	snop  }
__scs_overlays_trampoline_lowered:
0x8: {  	[smem:$0x3F9A] =	sst s0  }
0x9: {  	[smem:$0x3F9B] =	sst s1  }
0xa: {  	[smem:$0x3F9C] =	sst s2  }
0xb: {  	[smem:$0x3F9D] =	sst s3  }
0xc: {  	[smem:$0x3F9E] =	sst s4  }
0xd: {  	[smem:$0x3F9F] =	sst s5  }
0xe: {  	[smem:$0x3FA0] =	sst s6  }
0xf: {  	[smem:$0x3FA1] =	sst s7  }
0x10: {  	[smem:$0x3FA2] =	sst s8  }
0x11: {  	[smem:$0x3FA3] =	sst s9;
	s0 =	simm.s32 @!p0 $0x0  }
0x12: {  	s1 =	sld [smem:$0x3F89];
	s0 =	simm.s32 @p0 $0x1  }
0x13: {  	[smem:$0x3FA4] =	sst s0;
	s0 =	simm.s32 @!p1 $0x0  }
0x14: {  	s2 =	sld [smem:$0x3F88];
	s0 =	simm.s32 @p1 $0x1  }
0x15: {  	[smem:$0x3FA5] =	sst s0;
	s0 =	simm.s32 @!p2 $0x0  }
0x16: {  	s3 =	sld [smem:$0x3FDB];
	s0 =	simm.s32 @p2 $0x1  }
0x17: {  	s4 =	simm.s32 $0x1BF5;
	[smem:$0x3FA7] =	sst s0  }
0x18: {  	s0 =	sld [smem:$0x3F8A];
	_ =	swait.ge [sflag:s4], $0x0  }
0x19: {  	s7 =	sld [smem:$0x3F8B]  }
0x1a: {  	s8 =	sadd.s32 $0xFFFFE003, lr  }
0x1b: {  	s9 =	sadd.s32 $0xFFFFFEF7, lr;
	s5 =	simm.s32 $0xFFFFFFFF;
	p2 =	slt.u32 s8, $0xFFFFF086  }
0x1c: {  	p1 =	slt.u32 s9, $0xF7A;
	s5 =	simm.s32 @!p2 $0x0  }
0x1d: {  	s5 =	simm.s32 @p1 $0x1;
	p0 =	seq.s32 s7, s2  }
0x1e: {  	s7 =	smul.u32 @!p0 $0xF7A, s2;
	p2 =	seq.s32 @!p0 s5, $0x0  }
0x1f: {  	s9 =	smul.u32 $0xF7A, s1;
	s8 =	simm.s32 @!p0 $0x1BF5;
	p2 =	por !p2, p0  }
0x20: {  	[sflag:s8] =	ssyncset.s32 @!p0 $0xFFFFF086;
	s6 =	sadd.s32 @!p0 s3, s7;
	s7 =	simm.s32 @!p0 $0x108  }
0x21: {  	s3 =	sadd.s32 s3, s9;
	s6 =	sadd.s32 @!p0 $0x88, s6;
	s7 =	simm.s32 @p2 $0x1082  }
0x22: {  	[simem:s7], [sflag:s8] =	dma.local @!p0 [hbm:s6], $0xF7A  }
0x23: {  	s9 =	sor.u32 $0xD0000000, s2;
	s6 =	simm.s32 $0x108;
	_ =	swait.ge @!p0 [sflag:s8], $0x0  }
0x24: {  	s3 =	sadd.s32 $0x88, s3;
	s6 =	simm.s32 @!p1 $0x1082;
	[sflag:s4] =	ssyncset.s32 $0xFFFFF086  }
0x25: {  	[simem:s6], [sflag:s4] =	dma.local [hbm:s3], $0xF7A  }
0x26: {  	[smem:$0x3F8B] =	sst s1;
	(tag) =	ssettag s2;
	_ =	strace s9  }
0x27: {  	s1 =	sld [smem:$0x3F9B]  }
0x28: {  	s2 =	sld [smem:$0x3F9C]  }
0x29: {  	s4 =	sld [smem:$0x3F9E]  }
0x2a: {  	p0 =	seq.s32 s5, $0x0;
	s5 =	sld [smem:$0x3F9F]  }
0x2b: {  	s6 =	sld [smem:$0x3FA0]  }
0x2c: {  	s7 =	sld [smem:$0x3FA1]  }
0x2d: {  	s3 =	simm.s32 $0x108;
	s8 =	sld [smem:$0x3FA2]  }
0x2e: {  	s3 =	simm.s32 @!p0 $0x1082;
	s9 =	sld [smem:$0x3FA3]  }
0x2f: {  	lr =	sadd.s32 s0, s3;
	s0 =	sld [smem:$0x3F9A]  }
0x30: {  	s3 =	sld [smem:$0x3F9D]  }
0x31: {  	[smem:$0x3FA6] =	sst s10  }
0x32: {  	s10 =	sld [smem:$0x3FA4];
	_ =	sdelay $0x3  }
0x33: {  	p0 =	seq.s32 s10, $0x1;
	s10 =	sld [smem:$0x3FA6];
	_ =	sdelay $0x3  }
0x34: {  	[smem:$0x3FA6] =	sst s10  }
0x35: {  	s10 =	sld [smem:$0x3FA5];
	_ =	sdelay $0x3  }
0x36: {  	p1 =	seq.s32 s10, $0x1;
	s10 =	sld [smem:$0x3FA6];
	_ =	sdelay $0x3  }
0x37: {  	[smem:$0x3FA6] =	sst s10  }
0x38: {  	s10 =	sld [smem:$0x3FA7]  }
0x39: {  	_ = 	snop;
	(pc) =	sbr.ind lr, $3  }
0x3a: {  	_ = 	snop  }
0x3b: {  	_ = 	snop  }
0x3c: {  	p2 =	seq.s32 s10, $0x1;
	s10 =	sld [smem:$0x3FA6]  }
0x3d: {  	_ =	shalt  }
0x3e: {  	_ =	shalt  }
0x3f: {  	_ =	shalt  }
0x40: {  	_ =	shalt  }
0x41: {  	_ =	shalt  }
0x42: {  	_ =	shalt  }
0x43: {  	_ =	shalt  }
0x44: {  	_ =	shalt  }
0x45: {  	_ =	shalt  }
0x46: {  	_ =	shalt  }
0x47: {  	_ =	shalt  }
0x48: {  	_ =	shalt  }
0x49: {  	_ =	shalt  }
0x4a: {  	_ =	shalt  }
0x4b: {  	_ =	shalt  }
0x4c: {  	_ =	shalt  }
0x4d: {  	_ =	shalt  }
0x4e: {  	_ =	shalt  }
0x4f: {  	_ =	shalt  }
0x50: {  	_ =	shalt  }
0x51: {  	_ =	shalt  }
0x52: {  	_ =	shalt  }
0x53: {  	_ =	shalt  }
0x54: {  	_ =	shalt  }
0x55: {  	_ =	shalt  }
0x56: {  	_ =	shalt  }
0x57: {  	_ =	shalt  }
0x58: {  	_ =	shalt  }
0x59: {  	_ =	shalt  }
0x5a: {  	_ =	shalt  }
0x5b: {  	_ =	shalt  }
0x5c: {  	_ =	shalt  }
0x5d: {  	_ =	shalt  }
0x5e: {  	_ =	shalt  }
0x5f: {  	_ =	shalt  }
0x60: {  	_ =	shalt  }
0x61: {  	_ =	shalt  }
0x62: {  	_ =	shalt  }
0x63: {  	_ =	shalt  }
0x64: {  	_ =	shalt  }
0x65: {  	_ =	shalt  }
0x66: {  	_ =	shalt  }
0x67: {  	_ =	shalt  }
0x68: {  	_ =	shalt  }
0x69: {  	_ =	shalt  }
0x6a: {  	_ =	shalt  }
0x6b: {  	_ =	shalt  }
0x6c: {  	_ =	shalt  }
0x6d: {  	_ =	shalt  }
0x6e: {  	_ =	shalt  }
0x6f: {  	_ =	shalt  }
0x70: {  	_ =	shalt  }
0x71: {  	_ =	shalt  }
0x72: {  	_ =	shalt  }
0x73: {  	_ =	shalt  }
0x74: {  	_ =	shalt  }
0x75: {  	_ =	shalt  }
0x76: {  	_ =	shalt  }
0x77: {  	_ =	shalt  }
0x78: {  	_ =	shalt  }
0x79: {  	_ =	shalt  }
0x7a: {  	_ =	shalt  }
0x7b: {  	_ =	shalt  }
0x7c: {  	_ =	shalt  }
0x7d: {  	_ =	shalt  }
0x7e: {  	_ =	shalt  }
0x7f: {  	_ =	shalt  }
0x80: {  	_ =	shalt  }
0x81: {  	_ =	shalt  }
0x82: {  	_ =	shalt  }
0x83: {  	_ =	shalt  }
0x84: {  	_ =	shalt  }
0x85: {  	_ =	shalt  }
0x86: {  	_ =	shalt  }
0x87: {  	_ =	shalt  }
.Lfunc_end0:
.L_simem_size_0:
called_computation.4_lowered:
.L_overlay_start_0:
0x88: {  	s2 =	sld [smem:$0x3FD9]  }
0x89: {  	s3 =	sld [smem:$0x3FFE];
	_ =	sdelay $0x1  }
0x8a: {  	s1 =	srdreg.scid  }
0x8b: {  	s0 =	sand.u32 $0x1, s1  }
0x8c: {  	s16 =	sshll.u32 s0, $0xA;
	s2 =	sadd.s32 s3, s2  }
0x8d: {  	s2 =	sadd.s32 s2, s16  }
0x8e: {  	[smem:$0x3FB2] =	sst s2  }
0x8f: {  	_ = 	snop  }
0x90: {  	(tm) =	ssettm $0x1  }
0x91: {  	s17 =	sld [smem:$0x3FFB];
	_ =	sdelay $0x3  }
0x92: {  	_ =	strace s17  }
0x93: {  	s2 =	sld [smem:$0x3FFC];
	_ =	sdelay $0x3  }
0x94: {  	_ =	strace s2  }
0x95: {  	s2 =	sld [smem:$0x3FFD];
	_ =	sdelay $0x3  }
0x96: {  	_ =	strace s2  }
0x97: {  	_ =	strace $0x8FFFFFFF  }
0x98: {  	s18 =	sld [smem:$0x3FDB];
	_ =	sdelay $0x1  }
0x99: {  	s19 =	simm.s32 $_scs_section_size  }
0x9a: {  	s4 =	simm.s32 $_size__tile_overlayer_lowered;
	s5 =	simm.s32 $_tile_overlayer_lowered  }
0x9b: {  	s22 =	simm.s32 $0x1BFF;
	s21 =	sshll.u32 s5, $0x1;
	s2 =	sadd.s32 s19, s18  }
0x9c: {  	s6 =	simm.s32 $0x0;
	s20 =	sshll.u32 s4, $0x1;
	s4 =	sadd.s32 s21, s2  }
0x9d: {  	[timem:s6], [sflag:s22] =	dma.local [hbm:s4], s20  }
0x9e: {  	_ =	swait.ge [sflag:s22], s20  }
0x9f: {  	s3 =	ssub.s32 $0x0, s20;
	[sflag:s22] =	ssyncset.done $0x0  }
0xa0: {  	[sflag:s22] =	ssyncadd.s32 s3;
	_ =	sdelay $0x1  }
0xa1: {  	s23 =	simm.s32 $0x1B8B  }
0xa2: {  	_ =	swait.ge [sflag:s23], $0x1  }
0xa3: {  	[sflag:s23] =	ssyncset.done $0x0  }
0xa4: {  	s25 =	simm.s32 $0x1B8E;
	s24 =	sld [smem:$0x3FFE];
	[sflag:s23] =	ssyncadd.s32 $0xFFFFFFFF  }
0xa5: {  	s26 =	simm.s32 $execute0_lowered;
	[smem:$0x3FD2] =	sst s25  }
0xa6: {  	s4 =	sshll.u32 s26, $0x1;
	_ =	strace $0x80000052;
	[dreg:$0x1] =	wrdreg $0xFFFFFFFF  }
0xa7: {  	s28 =	simm.s32 $_size_execute0_lowered;
	s2 =	sadd.s32 s2, s4;
	[dreg:$0x0] =	wrdreg $0x0  }
0xa8: {  	s4 =	sshll.u32 s28, $0x1;
	[dreg:$0x2] =	wrdreg s2  }
0xa9: {  	[dreg:$0x3] =	wrdreg s4  }
0xaa: {  	[dreg:$0x4] =	wrdreg $0xC0  }
0xab: {  	_ =	task [dreg:s6], $0x5FFFF  }
0xac: {  	[dreg:$0x1] =	wrdreg $0xFFFFFFFF  }
0xad: {  	[dreg:$0x0] =	wrdreg $0x60  }
0xae: {  	[dreg:$0x2] =	wrdreg s24  }
0xaf: {  	[dreg:$0x3] =	wrdreg $0x10800  }
0xb0: {  	[dreg:$0x4] =	wrdreg $0x9  }
0xb1: {  	_ =	task.clear_ibuf [dreg:s6], $0x5FFFF;
	_ =	strace $0x90000052  }
0xb2: {  	s29 =	simm.s32 $0x9;
	_ =	strace $0x80000054  }
0xb3: {  	_ =	swait.ge [sflag:s29], $0x1  }
0xb4: {  	[sflag:s29] =	ssyncadd.s32 $0xFFFFFFFF  }
0xb5: {  	_ =	strace $0x90000054  }
0xb6: {  	_ =	sfence  }
0xb7: {  	s30 =	sld [smem:$0x0];
	_ =	sdelay $0x2  }
0xb8: {  	s31 =	sshll.u32 s1, $0xD;
	s1 =	sshrl.u32 s1, $0x2  }
0xb9: {  	s3 =	sand.u32 $0x4000, s31;
	s1 =	sadd.s32 s1, s30  }
0xba: {  	s0 =	sor.u32 s3, s0;
	s1 =	sshll.u32 s1, $0x11  }
0xbb: {  	s0 =	sor.u32 s1, s0  }
0xbc: {  	s0 =	sadd.s32 $0x8F2B, s0  }
0xbd: {  	[sflag:s0] =	ssyncadd.remote.s32 $0x1  }
0xbe: {  	_ =	sfence.sel $0xFFFF  }
0xbf: {  	[dreg:$0x0] =	wrdreg $0xFFFFFFFF;
	(pc) =	sbr.abs _section_cstart, $3  }
0xc0: {  	[dreg:$0x1] =	wrdreg $0xFFFFFFFF  }
0xc1: {  	_ =	task.clear_ibuf [dreg:s6], $0x2FFFF;
	_ =	strace $0x9FFFFFFF  }
0xc2: {  	(tm) =	ssettm $0x7FFFFFFF  }
0xc3: {  	_ =	shalt  }
tec
execute0_lowered:
.L_overlay_start_1:
0x0: {  	(tag) =	ssettag $0x1  }
0x1: {  	s4 =	rddreg [dreg:$0x0]  }
0x2: {  	s2 =	rddreg [dreg:$0x1]  }
0x3: {  	s0 =	rddreg [dreg:$0x2]  }
0x4: {  	s1 =	stileid.u32;
	s5 =	srdreg.scid  }
0x5: {  	s3 =	simm.s32 $0x0;
	s6 =	smul.u32 $0x4E20, s1;
	s8 =	sand.u32 $0x1, s5  }
0x6: {  	[smem:$0x7FF] =	sst s3;
	s24 =	sshll.u32 s1, $0xA;
	s25 =	sshll.u32 s1, $0x5  }
0x7: {  	s29 =	sshll.u32 s1, $0x6;
	s7 =	smul.u32 $0x4E200, s8;
	_ =	strace $0x80000053  }
0x8: {  	s9 =	sadd.s32 s24, s4;
	s10 =	sadd.s32 s25, s4;
	s28 =	ssub.s32 $0x2, s8  }
0x9: {  	s30 =	sshll.u32 s8, $0x9;
	s31 =	sshll.u32 s8, $0x4;
	s11 =	sshrl.u32 s6, $0x3  }
0xa: {  	s12 =	sshrl.u32 s28, $0x1;
	s14 =	sadd.s32 s6, s2;
	s9 =	sadd.s32 s30, s9  }
0xb: {  	s10 =	sadd.s32 s31, s10;
	s26 =	sadd.s32 s6, s7;
	s11 =	sadd.s32 s11, s4  }
0xc: {  	s12 =	ssub.s32 s28, s12;
	s6 =	sor.u32 $0x1C01, s29;
	s9 =	sadd.s32 $0x371800, s9  }
0xd: {  	s10 =	sadd.s32 $0x10A00, s10;
	s5 =	sshrl.u32 s26, $0x3;
	s8 =	smax.u32 s12, $0x1  }
0xe: {  	s12 =	simm.s32 $0x1;
	s13 =	sadd.s32 s5, s4;
	s4 =	sshll.u32 s1, $0x1  }
0xf: {  	s5 =	sadd.s32 $0xE2E00, s11;
	s11 =	sshrl.u32 s14, $0x3;
	s7 =	sadd.s32 $0xECC00, s13  }
.LBB2_1:
0x10: {  	[spmem:s11], [sflag:s6] =	dma.local [hbm:s5], $0x9C4  }
0x11: {  	_ =	swait.ge [sflag:s12], $0x9C4  }
0x12: {  	s13 =	sadd.s32 $0x0, s4;
	[sflag:s12] =	ssyncset.done $0x0  }
0x13: {  	p0 =	sgt.u32 s13, $0x4E1;
	[sflag:s12] =	ssyncadd.s32 $0xFFFFF63C  }
0x14: {  	s13 =	simm.s32 @!p0 $0x0;
	s15 =	simm.s32 @!p0 $0x2;
	[bflag:$0x0] =	sbarrier.arrive $0xFFFF  }
0x15: {  	[tilespmem:s13], [sflag:$0x2] =	stream.linear.gather @!p0 [hbm4b:s10+s13], $0x80, $0x38;
	[tilespmem:$0x5EA0] =	vst v63  }
0x16: {  	_ =	swait.ge @!p0 [sflag:s15], $0x80  }
0x17: {  	[sflag:s15] =	ssyncset.done @!p0 $0x0;
	p0 =	por p0, p0  }
0x18: {  	[sflag:s15] =	ssyncadd.s32 @!p0 $0xFFFFFF80;
	s17 =	simm.s32 @!p0 $0x80  }
0x19: {  	[tilespmem:s17], [sflag:$0x2] =	stream.linear.gather @!p0 [hbm4b:s9+s13], $0x1000, $0x38;
	[tilespmem:$0x5EA0] =	vst v63  }
0x1a: {  	_ =	swait.ge @!p0 [sflag:s15], $0x1000  }
0x1b: {  	[sflag:s15] =	ssyncset.done @!p0 $0x0  }
0x1c: {  	s31 =	sadd.s32 $0x20, s4;
	s16 =	simm.s32 @!p0 $0x1;
	[sflag:s15] =	ssyncadd.s32 @!p0 $0xFFFFF000  }
0x1d: {  	[spmem:s2] =	stream.indirect.scatter.add.f32 @!p0 [tilespmem:s17], [sflag:$0x1], $0x20, s13, s17, $0xb8;
	[tilespmem:$0x5EA0] =	vst v63  }
0x1e: {  	s14 =	simm.s32 $0x40;
	p1 =	sgt.u32 s31, $0x4E1;
	_ =	swait.ge @!p0 [sflag:s16], $0x1000  }
0x1f: {  	s15 =	sadd.s32 $0x200, s10;
	s13 =	sadd.s32 $0x4000, s9;
	[sflag:s16] =	ssyncset.done @!p0 $0x0  }
.LBB2_2:
0x20: {  	s17 =	simm.s32 @!p1 $0x0;
	s18 =	simm.s32 @!p1 $0x2;
	[sflag:s16] =	ssyncadd.s32 @!p0 $0xFFFFF000  }
0x21: {  	[tilespmem:s17], [sflag:$0x2] =	stream.linear.gather @!p1 [hbm4b:s15+s17], $0x80, $0x38;
	[tilespmem:$0x5EA0] =	vst v63  }
0x22: {  	s19 =	smov.u32 s14;
	s14 =	sadd.s32 $0x20, s14;
	_ =	swait.ge @!p1 [sflag:s18], $0x80  }
0x23: {  	p0 =	por p1, p1;
	p2 =	sne.s32 s14, $0x500;
	[sflag:s18] =	ssyncset.done @!p1 $0x0  }
0x24: {  	s20 =	simm.s32 @!p0 $0x80;
	[sflag:s18] =	ssyncadd.s32 @!p0 $0xFFFFFF80  }
0x25: {  	[tilespmem:s20], [sflag:$0x2] =	stream.linear.gather @!p0 [hbm4b:s13+s17], $0x1000, $0x38;
	[tilespmem:$0x5EA0] =	vst v63  }
0x26: {  	_ =	swait.ge @!p0 [sflag:s18], $0x1000  }
.Ltmp0:
0x27: {  	[sflag:s18] =	ssyncset.done @!p0 $0x0;
	(pc) =	sbr.rel @p2 .LBB2_2-.Ltmp0, $4  }
0x28: {  	s16 =	simm.s32 @!p0 $0x1;
	[sflag:s18] =	ssyncadd.s32 @!p0 $0xFFFFF000  }
0x29: {  	[spmem:s2] =	stream.indirect.scatter.add.f32 @!p0 [tilespmem:s20], [sflag:$0x1], $0x20, s17, s20, $0xb8;
	[tilespmem:$0x5EA0] =	vst v63  }
0x2a: {  	s15 =	sadd.s32 $0x200, s15;
	s17 =	sadd.s32 s19, s4;
	_ =	swait.ge @!p0 [sflag:s16], $0x1000  }
0x2b: {  	s13 =	sadd.s32 $0x4000, s13;
	p1 =	sgt.u32 s17, $0x4E1;
	[sflag:s16] =	ssyncset.done @!p0 $0x0  }
0x2c: {  	s14 =	simm.s32 @!p1 $0x0;
	s17 =	simm.s32 @!p1 $0x2;
	[sflag:s16] =	ssyncadd.s32 @!p0 $0xFFFFF000  }
0x2d: {  	[tilespmem:s14], [sflag:$0x2] =	stream.linear.gather @!p1 [hbm4b:s15+s14], $0x80, $0x38;
	[tilespmem:$0x5EA0] =	vst v63  }
0x2e: {  	_ =	swait.ge @!p1 [sflag:s17], $0x80  }
0x2f: {  	p0 =	por p1, p1;
	[sflag:s17] =	ssyncset.done @!p1 $0x0  }
0x30: {  	s15 =	simm.s32 @!p0 $0x80;
	[sflag:s17] =	ssyncadd.s32 @!p0 $0xFFFFFF80  }
0x31: {  	[tilespmem:s15], [sflag:$0x2] =	stream.linear.gather @!p0 [hbm4b:s13+s14], $0x1000, $0x38;
	[tilespmem:$0x5EA0] =	vst v63  }
0x32: {  	_ =	swait.ge @!p0 [sflag:s17], $0x1000  }
0x33: {  	[sflag:s17] =	ssyncset.done @!p0 $0x0  }
0x34: {  	s13 =	simm.s32 @!p0 $0x1;
	[sflag:s17] =	ssyncadd.s32 @!p0 $0xFFFFF000  }
0x35: {  	[spmem:s2] =	stream.indirect.scatter.add.f32 @!p0 [tilespmem:s15], [sflag:$0x1], $0x20, s14, s15, $0xb8;
	[tilespmem:$0x5EA0] =	vst v63  }
0x36: {  	_ =	swait.ge @!p0 [sflag:s13], $0x1000  }
0x37: {  	s3 =	sadd.s32 $0x1, s3;
	[sflag:s13] =	ssyncset.done @!p0 $0x0  }
0x38: {  	[sflag:s13] =	ssyncadd.s32 @!p0 $0xFFFFF000;
	p0 =	sne.s32 s3, s8  }
.Ltmp1:
0x39: {  	[bflag:$0x0] =	sbarrier.arrive $0xFFFF;
	(pc) =	sbr.rel @p0 .LBB2_1-.Ltmp1, $4  }
0x3a: {  	[hbm:s7], [sflag:s6] =	dma.local [spmem:s11], $0x9C4  }
0x3b: {  	_ =	swait.ge [sflag:s12], $0x9C4  }
0x3c: {  	[sflag:s12] =	ssyncset.done $0x0  }
0x3d: {  	[sflag:s12] =	ssyncadd.s32 $0xFFFFF63C  }
0x3e: {  	_ =	sfence.sel $0x180000  }
0x3f: {  	[bflag:$0x0] =	sbarrier.arrive $0xFFFF  }
0x40: {  	p0 =	sne.s32 s1, $0x0;
	_ =	strace $0x90000053  }
0x41: {  	s0 =	sadd.s32 @!p0 $0x100000, s0;
	[bflag:$0x2] =	sbarrier.arrive $0xFFFF  }
0x42: {  	[sflag:s0] =	ssyncadd.tile.s32 @!p0 $0x1;
	_ =	shalt  }
.Lfunc_end2:
_tile_overlayer_lowered:
.L_overlay_start_2:
0x43: {  	(tag) =	ssettag $0x2  }
0x44: {  	s0 =	rddreg [dreg:$0x0];
	s2 =	stileid.u32  }
0x45: {  	s1 =	rddreg [dreg:$0x1];
	p0 =	sne.s32 s2, $0x0  }
0x46: {  	s3 =	rddreg [dreg:$0x2];
	[bflag:$0x3] =	sbarrier.arrive $0xFFFF;
	s2 =	simm.s32 @!p0 $0x1C01  }
0x47: {  	[timem:s3], [sflag:s2] =	dma.local @!p0 [hbm:s0], s1  }
0x48: {  	s0 =	simm.s32 @!p0 $0x1  }
0x49: {  	_ =	swait.ge @!p0 [sflag:s0], s1  }
0x4a: {  	s1 =	ssub.s32 @!p0 $0x0, s1;
	[sflag:s0] =	ssyncset.done @!p0 $0x0  }
0x4b: {  	[sflag:s0] =	ssyncadd.s32 @!p0 s1  }
0x4c: {  	[bflag:$0x3] =	sbarrier.arrive $0xFFFF  }
0x4d: {  	_ =	shalt  }

// kernel: kernel.32.cloned.1.call-start
scs
__scs_entry_jumppad:
0x0: {  	(pc) =	sbr.rel $0x88, $3  }
0x1: {  	(tag) =	ssettag $0x0;
	lr =	simm.s32 $0x1  }
0x2: {  	[smem:$0x3F8B] =	sst lr;
	_ =	strace $0xD0000000  }
0x3: {  	_ = 	snop  }
0x4: {  	_ = 	snop  }
0x5: {  	_ = 	snop  }
0x6: {  	_ = 	snop  }
0x7: {  	_ = 	snop  }
__scs_overlays_trampoline_lowered:
0x8: {  	[smem:$0x3F9A] =	sst s0  }
0x9: {  	[smem:$0x3F9B] =	sst s1  }
0xa: {  	[smem:$0x3F9C] =	sst s2  }
0xb: {  	[smem:$0x3F9D] =	sst s3  }
0xc: {  	[smem:$0x3F9E] =	sst s4  }
0xd: {  	[smem:$0x3F9F] =	sst s5  }
0xe: {  	[smem:$0x3FA0] =	sst s6  }
0xf: {  	[smem:$0x3FA1] =	sst s7  }
0x10: {  	[smem:$0x3FA2] =	sst s8  }
0x11: {  	[smem:$0x3FA3] =	sst s9;
	s0 =	simm.s32 @!p0 $0x0  }
0x12: {  	s1 =	sld [smem:$0x3F89];
	s0 =	simm.s32 @p0 $0x1  }
0x13: {  	[smem:$0x3FA4] =	sst s0;
	s0 =	simm.s32 @!p1 $0x0  }
0x14: {  	s2 =	sld [smem:$0x3F88];
	s0 =	simm.s32 @p1 $0x1  }
0x15: {  	[smem:$0x3FA5] =	sst s0;
	s0 =	simm.s32 @!p2 $0x0  }
0x16: {  	s3 =	sld [smem:$0x3FDB];
	s0 =	simm.s32 @p2 $0x1  }
0x17: {  	s4 =	simm.s32 $0x1BF5;
	[smem:$0x3FA7] =	sst s0  }
0x18: {  	s0 =	sld [smem:$0x3F8A];
	_ =	swait.ge [sflag:s4], $0x0  }
0x19: {  	s7 =	sld [smem:$0x3F8B]  }
0x1a: {  	s8 =	sadd.s32 $0xFFFFE003, lr  }
0x1b: {  	s9 =	sadd.s32 $0xFFFFFEF7, lr;
	s5 =	simm.s32 $0xFFFFFFFF;
	p2 =	slt.u32 s8, $0xFFFFF086  }
0x1c: {  	p1 =	slt.u32 s9, $0xF7A;
	s5 =	simm.s32 @!p2 $0x0  }
0x1d: {  	s5 =	simm.s32 @p1 $0x1;
	p0 =	seq.s32 s7, s2  }
0x1e: {  	s7 =	smul.u32 @!p0 $0xF7A, s2;
	p2 =	seq.s32 @!p0 s5, $0x0  }
0x1f: {  	s9 =	smul.u32 $0xF7A, s1;
	s8 =	simm.s32 @!p0 $0x1BF5;
	p2 =	por !p2, p0  }
0x20: {  	[sflag:s8] =	ssyncset.s32 @!p0 $0xFFFFF086;
	s6 =	sadd.s32 @!p0 s3, s7;
	s7 =	simm.s32 @!p0 $0x108  }
0x21: {  	s3 =	sadd.s32 s3, s9;
	s6 =	sadd.s32 @!p0 $0x88, s6;
	s7 =	simm.s32 @p2 $0x1082  }
0x22: {  	[simem:s7], [sflag:s8] =	dma.local @!p0 [hbm:s6], $0xF7A  }
0x23: {  	s9 =	sor.u32 $0xD0000000, s2;
	s6 =	simm.s32 $0x108;
	_ =	swait.ge @!p0 [sflag:s8], $0x0  }
0x24: {  	s3 =	sadd.s32 $0x88, s3;
	s6 =	simm.s32 @!p1 $0x1082;
	[sflag:s4] =	ssyncset.s32 $0xFFFFF086  }
0x25: {  	[simem:s6], [sflag:s4] =	dma.local [hbm:s3], $0xF7A  }
0x26: {  	[smem:$0x3F8B] =	sst s1;
	(tag) =	ssettag s2;
	_ =	strace s9  }
0x27: {  	s1 =	sld [smem:$0x3F9B]  }
0x28: {  	s2 =	sld [smem:$0x3F9C]  }
0x29: {  	s4 =	sld [smem:$0x3F9E]  }
0x2a: {  	p0 =	seq.s32 s5, $0x0;
	s5 =	sld [smem:$0x3F9F]  }
0x2b: {  	s6 =	sld [smem:$0x3FA0]  }
0x2c: {  	s7 =	sld [smem:$0x3FA1]  }
0x2d: {  	s3 =	simm.s32 $0x108;
	s8 =	sld [smem:$0x3FA2]  }
0x2e: {  	s3 =	simm.s32 @!p0 $0x1082;
	s9 =	sld [smem:$0x3FA3]  }
0x2f: {  	lr =	sadd.s32 s0, s3;
	s0 =	sld [smem:$0x3F9A]  }
0x30: {  	s3 =	sld [smem:$0x3F9D]  }
0x31: {  	[smem:$0x3FA6] =	sst s10  }
0x32: {  	s10 =	sld [smem:$0x3FA4];
	_ =	sdelay $0x3  }
0x33: {  	p0 =	seq.s32 s10, $0x1;
	s10 =	sld [smem:$0x3FA6];
	_ =	sdelay $0x3  }
0x34: {  	[smem:$0x3FA6] =	sst s10  }
0x35: {  	s10 =	sld [smem:$0x3FA5];
	_ =	sdelay $0x3  }
0x36: {  	p1 =	seq.s32 s10, $0x1;
	s10 =	sld [smem:$0x3FA6];
	_ =	sdelay $0x3  }
0x37: {  	[smem:$0x3FA6] =	sst s10  }
0x38: {  	s10 =	sld [smem:$0x3FA7]  }
0x39: {  	_ = 	snop;
	(pc) =	sbr.ind lr, $3  }
0x3a: {  	_ = 	snop  }
0x3b: {  	_ = 	snop  }
0x3c: {  	p2 =	seq.s32 s10, $0x1;
	s10 =	sld [smem:$0x3FA6]  }
0x3d: {  	_ =	shalt  }
0x3e: {  	_ =	shalt  }
0x3f: {  	_ =	shalt  }
0x40: {  	_ =	shalt  }
0x41: {  	_ =	shalt  }
0x42: {  	_ =	shalt  }
0x43: {  	_ =	shalt  }
0x44: {  	_ =	shalt  }
0x45: {  	_ =	shalt  }
0x46: {  	_ =	shalt  }
0x47: {  	_ =	shalt  }
0x48: {  	_ =	shalt  }
0x49: {  	_ =	shalt  }
0x4a: {  	_ =	shalt  }
0x4b: {  	_ =	shalt  }
0x4c: {  	_ =	shalt  }
0x4d: {  	_ =	shalt  }
0x4e: {  	_ =	shalt  }
0x4f: {  	_ =	shalt  }
0x50: {  	_ =	shalt  }
0x51: {  	_ =	shalt  }
0x52: {  	_ =	shalt  }
0x53: {  	_ =	shalt  }
0x54: {  	_ =	shalt  }
0x55: {  	_ =	shalt  }
0x56: {  	_ =	shalt  }
0x57: {  	_ =	shalt  }
0x58: {  	_ =	shalt  }
0x59: {  	_ =	shalt  }
0x5a: {  	_ =	shalt  }
0x5b: {  	_ =	shalt  }
0x5c: {  	_ =	shalt  }
0x5d: {  	_ =	shalt  }
0x5e: {  	_ =	shalt  }
0x5f: {  	_ =	shalt  }
0x60: {  	_ =	shalt  }
0x61: {  	_ =	shalt  }
0x62: {  	_ =	shalt  }
0x63: {  	_ =	shalt  }
0x64: {  	_ =	shalt  }
0x65: {  	_ =	shalt  }
0x66: {  	_ =	shalt  }
0x67: {  	_ =	shalt  }
0x68: {  	_ =	shalt  }
0x69: {  	_ =	shalt  }
0x6a: {  	_ =	shalt  }
0x6b: {  	_ =	shalt  }
0x6c: {  	_ =	shalt  }
0x6d: {  	_ =	shalt  }
0x6e: {  	_ =	shalt  }
0x6f: {  	_ =	shalt  }
0x70: {  	_ =	shalt  }
0x71: {  	_ =	shalt  }
0x72: {  	_ =	shalt  }
0x73: {  	_ =	shalt  }
0x74: {  	_ =	shalt  }
0x75: {  	_ =	shalt  }
0x76: {  	_ =	shalt  }
0x77: {  	_ =	shalt  }
0x78: {  	_ =	shalt  }
0x79: {  	_ =	shalt  }
0x7a: {  	_ =	shalt  }
0x7b: {  	_ =	shalt  }
0x7c: {  	_ =	shalt  }
0x7d: {  	_ =	shalt  }
0x7e: {  	_ =	shalt  }
0x7f: {  	_ =	shalt  }
0x80: {  	_ =	shalt  }
0x81: {  	_ =	shalt  }
0x82: {  	_ =	shalt  }
0x83: {  	_ =	shalt  }
0x84: {  	_ =	shalt  }
0x85: {  	_ =	shalt  }
0x86: {  	_ =	shalt  }
0x87: {  	_ =	shalt  }
.Lfunc_end0:
.L_simem_size_0:
called_computation.5_lowered:
.L_overlay_start_0:
0x88: {  	s2 =	sld [smem:$0x3FD9]  }
0x89: {  	s3 =	sld [smem:$0x3FFE];
	_ =	sdelay $0x1  }
0x8a: {  	s1 =	srdreg.scid  }
0x8b: {  	s0 =	sand.u32 $0x1, s1  }
0x8c: {  	s16 =	sshll.u32 s0, $0xA;
	s2 =	sadd.s32 s3, s2  }
0x8d: {  	s2 =	sadd.s32 s2, s16  }
0x8e: {  	[smem:$0x3FB2] =	sst s2  }
0x8f: {  	_ = 	snop  }
0x90: {  	(tm) =	ssettm $0x1  }
0x91: {  	s17 =	sld [smem:$0x3FFB];
	_ =	sdelay $0x3  }
0x92: {  	_ =	strace s17  }
0x93: {  	s2 =	sld [smem:$0x3FFC];
	_ =	sdelay $0x3  }
0x94: {  	_ =	strace s2  }
0x95: {  	s2 =	sld [smem:$0x3FFD];
	_ =	sdelay $0x3  }
0x96: {  	_ =	strace s2  }
0x97: {  	_ =	strace $0x8FFFFFFF  }
0x98: {  	s18 =	sld [smem:$0x3FDB];
	_ =	sdelay $0x1  }
0x99: {  	s19 =	simm.s32 $_scs_section_size  }
0x9a: {  	s4 =	simm.s32 $_size__tile_overlayer_lowered;
	s5 =	simm.s32 $_tile_overlayer_lowered  }
0x9b: {  	s22 =	simm.s32 $0x1BFF;
	s21 =	sshll.u32 s5, $0x1;
	s2 =	sadd.s32 s19, s18  }
0x9c: {  	s6 =	simm.s32 $0x0;
	s20 =	sshll.u32 s4, $0x1;
	s4 =	sadd.s32 s21, s2  }
0x9d: {  	[timem:s6], [sflag:s22] =	dma.local [hbm:s4], s20  }
0x9e: {  	_ =	swait.ge [sflag:s22], s20  }
0x9f: {  	s3 =	ssub.s32 $0x0, s20;
	[sflag:s22] =	ssyncset.done $0x0  }
0xa0: {  	[sflag:s22] =	ssyncadd.s32 s3;
	_ =	sdelay $0x1  }
0xa1: {  	s23 =	simm.s32 $0x1B8B  }
0xa2: {  	_ =	swait.ge [sflag:s23], $0x1  }
0xa3: {  	[sflag:s23] =	ssyncset.done $0x0  }
0xa4: {  	s25 =	simm.s32 $0x1B8E;
	s24 =	sld [smem:$0x3FFE];
	[sflag:s23] =	ssyncadd.s32 $0xFFFFFFFF  }
0xa5: {  	s26 =	simm.s32 $execute0_lowered;
	[smem:$0x3FD2] =	sst s25  }
0xa6: {  	s4 =	sshll.u32 s26, $0x1;
	_ =	strace $0x80000055;
	[dreg:$0x1] =	wrdreg $0xFFFFFFFF  }
0xa7: {  	s28 =	simm.s32 $_size_execute0_lowered;
	s2 =	sadd.s32 s2, s4;
	[dreg:$0x0] =	wrdreg $0x0  }
0xa8: {  	s4 =	sshll.u32 s28, $0x1;
	[dreg:$0x2] =	wrdreg s2  }
0xa9: {  	[dreg:$0x3] =	wrdreg s4  }
0xaa: {  	[dreg:$0x4] =	wrdreg $0xC0  }
0xab: {  	_ =	task [dreg:s6], $0x5FFFF  }
0xac: {  	[dreg:$0x1] =	wrdreg $0xFFFFFFFF  }
0xad: {  	[dreg:$0x0] =	wrdreg $0x60  }
0xae: {  	[dreg:$0x2] =	wrdreg s24  }
0xaf: {  	[dreg:$0x3] =	wrdreg $0x9  }
0xb0: {  	_ =	task.clear_ibuf [dreg:s6], $0x4FFFF;
	_ =	strace $0x90000055  }
0xb1: {  	s29 =	simm.s32 $0x9;
	_ =	strace $0x80000057  }
0xb2: {  	_ =	swait.ge [sflag:s29], $0x1  }
0xb3: {  	[sflag:s29] =	ssyncadd.s32 $0xFFFFFFFF  }
0xb4: {  	_ =	strace $0x90000057  }
0xb5: {  	_ =	sfence  }
0xb6: {  	s30 =	sld [smem:$0x0];
	_ =	sdelay $0x2  }
0xb7: {  	s31 =	sshll.u32 s1, $0xD;
	s1 =	sshrl.u32 s1, $0x2  }
0xb8: {  	s3 =	sand.u32 $0x4000, s31;
	s1 =	sadd.s32 s1, s30  }
0xb9: {  	s0 =	sor.u32 s3, s0;
	s1 =	sshll.u32 s1, $0x11  }
0xba: {  	s0 =	sor.u32 s1, s0  }
0xbb: {  	s0 =	sadd.s32 $0x8F2B, s0  }
0xbc: {  	[sflag:s0] =	ssyncadd.remote.s32 $0x1  }
0xbd: {  	_ =	sfence.sel $0xFFFF  }
0xbe: {  	[dreg:$0x0] =	wrdreg $0xFFFFFFFF;
	(pc) =	sbr.abs _section_cstart, $3  }
0xbf: {  	[dreg:$0x1] =	wrdreg $0xFFFFFFFF  }
0xc0: {  	_ =	task.clear_ibuf [dreg:s6], $0x2FFFF;
	_ =	strace $0x9FFFFFFF  }
0xc1: {  	(tm) =	ssettm $0x7FFFFFFF  }
tec
execute0_lowered:
.L_overlay_start_1:
0x0: {  	(tag) =	ssettag $0x1  }
0x1: {  	s4 =	rddreg [dreg:$0x0]  }
0x2: {  	s0 =	rddreg [dreg:$0x1];
	s1 =	simm.s32 $0x0;
	s5 =	srdreg.scid  }
0x3: {  	s2 =	stileid.u32;
	[smem:$0x7FF] =	sst s1  }
0x4: {  	s3 =	sadd.s32 $0xECC00, s4;
	s5 =	sand.u32 $0x1, s5;
	s6 =	sshll.u32 s2, $0x5  }
0x5: {  	s7 =	sshll.u32 s2, $0xA;
	_ =	strace $0x80000056;
	s8 =	ssub.s32 $0x2, s5  }
0x6: {  	s6 =	sadd.s32 s6, s4;
	s7 =	sadd.s32 s7, s4;
	s9 =	sshll.u32 s5, $0x9  }
0x7: {  	s5 =	sshll.u32 s5, $0x4;
	s4 =	sshll.u32 s2, $0x1;
	s30 =	sshrl.u32 s8, $0x1  }
0x8: {  	s7 =	sadd.s32 s9, s7;
	s31 =	sadd.s32 s5, s6;
	s8 =	ssub.s32 s8, s30  }
0x9: {  	s6 =	sadd.s32 $0x371800, s7;
	s7 =	sadd.s32 $0xBA00, s31;
	s5 =	smax.u32 s8, $0x1  }
.LBB2_1:
0xa: {  	s8 =	sadd.s32 $0x0, s4  }
0xb: {  	p0 =	sgt.u32 s8, $0x4E1  }
0xc: {  	s8 =	simm.s32 @!p0 $0x0;
	s9 =	simm.s32 @!p0 $0x3  }
0xd: {  	[tilespmem:s8], [sflag:$0x3] =	stream.linear.gather @!p0 [hbm4b:s7+s8], $0x80, $0x38;
	[tilespmem:$0x1080] =	vst v63  }
0xe: {  	_ =	swait.ge @!p0 [sflag:s9], $0x80  }
0xf: {  	[sflag:s9] =	ssyncset.done @!p0 $0x0;
	p0 =	por p0, p0  }
0x10: {  	[sflag:s9] =	ssyncadd.s32 @!p0 $0xFFFFFF80;
	s10 =	simm.s32 @!p0 $0x80;
	s11 =	simm.s32 @!p0 $0x1  }
0x11: {  	[tilespmem:s10], [sflag:$0x1] =	stream.indirect.gather @!p0 [hbm4b:s3+s10], $0x20, s8, s10, $0xb8;
	[tilespmem:$0x1080] =	vst v63  }
0x12: {  	_ =	swait.ge @!p0 [sflag:s11], $0x1000  }
0x13: {  	[sflag:s11] =	ssyncset.done @!p0 $0x0  }
0x14: {  	s31 =	sadd.s32 $0x20, s4;
	[sflag:s11] =	ssyncadd.s32 @!p0 $0xFFFFF000;
	s11 =	simm.s32 @!p0 $0x2  }
0x15: {  	[hbm4b:s6+s8] =	stream.linear.scatter @!p0 [tilespmem:s10], [sflag:$0x2], $0x1000, $0x38;
	[tilespmem:$0x1080] =	vst v63  }
0x16: {  	p1 =	sgt.u32 s31, $0x4E1;
	s9 =	simm.s32 $0x40;
	_ =	swait.ge @!p0 [sflag:s11], $0x1000  }
0x17: {  	s10 =	sadd.s32 $0x200, s7;
	s8 =	sadd.s32 $0x4000, s6;
	[sflag:s11] =	ssyncset.done @!p0 $0x0  }
.LBB2_2:
0x18: {  	s12 =	simm.s32 @!p1 $0x0;
	s13 =	simm.s32 @!p1 $0x3;
	[sflag:s11] =	ssyncadd.s32 @!p0 $0xFFFFF000  }
0x19: {  	[tilespmem:s12], [sflag:$0x3] =	stream.linear.gather @!p1 [hbm4b:s10+s12], $0x80, $0x38;
	[tilespmem:$0x1080] =	vst v63  }
0x1a: {  	s14 =	smov.u32 s9;
	s9 =	sadd.s32 $0x20, s9;
	_ =	swait.ge @!p1 [sflag:s13], $0x80  }
0x1b: {  	p0 =	por p1, p1;
	p2 =	sne.s32 s9, $0x500;
	[sflag:s13] =	ssyncset.done @!p1 $0x0  }
0x1c: {  	s11 =	simm.s32 @!p0 $0x1;
	[sflag:s13] =	ssyncadd.s32 @!p0 $0xFFFFFF80;
	s13 =	simm.s32 @!p0 $0x80  }
0x1d: {  	[tilespmem:s13], [sflag:$0x1] =	stream.indirect.gather @!p0 [hbm4b:s3+s13], $0x20, s12, s13, $0xb8;
	[tilespmem:$0x1080] =	vst v63  }
0x1e: {  	_ =	swait.ge @!p0 [sflag:s11], $0x1000  }
.Ltmp0:
0x1f: {  	[sflag:s11] =	ssyncset.done @!p0 $0x0;
	(pc) =	sbr.rel @p2 .LBB2_2-.Ltmp0, $4  }
0x20: {  	[sflag:s11] =	ssyncadd.s32 @!p0 $0xFFFFF000;
	s11 =	simm.s32 @!p0 $0x2  }
0x21: {  	[hbm4b:s8+s12] =	stream.linear.scatter @!p0 [tilespmem:s13], [sflag:$0x2], $0x1000, $0x38;
	[tilespmem:$0x1080] =	vst v63  }
0x22: {  	s10 =	sadd.s32 $0x200, s10;
	s12 =	sadd.s32 s14, s4;
	_ =	swait.ge @!p0 [sflag:s11], $0x1000  }
0x23: {  	s8 =	sadd.s32 $0x4000, s8;
	p1 =	sgt.u32 s12, $0x4E1;
	[sflag:s11] =	ssyncset.done @!p0 $0x0  }
0x24: {  	s9 =	simm.s32 @!p1 $0x0;
	s12 =	simm.s32 @!p1 $0x3;
	[sflag:s11] =	ssyncadd.s32 @!p0 $0xFFFFF000  }
0x25: {  	[tilespmem:s9], [sflag:$0x3] =	stream.linear.gather @!p1 [hbm4b:s10+s9], $0x80, $0x38;
	[tilespmem:$0x1080] =	vst v63  }
0x26: {  	_ =	swait.ge @!p1 [sflag:s12], $0x80  }
0x27: {  	p0 =	por p1, p1;
	[sflag:s12] =	ssyncset.done @!p1 $0x0  }
0x28: {  	s10 =	simm.s32 @!p0 $0x80;
	s11 =	simm.s32 @!p0 $0x1;
	[sflag:s12] =	ssyncadd.s32 @!p0 $0xFFFFFF80  }
0x29: {  	[tilespmem:s10], [sflag:$0x1] =	stream.indirect.gather @!p0 [hbm4b:s3+s10], $0x20, s9, s10, $0xb8;
	[tilespmem:$0x1080] =	vst v63  }
0x2a: {  	s1 =	sadd.s32 $0x1, s1;
	_ =	swait.ge @!p0 [sflag:s11], $0x1000  }
0x2b: {  	p1 =	sne.s32 s1, s5;
	[sflag:s11] =	ssyncset.done @!p0 $0x0  }
.Ltmp1:
0x2c: {  	[sflag:s11] =	ssyncadd.s32 @!p0 $0xFFFFF000;
	s11 =	simm.s32 @!p0 $0x2;
	(pc) =	sbr.rel @p1 .LBB2_1-.Ltmp1, $4  }
0x2d: {  	[hbm4b:s8+s9] =	stream.linear.scatter @!p0 [tilespmem:s10], [sflag:$0x2], $0x1000, $0x38;
	[tilespmem:$0x1080] =	vst v63  }
0x2e: {  	_ =	swait.ge @!p0 [sflag:s11], $0x1000  }
0x2f: {  	[sflag:s11] =	ssyncset.done @!p0 $0x0  }
0x30: {  	[sflag:s11] =	ssyncadd.s32 @!p0 $0xFFFFF000  }
0x31: {  	_ =	sfence.sel $0x180000  }
0x32: {  	[bflag:$0x0] =	sbarrier.arrive $0xFFFF  }
0x33: {  	p0 =	sne.s32 s2, $0x0;
	_ =	strace $0x90000056  }
0x34: {  	s0 =	sadd.s32 @!p0 $0x100000, s0;
	[bflag:$0x2] =	sbarrier.arrive $0xFFFF  }
0x35: {  	[sflag:s0] =	ssyncadd.tile.s32 @!p0 $0x1;
	_ =	shalt  }
.Lfunc_end2:
_tile_overlayer_lowered:
.L_overlay_start_2:
0x36: {  	(tag) =	ssettag $0x2  }
0x37: {  	s0 =	rddreg [dreg:$0x0];
	s2 =	stileid.u32  }
0x38: {  	s1 =	rddreg [dreg:$0x1];
	p0 =	sne.s32 s2, $0x0  }
0x39: {  	s3 =	rddreg [dreg:$0x2];
	[bflag:$0x3] =	sbarrier.arrive $0xFFFF;
	s2 =	simm.s32 @!p0 $0x1C02  }
0x3a: {  	[timem:s3], [sflag:s2] =	dma.local @!p0 [hbm:s0], s1  }
0x3b: {  	s0 =	simm.s32 @!p0 $0x2  }
0x3c: {  	_ =	swait.ge @!p0 [sflag:s0], s1  }
0x3d: {  	s1 =	ssub.s32 @!p0 $0x0, s1;
	[sflag:s0] =	ssyncset.done @!p0 $0x0  }
0x3e: {  	[sflag:s0] =	ssyncadd.s32 @!p0 s1  }
0x3f: {  	[bflag:$0x3] =	sbarrier.arrive $0xFFFF  }
0x40: {  	_ =	shalt  }

// kernel: kernel.35.cloned.1.call-start
scs
__scs_entry_jumppad:
0x0: {  	(pc) =	sbr.rel $0x88, $3  }
0x1: {  	(tag) =	ssettag $0x0;
	lr =	simm.s32 $0x1  }
0x2: {  	[smem:$0x3F8B] =	sst lr;
	_ =	strace $0xD0000000  }
0x3: {  	_ = 	snop  }
0x4: {  	_ = 	snop  }
0x5: {  	_ = 	snop  }
0x6: {  	_ = 	snop  }
0x7: {  	_ = 	snop  }
__scs_overlays_trampoline_lowered:
0x8: {  	[smem:$0x3F9A] =	sst s0  }
0x9: {  	[smem:$0x3F9B] =	sst s1  }
0xa: {  	[smem:$0x3F9C] =	sst s2  }
0xb: {  	[smem:$0x3F9D] =	sst s3  }
0xc: {  	[smem:$0x3F9E] =	sst s4  }
0xd: {  	[smem:$0x3F9F] =	sst s5  }
0xe: {  	[smem:$0x3FA0] =	sst s6  }
0xf: {  	[smem:$0x3FA1] =	sst s7  }
0x10: {  	[smem:$0x3FA2] =	sst s8  }
0x11: {  	[smem:$0x3FA3] =	sst s9;
	s0 =	simm.s32 @!p0 $0x0  }
0x12: {  	s1 =	sld [smem:$0x3F89];
	s0 =	simm.s32 @p0 $0x1  }
0x13: {  	[smem:$0x3FA4] =	sst s0;
	s0 =	simm.s32 @!p1 $0x0  }
0x14: {  	s2 =	sld [smem:$0x3F88];
	s0 =	simm.s32 @p1 $0x1  }
0x15: {  	[smem:$0x3FA5] =	sst s0;
	s0 =	simm.s32 @!p2 $0x0  }
0x16: {  	s3 =	sld [smem:$0x3FDB];
	s0 =	simm.s32 @p2 $0x1  }
0x17: {  	s4 =	simm.s32 $0x1BF5;
	[smem:$0x3FA7] =	sst s0  }
0x18: {  	s0 =	sld [smem:$0x3F8A];
	_ =	swait.ge [sflag:s4], $0x0  }
0x19: {  	s7 =	sld [smem:$0x3F8B]  }
0x1a: {  	s8 =	sadd.s32 $0xFFFFE003, lr  }
0x1b: {  	s9 =	sadd.s32 $0xFFFFFEF7, lr;
	s5 =	simm.s32 $0xFFFFFFFF;
	p2 =	slt.u32 s8, $0xFFFFF086  }
0x1c: {  	p1 =	slt.u32 s9, $0xF7A;
	s5 =	simm.s32 @!p2 $0x0  }
0x1d: {  	s5 =	simm.s32 @p1 $0x1;
	p0 =	seq.s32 s7, s2  }
0x1e: {  	s7 =	smul.u32 @!p0 $0xF7A, s2;
	p2 =	seq.s32 @!p0 s5, $0x0  }
0x1f: {  	s9 =	smul.u32 $0xF7A, s1;
	s8 =	simm.s32 @!p0 $0x1BF5;
	p2 =	por !p2, p0  }
0x20: {  	[sflag:s8] =	ssyncset.s32 @!p0 $0xFFFFF086;
	s6 =	sadd.s32 @!p0 s3, s7;
	s7 =	simm.s32 @!p0 $0x108  }
0x21: {  	s3 =	sadd.s32 s3, s9;
	s6 =	sadd.s32 @!p0 $0x88, s6;
	s7 =	simm.s32 @p2 $0x1082  }
0x22: {  	[simem:s7], [sflag:s8] =	dma.local @!p0 [hbm:s6], $0xF7A  }
0x23: {  	s9 =	sor.u32 $0xD0000000, s2;
	s6 =	simm.s32 $0x108;
	_ =	swait.ge @!p0 [sflag:s8], $0x0  }
0x24: {  	s3 =	sadd.s32 $0x88, s3;
	s6 =	simm.s32 @!p1 $0x1082;
	[sflag:s4] =	ssyncset.s32 $0xFFFFF086  }
0x25: {  	[simem:s6], [sflag:s4] =	dma.local [hbm:s3], $0xF7A  }
0x26: {  	[smem:$0x3F8B] =	sst s1;
	(tag) =	ssettag s2;
	_ =	strace s9  }
0x27: {  	s1 =	sld [smem:$0x3F9B]  }
0x28: {  	s2 =	sld [smem:$0x3F9C]  }
0x29: {  	s4 =	sld [smem:$0x3F9E]  }
0x2a: {  	p0 =	seq.s32 s5, $0x0;
	s5 =	sld [smem:$0x3F9F]  }
0x2b: {  	s6 =	sld [smem:$0x3FA0]  }
0x2c: {  	s7 =	sld [smem:$0x3FA1]  }
0x2d: {  	s3 =	simm.s32 $0x108;
	s8 =	sld [smem:$0x3FA2]  }
0x2e: {  	s3 =	simm.s32 @!p0 $0x1082;
	s9 =	sld [smem:$0x3FA3]  }
0x2f: {  	lr =	sadd.s32 s0, s3;
	s0 =	sld [smem:$0x3F9A]  }
0x30: {  	s3 =	sld [smem:$0x3F9D]  }
0x31: {  	[smem:$0x3FA6] =	sst s10  }
0x32: {  	s10 =	sld [smem:$0x3FA4];
	_ =	sdelay $0x3  }
0x33: {  	p0 =	seq.s32 s10, $0x1;
	s10 =	sld [smem:$0x3FA6];
	_ =	sdelay $0x3  }
0x34: {  	[smem:$0x3FA6] =	sst s10  }
0x35: {  	s10 =	sld [smem:$0x3FA5];
	_ =	sdelay $0x3  }
0x36: {  	p1 =	seq.s32 s10, $0x1;
	s10 =	sld [smem:$0x3FA6];
	_ =	sdelay $0x3  }
0x37: {  	[smem:$0x3FA6] =	sst s10  }
0x38: {  	s10 =	sld [smem:$0x3FA7]  }
0x39: {  	_ = 	snop;
	(pc) =	sbr.ind lr, $3  }
0x3a: {  	_ = 	snop  }
0x3b: {  	_ = 	snop  }
0x3c: {  	p2 =	seq.s32 s10, $0x1;
	s10 =	sld [smem:$0x3FA6]  }
0x3d: {  	_ =	shalt  }
0x3e: {  	_ =	shalt  }
0x3f: {  	_ =	shalt  }
0x40: {  	_ =	shalt  }
0x41: {  	_ =	shalt  }
0x42: {  	_ =	shalt  }
0x43: {  	_ =	shalt  }
0x44: {  	_ =	shalt  }
0x45: {  	_ =	shalt  }
0x46: {  	_ =	shalt  }
0x47: {  	_ =	shalt  }
0x48: {  	_ =	shalt  }
0x49: {  	_ =	shalt  }
0x4a: {  	_ =	shalt  }
0x4b: {  	_ =	shalt  }
0x4c: {  	_ =	shalt  }
0x4d: {  	_ =	shalt  }
0x4e: {  	_ =	shalt  }
0x4f: {  	_ =	shalt  }
0x50: {  	_ =	shalt  }
0x51: {  	_ =	shalt  }
0x52: {  	_ =	shalt  }
0x53: {  	_ =	shalt  }
0x54: {  	_ =	shalt  }
0x55: {  	_ =	shalt  }
0x56: {  	_ =	shalt  }
0x57: {  	_ =	shalt  }
0x58: {  	_ =	shalt  }
0x59: {  	_ =	shalt  }
0x5a: {  	_ =	shalt  }
0x5b: {  	_ =	shalt  }
0x5c: {  	_ =	shalt  }
0x5d: {  	_ =	shalt  }
0x5e: {  	_ =	shalt  }
0x5f: {  	_ =	shalt  }
0x60: {  	_ =	shalt  }
0x61: {  	_ =	shalt  }
0x62: {  	_ =	shalt  }
0x63: {  	_ =	shalt  }
0x64: {  	_ =	shalt  }
0x65: {  	_ =	shalt  }
0x66: {  	_ =	shalt  }
0x67: {  	_ =	shalt  }
0x68: {  	_ =	shalt  }
0x69: {  	_ =	shalt  }
0x6a: {  	_ =	shalt  }
0x6b: {  	_ =	shalt  }
0x6c: {  	_ =	shalt  }
0x6d: {  	_ =	shalt  }
0x6e: {  	_ =	shalt  }
0x6f: {  	_ =	shalt  }
0x70: {  	_ =	shalt  }
0x71: {  	_ =	shalt  }
0x72: {  	_ =	shalt  }
0x73: {  	_ =	shalt  }
0x74: {  	_ =	shalt  }
0x75: {  	_ =	shalt  }
0x76: {  	_ =	shalt  }
0x77: {  	_ =	shalt  }
0x78: {  	_ =	shalt  }
0x79: {  	_ =	shalt  }
0x7a: {  	_ =	shalt  }
0x7b: {  	_ =	shalt  }
0x7c: {  	_ =	shalt  }
0x7d: {  	_ =	shalt  }
0x7e: {  	_ =	shalt  }
0x7f: {  	_ =	shalt  }
0x80: {  	_ =	shalt  }
0x81: {  	_ =	shalt  }
0x82: {  	_ =	shalt  }
0x83: {  	_ =	shalt  }
0x84: {  	_ =	shalt  }
0x85: {  	_ =	shalt  }
0x86: {  	_ =	shalt  }
0x87: {  	_ =	shalt  }
.Lfunc_end0:
.L_simem_size_0:
called_computation.6_lowered:
.L_overlay_start_0:
0x88: {  	s2 =	sld [smem:$0x3FD9]  }
0x89: {  	s3 =	sld [smem:$0x3FFE];
	_ =	sdelay $0x1  }
0x8a: {  	s1 =	srdreg.scid  }
0x8b: {  	s0 =	sand.u32 $0x1, s1  }
0x8c: {  	s16 =	sshll.u32 s0, $0xA;
	s2 =	sadd.s32 s3, s2  }
0x8d: {  	s2 =	sadd.s32 s2, s16  }
0x8e: {  	[smem:$0x3FB2] =	sst s2  }
0x8f: {  	_ = 	snop  }
0x90: {  	(tm) =	ssettm $0x1  }
0x91: {  	s17 =	sld [smem:$0x3FFB];
	_ =	sdelay $0x3  }
0x92: {  	_ =	strace s17  }
0x93: {  	s2 =	sld [smem:$0x3FFC];
	_ =	sdelay $0x3  }
0x94: {  	_ =	strace s2  }
0x95: {  	s2 =	sld [smem:$0x3FFD];
	_ =	sdelay $0x3  }
0x96: {  	_ =	strace s2  }
0x97: {  	_ =	strace $0x8FFFFFFF  }
0x98: {  	s18 =	sld [smem:$0x3FDB];
	_ =	sdelay $0x1  }
0x99: {  	s19 =	simm.s32 $_scs_section_size  }
0x9a: {  	s4 =	simm.s32 $_size__tile_overlayer_lowered;
	s5 =	simm.s32 $_tile_overlayer_lowered  }
0x9b: {  	s22 =	simm.s32 $0x1BFF;
	s21 =	sshll.u32 s5, $0x1;
	s2 =	sadd.s32 s19, s18  }
0x9c: {  	s6 =	simm.s32 $0x0;
	s20 =	sshll.u32 s4, $0x1;
	s4 =	sadd.s32 s21, s2  }
0x9d: {  	[timem:s6], [sflag:s22] =	dma.local [hbm:s4], s20  }
0x9e: {  	_ =	swait.ge [sflag:s22], s20  }
0x9f: {  	s3 =	ssub.s32 $0x0, s20;
	[sflag:s22] =	ssyncset.done $0x0  }
0xa0: {  	[sflag:s22] =	ssyncadd.s32 s3;
	_ =	sdelay $0x1  }
0xa1: {  	s23 =	simm.s32 $0x1B8B  }
0xa2: {  	_ =	swait.ge [sflag:s23], $0x1  }
0xa3: {  	[sflag:s23] =	ssyncset.done $0x0  }
0xa4: {  	s25 =	simm.s32 $0x1B8E;
	s24 =	sld [smem:$0x3FFE];
	[sflag:s23] =	ssyncadd.s32 $0xFFFFFFFF  }
0xa5: {  	s26 =	simm.s32 $execute0_lowered;
	[smem:$0x3FD2] =	sst s25  }
0xa6: {  	s4 =	sshll.u32 s26, $0x1;
	_ =	strace $0x80000058;
	[dreg:$0x1] =	wrdreg $0xFFFFFFFF  }
0xa7: {  	s28 =	simm.s32 $_size_execute0_lowered;
	s2 =	sadd.s32 s2, s4;
	[dreg:$0x0] =	wrdreg $0x0  }
0xa8: {  	s4 =	sshll.u32 s28, $0x1;
	[dreg:$0x2] =	wrdreg s2  }
0xa9: {  	[dreg:$0x3] =	wrdreg s4  }
0xaa: {  	[dreg:$0x4] =	wrdreg $0xC0  }
0xab: {  	_ =	task [dreg:s6], $0x5FFFF  }
0xac: {  	[dreg:$0x1] =	wrdreg $0xFFFFFFFF  }
0xad: {  	[dreg:$0x0] =	wrdreg $0x60  }
0xae: {  	[dreg:$0x2] =	wrdreg s24  }
0xaf: {  	[dreg:$0x3] =	wrdreg $0x10800  }
0xb0: {  	[dreg:$0x4] =	wrdreg $0x9  }
0xb1: {  	_ =	task.clear_ibuf [dreg:s6], $0x5FFFF;
	_ =	strace $0x90000058  }
0xb2: {  	s29 =	simm.s32 $0x9;
	_ =	strace $0x8000005A  }
0xb3: {  	_ =	swait.ge [sflag:s29], $0x1  }
0xb4: {  	[sflag:s29] =	ssyncadd.s32 $0xFFFFFFFF  }
0xb5: {  	_ =	strace $0x9000005A  }
0xb6: {  	_ =	sfence  }
0xb7: {  	s30 =	sld [smem:$0x0];
	_ =	sdelay $0x2  }
0xb8: {  	s31 =	sshll.u32 s1, $0xD;
	s1 =	sshrl.u32 s1, $0x2  }
0xb9: {  	s3 =	sand.u32 $0x4000, s31;
	s1 =	sadd.s32 s1, s30  }
0xba: {  	s0 =	sor.u32 s3, s0;
	s1 =	sshll.u32 s1, $0x11  }
0xbb: {  	s0 =	sor.u32 s1, s0  }
0xbc: {  	s0 =	sadd.s32 $0x8F2B, s0  }
0xbd: {  	[sflag:s0] =	ssyncadd.remote.s32 $0x1  }
0xbe: {  	_ =	sfence.sel $0xFFFF  }
0xbf: {  	[dreg:$0x0] =	wrdreg $0xFFFFFFFF;
	(pc) =	sbr.abs _section_cstart, $3  }
0xc0: {  	[dreg:$0x1] =	wrdreg $0xFFFFFFFF  }
0xc1: {  	_ =	task.clear_ibuf [dreg:s6], $0x2FFFF;
	_ =	strace $0x9FFFFFFF  }
0xc2: {  	(tm) =	ssettm $0x7FFFFFFF  }
0xc3: {  	_ =	shalt  }
tec
execute0_lowered:
.L_overlay_start_1:
0x0: {  	(tag) =	ssettag $0x1  }
0x1: {  	s4 =	rddreg [dreg:$0x0]  }
0x2: {  	s2 =	rddreg [dreg:$0x1]  }
0x3: {  	s0 =	rddreg [dreg:$0x2]  }
0x4: {  	s1 =	stileid.u32;
	s5 =	srdreg.scid  }
0x5: {  	s3 =	simm.s32 $0x0;
	s6 =	smul.u32 $0x4E20, s1;
	s8 =	sand.u32 $0x1, s5  }
0x6: {  	[smem:$0x7FF] =	sst s3;
	s24 =	sshll.u32 s1, $0xA;
	s25 =	sshll.u32 s1, $0x5  }
0x7: {  	s29 =	sshll.u32 s1, $0x6;
	s7 =	smul.u32 $0x4E200, s8;
	_ =	strace $0x80000059  }
0x8: {  	s9 =	sadd.s32 s24, s4;
	s10 =	sadd.s32 s25, s4;
	s28 =	ssub.s32 $0x2, s8  }
0x9: {  	s30 =	sshll.u32 s8, $0x9;
	s31 =	sshll.u32 s8, $0x4;
	s11 =	sshrl.u32 s6, $0x3  }
0xa: {  	s12 =	sshrl.u32 s28, $0x1;
	s14 =	sadd.s32 s6, s2;
	s9 =	sadd.s32 s30, s9  }
0xb: {  	s10 =	sadd.s32 s31, s10;
	s26 =	sadd.s32 s6, s7;
	s11 =	sadd.s32 s11, s4  }
0xc: {  	s12 =	ssub.s32 s28, s12;
	s6 =	sor.u32 $0x1C01, s29;
	s9 =	sadd.s32 $0xECC00, s9  }
0xd: {  	s10 =	sadd.s32 $0x10A00, s10;
	s5 =	sshrl.u32 s26, $0x3;
	s8 =	smax.u32 s12, $0x1  }
0xe: {  	s12 =	simm.s32 $0x1;
	s13 =	sadd.s32 s5, s4;
	s4 =	sshll.u32 s1, $0x1  }
0xf: {  	s5 =	sadd.s32 $0xE2E00, s11;
	s11 =	sshrl.u32 s14, $0x3;
	s7 =	sadd.s32 $0x63E00, s13  }
.LBB2_1:
0x10: {  	[spmem:s11], [sflag:s6] =	dma.local [hbm:s5], $0x9C4  }
0x11: {  	_ =	swait.ge [sflag:s12], $0x9C4  }
0x12: {  	s13 =	sadd.s32 $0x0, s4;
	[sflag:s12] =	ssyncset.done $0x0  }
0x13: {  	p0 =	sgt.u32 s13, $0x4E1;
	[sflag:s12] =	ssyncadd.s32 $0xFFFFF63C  }
0x14: {  	s13 =	simm.s32 @!p0 $0x0;
	s15 =	simm.s32 @!p0 $0x2;
	[bflag:$0x0] =	sbarrier.arrive $0xFFFF  }
0x15: {  	[tilespmem:s13], [sflag:$0x2] =	stream.linear.gather @!p0 [hbm4b:s10+s13], $0x80, $0x38;
	[tilespmem:$0x5EA0] =	vst v63  }
0x16: {  	_ =	swait.ge @!p0 [sflag:s15], $0x80  }
0x17: {  	[sflag:s15] =	ssyncset.done @!p0 $0x0;
	p0 =	por p0, p0  }
0x18: {  	[sflag:s15] =	ssyncadd.s32 @!p0 $0xFFFFFF80;
	s17 =	simm.s32 @!p0 $0x80  }
0x19: {  	[tilespmem:s17], [sflag:$0x2] =	stream.linear.gather @!p0 [hbm4b:s9+s13], $0x1000, $0x38;
	[tilespmem:$0x5EA0] =	vst v63  }
0x1a: {  	_ =	swait.ge @!p0 [sflag:s15], $0x1000  }
0x1b: {  	[sflag:s15] =	ssyncset.done @!p0 $0x0  }
0x1c: {  	s31 =	sadd.s32 $0x20, s4;
	s16 =	simm.s32 @!p0 $0x1;
	[sflag:s15] =	ssyncadd.s32 @!p0 $0xFFFFF000  }
0x1d: {  	[spmem:s2] =	stream.indirect.scatter.add.f32 @!p0 [tilespmem:s17], [sflag:$0x1], $0x20, s13, s17, $0xb8;
	[tilespmem:$0x5EA0] =	vst v63  }
0x1e: {  	s14 =	simm.s32 $0x40;
	p1 =	sgt.u32 s31, $0x4E1;
	_ =	swait.ge @!p0 [sflag:s16], $0x1000  }
0x1f: {  	s15 =	sadd.s32 $0x200, s10;
	s13 =	sadd.s32 $0x4000, s9;
	[sflag:s16] =	ssyncset.done @!p0 $0x0  }
.LBB2_2:
0x20: {  	s17 =	simm.s32 @!p1 $0x0;
	s18 =	simm.s32 @!p1 $0x2;
	[sflag:s16] =	ssyncadd.s32 @!p0 $0xFFFFF000  }
0x21: {  	[tilespmem:s17], [sflag:$0x2] =	stream.linear.gather @!p1 [hbm4b:s15+s17], $0x80, $0x38;
	[tilespmem:$0x5EA0] =	vst v63  }
0x22: {  	s19 =	smov.u32 s14;
	s14 =	sadd.s32 $0x20, s14;
	_ =	swait.ge @!p1 [sflag:s18], $0x80  }
0x23: {  	p0 =	por p1, p1;
	p2 =	sne.s32 s14, $0x500;
	[sflag:s18] =	ssyncset.done @!p1 $0x0  }
0x24: {  	s20 =	simm.s32 @!p0 $0x80;
	[sflag:s18] =	ssyncadd.s32 @!p0 $0xFFFFFF80  }
0x25: {  	[tilespmem:s20], [sflag:$0x2] =	stream.linear.gather @!p0 [hbm4b:s13+s17], $0x1000, $0x38;
	[tilespmem:$0x5EA0] =	vst v63  }
0x26: {  	_ =	swait.ge @!p0 [sflag:s18], $0x1000  }
.Ltmp0:
0x27: {  	[sflag:s18] =	ssyncset.done @!p0 $0x0;
	(pc) =	sbr.rel @p2 .LBB2_2-.Ltmp0, $4  }
0x28: {  	s16 =	simm.s32 @!p0 $0x1;
	[sflag:s18] =	ssyncadd.s32 @!p0 $0xFFFFF000  }
0x29: {  	[spmem:s2] =	stream.indirect.scatter.add.f32 @!p0 [tilespmem:s20], [sflag:$0x1], $0x20, s17, s20, $0xb8;
	[tilespmem:$0x5EA0] =	vst v63  }
0x2a: {  	s15 =	sadd.s32 $0x200, s15;
	s17 =	sadd.s32 s19, s4;
	_ =	swait.ge @!p0 [sflag:s16], $0x1000  }
0x2b: {  	s13 =	sadd.s32 $0x4000, s13;
	p1 =	sgt.u32 s17, $0x4E1;
	[sflag:s16] =	ssyncset.done @!p0 $0x0  }
0x2c: {  	s14 =	simm.s32 @!p1 $0x0;
	s17 =	simm.s32 @!p1 $0x2;
	[sflag:s16] =	ssyncadd.s32 @!p0 $0xFFFFF000  }
0x2d: {  	[tilespmem:s14], [sflag:$0x2] =	stream.linear.gather @!p1 [hbm4b:s15+s14], $0x80, $0x38;
	[tilespmem:$0x5EA0] =	vst v63  }
0x2e: {  	_ =	swait.ge @!p1 [sflag:s17], $0x80  }
0x2f: {  	p0 =	por p1, p1;
	[sflag:s17] =	ssyncset.done @!p1 $0x0  }
0x30: {  	s15 =	simm.s32 @!p0 $0x80;
	[sflag:s17] =	ssyncadd.s32 @!p0 $0xFFFFFF80  }
0x31: {  	[tilespmem:s15], [sflag:$0x2] =	stream.linear.gather @!p0 [hbm4b:s13+s14], $0x1000, $0x38;
	[tilespmem:$0x5EA0] =	vst v63  }
0x32: {  	_ =	swait.ge @!p0 [sflag:s17], $0x1000  }
0x33: {  	[sflag:s17] =	ssyncset.done @!p0 $0x0  }
0x34: {  	s13 =	simm.s32 @!p0 $0x1;
	[sflag:s17] =	ssyncadd.s32 @!p0 $0xFFFFF000  }
0x35: {  	[spmem:s2] =	stream.indirect.scatter.add.f32 @!p0 [tilespmem:s15], [sflag:$0x1], $0x20, s14, s15, $0xb8;
	[tilespmem:$0x5EA0] =	vst v63  }
0x36: {  	_ =	swait.ge @!p0 [sflag:s13], $0x1000  }
0x37: {  	s3 =	sadd.s32 $0x1, s3;
	[sflag:s13] =	ssyncset.done @!p0 $0x0  }
0x38: {  	[sflag:s13] =	ssyncadd.s32 @!p0 $0xFFFFF000;
	p0 =	sne.s32 s3, s8  }
.Ltmp1:
0x39: {  	[bflag:$0x0] =	sbarrier.arrive $0xFFFF;
	(pc) =	sbr.rel @p0 .LBB2_1-.Ltmp1, $4  }
0x3a: {  	[hbm:s7], [sflag:s6] =	dma.local [spmem:s11], $0x9C4  }
0x3b: {  	_ =	swait.ge [sflag:s12], $0x9C4  }
0x3c: {  	[sflag:s12] =	ssyncset.done $0x0  }
0x3d: {  	[sflag:s12] =	ssyncadd.s32 $0xFFFFF63C  }
0x3e: {  	_ =	sfence.sel $0x180000  }
0x3f: {  	[bflag:$0x0] =	sbarrier.arrive $0xFFFF  }
0x40: {  	p0 =	sne.s32 s1, $0x0;
	_ =	strace $0x90000059  }
0x41: {  	s0 =	sadd.s32 @!p0 $0x100000, s0;
	[bflag:$0x2] =	sbarrier.arrive $0xFFFF  }
0x42: {  	[sflag:s0] =	ssyncadd.tile.s32 @!p0 $0x1;
	_ =	shalt  }
.Lfunc_end2:
_tile_overlayer_lowered:
.L_overlay_start_2:
0x43: {  	(tag) =	ssettag $0x2  }
0x44: {  	s0 =	rddreg [dreg:$0x0];
	s2 =	stileid.u32  }
0x45: {  	s1 =	rddreg [dreg:$0x1];
	p0 =	sne.s32 s2, $0x0  }
0x46: {  	s3 =	rddreg [dreg:$0x2];
	[bflag:$0x3] =	sbarrier.arrive $0xFFFF;
	s2 =	simm.s32 @!p0 $0x1C01  }
0x47: {  	[timem:s3], [sflag:s2] =	dma.local @!p0 [hbm:s0], s1  }
0x48: {  	s0 =	simm.s32 @!p0 $0x1  }
0x49: {  	_ =	swait.ge @!p0 [sflag:s0], s1  }
0x4a: {  	s1 =	ssub.s32 @!p0 $0x0, s1;
	[sflag:s0] =	ssyncset.done @!p0 $0x0  }
0x4b: {  	[sflag:s0] =	ssyncadd.s32 @!p0 s1  }
0x4c: {  	[bflag:$0x3] =	sbarrier.arrive $0xFFFF  }
0x4d: {  	_ =	shalt  }

</sc_bundles>
